<compile_context>
chip_gen: v7x
topology: tpu7x:2x2x1
jax: 0.10.2.dev20260603
libtpu: 0.0.44.dev20260713+nightly
codegen_flags: <defaults>
</compile_context>

<pallas_src>
import functools

import jax
import jax.numpy as jnp
from jax import lax
from jax.experimental import pallas as pl
from jax.experimental.pallas import tpu as pltpu
from jax.experimental.pallas import tpu_sc as plsc

MAXV = 100000
NCH = 26
DIM = 16
LANES = 16
CHUNK = 128
NW = 32
NBUF = 4
AHEAD = 2


def _bow_kernel(B):
    nb = B // NW
    nsub = nb // CHUNK

    mesh = plsc.VectorSubcoreMesh(core_axis_name="c", subcore_axis_name="s")

    @functools.partial(
        pl.kernel,
        mesh=mesh,
        out_type=jax.ShapeDtypeStruct((B, NCH * DIM), jnp.float32),
        compiler_params=pltpu.CompilerParams(use_tc_tiling_on_sc=False),
        scratch_types=[
            pltpu.VMEM((NCH * nsub, CHUNK), jnp.int32),
            pltpu.VMEM((NBUF, nb, DIM), jnp.float32),
            pltpu.SemaphoreType.DMA,
            pltpu.SemaphoreType.DMA,
            pltpu.SemaphoreType.DMA,
        ],
    )
    def k(idx_hbm, table_hbm, out_hbm, idx_v, rows_v, isem, gsem, wsem):
        wid = lax.axis_index("s") * 2 + lax.axis_index("c")
        base = wid * nb

        for ch in range(NCH):
            pltpu.async_copy(
                idx_hbm.at[ch, pl.ds(wid * nsub, nsub)],
                idx_v.at[pl.ds(ch * nsub, nsub)],
                isem,
            )
        for ch in range(NCH):
            pltpu.make_async_copy(
                idx_hbm.at[ch, pl.ds(wid * nsub, nsub)],
                idx_v.at[pl.ds(ch * nsub, nsub)],
                isem,
            ).wait()

        def add_offsets(ch):
            off = ch * MAXV
            for j in range(nsub):
                for g in range(CHUNK // LANES):
                    sl = pl.ds(g * LANES, LANES)
                    idx_v[ch * nsub + j, sl] = idx_v[ch * nsub + j, sl] + off

        def fire_gathers(ch, buf):
            for j in range(nsub):
                pltpu.async_copy(
                    table_hbm.at[idx_v.at[ch * nsub + j]],
                    rows_v.at[buf, pl.ds(j * CHUNK, CHUNK)],
                    gsem,
                )

        def wait_gathers(ch, buf):
            for j in range(nsub):
                pltpu.make_async_copy(
                    table_hbm.at[idx_v.at[ch * nsub + j]],
                    rows_v.at[buf, pl.ds(j * CHUNK, CHUNK)],
                    gsem,
                ).wait()

        def out_slice(ch):
            return out_hbm.at[pl.ds(base, nb), pl.ds(ch * DIM, DIM)]

        for p in range(AHEAD):
            add_offsets(p)
            fire_gathers(p, p % NBUF)

        def body(c, _):
            buf = lax.rem(c, NBUF)

            @pl.when(c >= AHEAD)
            def _():
                pltpu.make_async_copy(
                    rows_v.at[lax.rem(c - AHEAD, NBUF)],
                    out_slice(c - AHEAD),
                    wsem,
                ).wait()

            @pl.when(c + AHEAD < NCH)
            def _():
                nxt = c + AHEAD
                off = nxt * MAXV
                for j in range(nsub):
                    for g in range(CHUNK // LANES):
                        sl = pl.ds(g * LANES, LANES)
                        row = nxt * nsub + j
                        idx_v[row, sl] = idx_v[row, sl] + off
                for j in range(nsub):
                    pltpu.async_copy(
                        table_hbm.at[idx_v.at[nxt * nsub + j]],
                        rows_v.at[lax.rem(nxt, NBUF), pl.ds(j * CHUNK, CHUNK)],
                        gsem,
                    )

            wait_gathers(c, buf)
            pltpu.async_copy(rows_v.at[buf], out_slice(c), wsem)
            return 0

        lax.fori_loop(0, NCH, body, 0)

        for c in range(NCH - AHEAD, NCH):
            pltpu.make_async_copy(
                rows_v.at[c % NBUF], out_slice(c), wsem
            ).wait()

    return k


def kernel(inputs, table):
    orig_shape = inputs.shape
    flat = inputs.reshape(-1, orig_shape[-1])
    B = flat.shape[0]
    idx_t = flat.astype(jnp.int32).T.reshape(NCH, B // CHUNK, CHUNK)
    out = _bow_kernel(B)(idx_t, table)
    return out.reshape(orig_shape[:-1] + (NCH * DIM,))

# --- scband reference (transcript-rebuilt; emitter-appended) ---
"""Pipeline reference for scband-bowembedding-57243324121535 (READ-ONLY COPY).

The authoritative reference and input builder live on the scoring server;
editing this copy changes nothing except your own understanding.
"""

import jax, jax.numpy as jnp
import numpy as np

MAX_VALUE = 100000
N_CHANNELS = 26
EMBED_DIM = 16
BATCH = 16384

def setup_inputs(seed: int = 0) -> dict:
    key = jax.random.key(seed)
    k1, k2 = jax.random.split(key)
    inputs = jax.random.randint(k1, (BATCH, N_CHANNELS), 0, MAX_VALUE, dtype=jnp.int64 if jax.config.jax_enable_x64 else jnp.int32)
    table = jax.random.normal(k2, (N_CHANNELS * MAX_VALUE, EMBED_DIM), dtype=jnp.float32)
    return {"inputs": inputs, "table": table}

def reference(inputs, table):
    # flatten all leading dims except the channel dim
    flat_inputs = inputs.reshape(-1, inputs.shape[-1])  # [B, C]
    offsets = jnp.arange(N_CHANNELS, dtype=flat_inputs.dtype) * MAX_VALUE  # [C]
    offsetted = flat_inputs + offsets[None, :]  # [B, C]
    each_embedding = jnp.take(table, offsetted, axis=0)  # [B, C, D]
    each_embedding_flat = each_embedding.reshape(flat_inputs.shape[0], N_CHANNELS * EMBED_DIM)  # [B, C*D]
    out_shape = inputs.shape[:-1] + (N_CHANNELS * EMBED_DIM,)
    return each_embedding_flat.reshape(out_shape)

if __name__ == "__main__":
    import jax
    _d = setup_inputs()
    print(jax.jit(kernel)(*tuple(_d.values())))

</pallas_src>

<mosaic_0001>
#map = affine_map<(d0, d1) -> (0, 0, 0)>
#map1 = affine_map<(d0, d1) -> (0, 0)>
module attributes {stable_mosaic.version = 14 : i64} {
  func.func @k(%arg0: i32, %arg1: i32, %arg2: memref<26x128x128xi32, #tpu.memory_space<hbm>>, %arg3: memref<2600000x16xf32, #tpu.memory_space<hbm>>, %arg4: memref<16384x416xf32, #tpu.memory_space<hbm>>, %arg5: memref<104x128xi32, #tpu.memory_space<vmem>>, %arg6: memref<4x512x16xf32, #tpu.memory_space<vmem>>, %arg7: memref<!tpu.dma_semaphore, #tpu.memory_space<semaphore_mem>>, %arg8: memref<!tpu.dma_semaphore, #tpu.memory_space<semaphore_mem>>, %arg9: memref<!tpu.dma_semaphore, #tpu.memory_space<semaphore_mem>>) attributes {dimension_semantics = [#tpu.dimension_semantics<core_parallel>, #tpu.dimension_semantics<subcore_parallel>], iteration_bounds = array<i64: 2, 16>, scalar_prefetch = 0 : i64, scratch_operands = 5 : i64, tpu.core_type = #tpu.core_type<sc_vector_subcore>, window_params = [{transform_indices = #map}, {transform_indices = #map1}, {transform_indices = #map1}]} {
    %mul3A = arith.constant 2 : i32
    %mul3A_0 = arith.muli %arg1, %mul3A : i32
    %add3A = arith.addi %mul3A_0, %arg0 : i32
    %mul3A_1 = arith.constant 512 : i32
    %mul3A_2 = arith.muli %add3A, %mul3A_1 : i32
    %mul3A_3 = arith.constant 4 : i32
    %mul3A_4 = arith.muli %add3A, %mul3A_3 : i32
    %dma_start3A = arith.constant 0 : i32
    %dma_start3A_5 = arith.constant 0 : i32
    %dma_start3A_6 = arith.constant 0 : i32
    %dma_start3A_7 = tpu.memref_slice %arg5[%dma_start3A_5, %dma_start3A_6] : memref<104x128xi32, #tpu.memory_space<vmem>> -> memref<4x128xi32, #tpu.memory_space<vmem>>
    %dma_start3A_8 = arith.constant 0 : i32
    %dma_start3A_9 = tpu.memref_slice %arg2[%dma_start3A, %mul3A_4, %dma_start3A_8] : memref<26x128x128xi32, #tpu.memory_space<hbm>> -> memref<1x4x128xi32, #tpu.memory_space<hbm>>
    %dma_start3A_10 = tpu.memref_squeeze %dma_start3A_9 : memref<1x4x128xi32, #tpu.memory_space<hbm>> -> memref<4x128xi32, #tpu.memory_space<hbm>>
    %dma_start3A_11 = arith.constant 0 : i32
    %dma_start3A_12 = arith.constant 0 : i32
    %dma_start3A_13 = tpu.memref_slice %arg5[%dma_start3A_11, %dma_start3A_12] : memref<104x128xi32, #tpu.memory_space<vmem>> -> memref<4x128xi32, #tpu.memory_space<vmem>>
    %dma_start3A_14 = arith.constant 0 : i32
    %dma_start3A_15 = tpu.memref_slice %arg2[%dma_start3A, %mul3A_4, %dma_start3A_14] : memref<26x128x128xi32, #tpu.memory_space<hbm>> -> memref<1x4x128xi32, #tpu.memory_space<hbm>>
    %dma_start3A_16 = tpu.memref_squeeze %dma_start3A_15 : memref<1x4x128xi32, #tpu.memory_space<hbm>> -> memref<4x128xi32, #tpu.memory_space<hbm>>
    tpu.enqueue_dma source(%dma_start3A_16 : memref<4x128xi32, #tpu.memory_space<hbm>>) target(%dma_start3A_13 : memref<4x128xi32, #tpu.memory_space<vmem>>) target_semaphore(%arg7 : memref<!tpu.dma_semaphore, #tpu.memory_space<semaphore_mem>>)
    %mul3A_17 = arith.constant 4 : i32
    %mul3A_18 = arith.muli %add3A, %mul3A_17 : i32
    %dma_start3A_19 = arith.constant 1 : i32
    %dma_start3A_20 = arith.constant 4 : i32
    %dma_start3A_21 = arith.constant 0 : i32
    %dma_start3A_22 = tpu.memref_slice %arg5[%dma_start3A_20, %dma_start3A_21] : memref<104x128xi32, #tpu.memory_space<vmem>> -> memref<4x128xi32, #tpu.memory_space<vmem>>
    %dma_start3A_23 = arith.constant 0 : i32
    %dma_start3A_24 = tpu.memref_slice %arg2[%dma_start3A_19, %mul3A_18, %dma_start3A_23] : memref<26x128x128xi32, #tpu.memory_space<hbm>> -> memref<1x4x128xi32, #tpu.memory_space<hbm>>
    %dma_start3A_25 = tpu.memref_squeeze %dma_start3A_24 : memref<1x4x128xi32, #tpu.memory_space<hbm>> -> memref<4x128xi32, #tpu.memory_space<hbm>>
    %dma_start3A_26 = arith.constant 4 : i32
    %dma_start3A_27 = arith.constant 0 : i32
    %dma_start3A_28 = tpu.memref_slice %arg5[%dma_start3A_26, %dma_start3A_27] : memref<104x128xi32, #tpu.memory_space<vmem>> -> memref<4x128xi32, #tpu.memory_space<vmem>>
    %dma_start3A_29 = arith.constant 0 : i32
    %dma_start3A_30 = tpu.memref_slice %arg2[%dma_start3A_19, %mul3A_18, %dma_start3A_29] : memref<26x128x128xi32, #tpu.memory_space<hbm>> -> memref<1x4x128xi32, #tpu.memory_space<hbm>>
    %dma_start3A_31 = tpu.memref_squeeze %dma_start3A_30 : memref<1x4x128xi32, #tpu.memory_space<hbm>> -> memref<4x128xi32, #tpu.memory_space<hbm>>
    tpu.enqueue_dma source(%dma_start3A_31 : memref<4x128xi32, #tpu.memory_space<hbm>>) target(%dma_start3A_28 : memref<4x128xi32, #tpu.memory_space<vmem>>) target_semaphore(%arg7 : memref<!tpu.dma_semaphore, #tpu.memory_space<semaphore_mem>>)
    %mul3A_32 = arith.constant 4 : i32
    %mul3A_33 = arith.muli %add3A, %mul3A_32 : i32
    %dma_start3A_34 = arith.constant 2 : i32
    %dma_start3A_35 = arith.constant 8 : i32
    %dma_start3A_36 = arith.constant 0 : i32
    %dma_start3A_37 = tpu.memref_slice %arg5[%dma_start3A_35, %dma_start3A_36] : memref<104x128xi32, #tpu.memory_space<vmem>> -> memref<4x128xi32, #tpu.memory_space<vmem>>
    %dma_start3A_38 = arith.constant 0 : i32
    %dma_start3A_39 = tpu.memref_slice %arg2[%dma_start3A_34, %mul3A_33, %dma_start3A_38] : memref<26x128x128xi32, #tpu.memory_space<hbm>> -> memref<1x4x128xi32, #tpu.memory_space<hbm>>
    %dma_start3A_40 = tpu.memref_squeeze %dma_start3A_39 : memref<1x4x128xi32, #tpu.memory_space<hbm>> -> memref<4x128xi32, #tpu.memory_space<hbm>>
    %dma_start3A_41 = arith.constant 8 : i32
    %dma_start3A_42 = arith.constant 0 : i32
    %dma_start3A_43 = tpu.memref_slice %arg5[%dma_start3A_41, %dma_start3A_42] : memref<104x128xi32, #tpu.memory_space<vmem>> -> memref<4x128xi32, #tpu.memory_space<vmem>>
    %dma_start3A_44 = arith.constant 0 : i32
    %dma_start3A_45 = tpu.memref_slice %arg2[%dma_start3A_34, %mul3A_33, %dma_start3A_44] : memref<26x128x128xi32, #tpu.memory_space<hbm>> -> memref<1x4x128xi32, #tpu.memory_space<hbm>>
    %dma_start3A_46 = tpu.memref_squeeze %dma_start3A_45 : memref<1x4x128xi32, #tpu.memory_space<hbm>> -> memref<4x128xi32, #tpu.memory_space<hbm>>
    tpu.enqueue_dma source(%dma_start3A_46 : memref<4x128xi32, #tpu.memory_space<hbm>>) target(%dma_start3A_43 : memref<4x128xi32, #tpu.memory_space<vmem>>) target_semaphore(%arg7 : memref<!tpu.dma_semaphore, #tpu.memory_space<semaphore_mem>>)
    %mul3A_47 = arith.constant 4 : i32
    %mul3A_48 = arith.muli %add3A, %mul3A_47 : i32
    %dma_start3A_49 = arith.constant 3 : i32
    %dma_start3A_50 = arith.constant 12 : i32
    %dma_start3A_51 = arith.constant 0 : i32
    %dma_start3A_52 = tpu.memref_slice %arg5[%dma_start3A_50, %dma_start3A_51] : memref<104x128xi32, #tpu.memory_space<vmem>> -> memref<4x128xi32, #tpu.memory_space<vmem>>
    %dma_start3A_53 = arith.constant 0 : i32
    %dma_start3A_54 = tpu.memref_slice %arg2[%dma_start3A_49, %mul3A_48, %dma_start3A_53] : memref<26x128x128xi32, #tpu.memory_space<hbm>> -> memref<1x4x128xi32, #tpu.memory_space<hbm>>
    %dma_start3A_55 = tpu.memref_squeeze %dma_start3A_54 : memref<1x4x128xi32, #tpu.memory_space<hbm>> -> memref<4x128xi32, #tpu.memory_space<hbm>>
    %dma_start3A_56 = arith.constant 12 : i32
    %dma_start3A_57 = arith.constant 0 : i32
    %dma_start3A_58 = tpu.memref_slice %arg5[%dma_start3A_56, %dma_start3A_57] : memref<104x128xi32, #tpu.memory_space<vmem>> -> memref<4x128xi32, #tpu.memory_space<vmem>>
    %dma_start3A_59 = arith.constant 0 : i32
    %dma_start3A_60 = tpu.memref_slice %arg2[%dma_start3A_49, %mul3A_48, %dma_start3A_59] : memref<26x128x128xi32, #tpu.memory_space<hbm>> -> memref<1x4x128xi32, #tpu.memory_space<hbm>>
    %dma_start3A_61 = tpu.memref_squeeze %dma_start3A_60 : memref<1x4x128xi32, #tpu.memory_space<hbm>> -> memref<4x128xi32, #tpu.memory_space<hbm>>
    tpu.enqueue_dma source(%dma_start3A_61 : memref<4x128xi32, #tpu.memory_space<hbm>>) target(%dma_start3A_58 : memref<4x128xi32, #tpu.memory_space<vmem>>) target_semaphore(%arg7 : memref<!tpu.dma_semaphore, #tpu.memory_space<semaphore_mem>>)
    %mul3A_62 = arith.constant 4 : i32
    %mul3A_63 = arith.muli %add3A, %mul3A_62 : i32
    %dma_start3A_64 = arith.constant 4 : i32
    %dma_start3A_65 = arith.constant 16 : i32
    %dma_start3A_66 = arith.constant 0 : i32
    %dma_start3A_67 = tpu.memref_slice %arg5[%dma_start3A_65, %dma_start3A_66] : memref<104x128xi32, #tpu.memory_space<vmem>> -> memref<4x128xi32, #tpu.memory_space<vmem>>
    %dma_start3A_68 = arith.constant 0 : i32
    %dma_start3A_69 = tpu.memref_slice %arg2[%dma_start3A_64, %mul3A_63, %dma_start3A_68] : memref<26x128x128xi32, #tpu.memory_space<hbm>> -> memref<1x4x128xi32, #tpu.memory_space<hbm>>
    %dma_start3A_70 = tpu.memref_squeeze %dma_start3A_69 : memref<1x4x128xi32, #tpu.memory_space<hbm>> -> memref<4x128xi32, #tpu.memory_space<hbm>>
    %dma_start3A_71 = arith.constant 16 : i32
    %dma_start3A_72 = arith.constant 0 : i32
    %dma_start3A_73 = tpu.memref_slice %arg5[%dma_start3A_71, %dma_start3A_72] : memref<104x128xi32, #tpu.memory_space<vmem>> -> memref<4x128xi32, #tpu.memory_space<vmem>>
    %dma_start3A_74 = arith.constant 0 : i32
    %dma_start3A_75 = tpu.memref_slice %arg2[%dma_start3A_64, %mul3A_63, %dma_start3A_74] : memref<26x128x128xi32, #tpu.memory_space<hbm>> -> memref<1x4x128xi32, #tpu.memory_space<hbm>>
    %dma_start3A_76 = tpu.memref_squeeze %dma_start3A_75 : memref<1x4x128xi32, #tpu.memory_space<hbm>> -> memref<4x128xi32, #tpu.memory_space<hbm>>
    tpu.enqueue_dma source(%dma_start3A_76 : memref<4x128xi32, #tpu.memory_space<hbm>>) target(%dma_start3A_73 : memref<4x128xi32, #tpu.memory_space<vmem>>) target_semaphore(%arg7 : memref<!tpu.dma_semaphore, #tpu.memory_space<semaphore_mem>>)
    %mul3A_77 = arith.constant 4 : i32
    %mul3A_78 = arith.muli %add3A, %mul3A_77 : i32
    %dma_start3A_79 = arith.constant 5 : i32
    %dma_start3A_80 = arith.constant 20 : i32
    %dma_start3A_81 = arith.constant 0 : i32
    %dma_start3A_82 = tpu.memref_slice %arg5[%dma_start3A_80, %dma_start3A_81] : memref<104x128xi32, #tpu.memory_space<vmem>> -> memref<4x128xi32, #tpu.memory_space<vmem>>
    %dma_start3A_83 = arith.constant 0 : i32
    %dma_start3A_84 = tpu.memref_slice %arg2[%dma_start3A_79, %mul3A_78, %dma_start3A_83] : memref<26x128x128xi32, #tpu.memory_space<hbm>> -> memref<1x4x128xi32, #tpu.memory_space<hbm>>
    %dma_start3A_85 = tpu.memref_squeeze %dma_start3A_84 : memref<1x4x128xi32, #tpu.memory_space<hbm>> -> memref<4x128xi32, #tpu.memory_space<hbm>>
    %dma_start3A_86 = arith.constant 20 : i32
    %dma_start3A_87 = arith.constant 0 : i32
    %dma_start3A_88 = tpu.memref_slice %arg5[%dma_start3A_86, %dma_start3A_87] : memref<104x128xi32, #tpu.memory_space<vmem>> -> memref<4x128xi32, #tpu.memory_space<vmem>>
    %dma_start3A_89 = arith.constant 0 : i32
    %dma_start3A_90 = tpu.memref_slice %arg2[%dma_start3A_79, %mul3A_78, %dma_start3A_89] : memref<26x128x128xi32, #tpu.memory_space<hbm>> -> memref<1x4x128xi32, #tpu.memory_space<hbm>>
    %dma_start3A_91 = tpu.memref_squeeze %dma_start3A_90 : memref<1x4x128xi32, #tpu.memory_space<hbm>> -> memref<4x128xi32, #tpu.memory_space<hbm>>
    tpu.enqueue_dma source(%dma_start3A_91 : memref<4x128xi32, #tpu.memory_space<hbm>>) target(%dma_start3A_88 : memref<4x128xi32, #tpu.memory_space<vmem>>) target_semaphore(%arg7 : memref<!tpu.dma_semaphore, #tpu.memory_space<semaphore_mem>>)
    %mul3A_92 = arith.constant 4 : i32
    %mul3A_93 = arith.muli %add3A, %mul3A_92 : i32
    %dma_start3A_94 = arith.constant 6 : i32
    %dma_start3A_95 = arith.constant 24 : i32
    %dma_start3A_96 = arith.constant 0 : i32
    %dma_start3A_97 = tpu.memref_slice %arg5[%dma_start3A_95, %dma_start3A_96] : memref<104x128xi32, #tpu.memory_space<vmem>> -> memref<4x128xi32, #tpu.memory_space<vmem>>
    %dma_start3A_98 = arith.constant 0 : i32
    %dma_start3A_99 = tpu.memref_slice %arg2[%dma_start3A_94, %mul3A_93, %dma_start3A_98] : memref<26x128x128xi32, #tpu.memory_space<hbm>> -> memref<1x4x128xi32, #tpu.memory_space<hbm>>
    %dma_start3A_100 = tpu.memref_squeeze %dma_start3A_99 : memref<1x4x128xi32, #tpu.memory_space<hbm>> -> memref<4x128xi32, #tpu.memory_space<hbm>>
    %dma_start3A_101 = arith.constant 24 : i32
    %dma_start3A_102 = arith.constant 0 : i32
    %dma_start3A_103 = tpu.memref_slice %arg5[%dma_start3A_101, %dma_start3A_102] : memref<104x128xi32, #tpu.memory_space<vmem>> -> memref<4x128xi32, #tpu.memory_space<vmem>>
    %dma_start3A_104 = arith.constant 0 : i32
    %dma_start3A_105 = tpu.memref_slice %arg2[%dma_start3A_94, %mul3A_93, %dma_start3A_104] : memref<26x128x128xi32, #tpu.memory_space<hbm>> -> memref<1x4x128xi32, #tpu.memory_space<hbm>>
    %dma_start3A_106 = tpu.memref_squeeze %dma_start3A_105 : memref<1x4x128xi32, #tpu.memory_space<hbm>> -> memref<4x128xi32, #tpu.memory_space<hbm>>
    tpu.enqueue_dma source(%dma_start3A_106 : memref<4x128xi32, #tpu.memory_space<hbm>>) target(%dma_start3A_103 : memref<4x128xi32, #tpu.memory_space<vmem>>) target_semaphore(%arg7 : memref<!tpu.dma_semaphore, #tpu.memory_space<semaphore_mem>>)
    %mul3A_107 = arith.constant 4 : i32
    %mul3A_108 = arith.muli %add3A, %mul3A_107 : i32
    %dma_start3A_109 = arith.constant 7 : i32
    %dma_start3A_110 = arith.constant 28 : i32
    %dma_start3A_111 = arith.constant 0 : i32
    %dma_start3A_112 = tpu.memref_slice %arg5[%dma_start3A_110, %dma_start3A_111] : memref<104x128xi32, #tpu.memory_space<vmem>> -> memref<4x128xi32, #tpu.memory_space<vmem>>
    %dma_start3A_113 = arith.constant 0 : i32
    %dma_start3A_114 = tpu.memref_slice %arg2[%dma_start3A_109, %mul3A_108, %dma_start3A_113] : memref<26x128x128xi32, #tpu.memory_space<hbm>> -> memref<1x4x128xi32, #tpu.memory_space<hbm>>
    %dma_start3A_115 = tpu.memref_squeeze %dma_start3A_114 : memref<1x4x128xi32, #tpu.memory_space<hbm>> -> memref<4x128xi32, #tpu.memory_space<hbm>>
    %dma_start3A_116 = arith.constant 28 : i32
    %dma_start3A_117 = arith.constant 0 : i32
    %dma_start3A_118 = tpu.memref_slice %arg5[%dma_start3A_116, %dma_start3A_117] : memref<104x128xi32, #tpu.memory_space<vmem>> -> memref<4x128xi32, #tpu.memory_space<vmem>>
    %dma_start3A_119 = arith.constant 0 : i32
    %dma_start3A_120 = tpu.memref_slice %arg2[%dma_start3A_109, %mul3A_108, %dma_start3A_119] : memref<26x128x128xi32, #tpu.memory_space<hbm>> -> memref<1x4x128xi32, #tpu.memory_space<hbm>>
    %dma_start3A_121 = tpu.memref_squeeze %dma_start3A_120 : memref<1x4x128xi32, #tpu.memory_space<hbm>> -> memref<4x128xi32, #tpu.memory_space<hbm>>
    tpu.enqueue_dma source(%dma_start3A_121 : memref<4x128xi32, #tpu.memory_space<hbm>>) target(%dma_start3A_118 : memref<4x128xi32, #tpu.memory_space<vmem>>) target_semaphore(%arg7 : memref<!tpu.dma_semaphore, #tpu.memory_space<semaphore_mem>>)
    %mul3A_122 = arith.constant 4 : i32
    %mul3A_123 = arith.muli %add3A, %mul3A_122 : i32
    %dma_start3A_124 = arith.constant 8 : i32
    %dma_start3A_125 = arith.constant 32 : i32
    %dma_start3A_126 = arith.constant 0 : i32
    %dma_start3A_127 = tpu.memref_slice %arg5[%dma_start3A_125, %dma_start3A_126] : memref<104x128xi32, #tpu.memory_space<vmem>> -> memref<4x128xi32, #tpu.memory_space<vmem>>
    %dma_start3A_128 = arith.constant 0 : i32
    %dma_start3A_129 = tpu.memref_slice %arg2[%dma_start3A_124, %mul3A_123, %dma_start3A_128] : memref<26x128x128xi32, #tpu.memory_space<hbm>> -> memref<1x4x128xi32, #tpu.memory_space<hbm>>
    %dma_start3A_130 = tpu.memref_squeeze %dma_start3A_129 : memref<1x4x128xi32, #tpu.memory_space<hbm>> -> memref<4x128xi32, #tpu.memory_space<hbm>>
    %dma_start3A_131 = arith.constant 32 : i32
    %dma_start3A_132 = arith.constant 0 : i32
    %dma_start3A_133 = tpu.memref_slice %arg5[%dma_start3A_131, %dma_start3A_132] : memref<104x128xi32, #tpu.memory_space<vmem>> -> memref<4x128xi32, #tpu.memory_space<vmem>>
    %dma_start3A_134 = arith.constant 0 : i32
    %dma_start3A_135 = tpu.memref_slice %arg2[%dma_start3A_124, %mul3A_123, %dma_start3A_134] : memref<26x128x128xi32, #tpu.memory_space<hbm>> -> memref<1x4x128xi32, #tpu.memory_space<hbm>>
    %dma_start3A_136 = tpu.memref_squeeze %dma_start3A_135 : memref<1x4x128xi32, #tpu.memory_space<hbm>> -> memref<4x128xi32, #tpu.memory_space<hbm>>
    tpu.enqueue_dma source(%dma_start3A_136 : memref<4x128xi32, #tpu.memory_space<hbm>>) target(%dma_start3A_133 : memref<4x128xi32, #tpu.memory_space<vmem>>) target_semaphore(%arg7 : memref<!tpu.dma_semaphore, #tpu.memory_space<semaphore_mem>>)
    %mul3A_137 = arith.constant 4 : i32
    %mul3A_138 = arith.muli %add3A, %mul3A_137 : i32
    %dma_start3A_139 = arith.constant 9 : i32
    %dma_start3A_140 = arith.constant 36 : i32
    %dma_start3A_141 = arith.constant 0 : i32
    %dma_start3A_142 = tpu.memref_slice %arg5[%dma_start3A_140, %dma_start3A_141] : memref<104x128xi32, #tpu.memory_space<vmem>> -> memref<4x128xi32, #tpu.memory_space<vmem>>
    %dma_start3A_143 = arith.constant 0 : i32
    %dma_start3A_144 = tpu.memref_slice %arg2[%dma_start3A_139, %mul3A_138, %dma_start3A_143] : memref<26x128x128xi32, #tpu.memory_space<hbm>> -> memref<1x4x128xi32, #tpu.memory_space<hbm>>
    %dma_start3A_145 = tpu.memref_squeeze %dma_start3A_144 : memref<1x4x128xi32, #tpu.memory_space<hbm>> -> memref<4x128xi32, #tpu.memory_space<hbm>>
    %dma_start3A_146 = arith.constant 36 : i32
    %dma_start3A_147 = arith.constant 0 : i32
    %dma_start3A_148 = tpu.memref_slice %arg5[%dma_start3A_146, %dma_start3A_147] : memref<104x128xi32, #tpu.memory_space<vmem>> -> memref<4x128xi32, #tpu.memory_space<vmem>>
    %dma_start3A_149 = arith.constant 0 : i32
    %dma_start3A_150 = tpu.memref_slice %arg2[%dma_start3A_139, %mul3A_138, %dma_start3A_149] : memref<26x128x128xi32, #tpu.memory_space<hbm>> -> memref<1x4x128xi32, #tpu.memory_space<hbm>>
    %dma_start3A_151 = tpu.memref_squeeze %dma_start3A_150 : memref<1x4x128xi32, #tpu.memory_space<hbm>> -> memref<4x128xi32, #tpu.memory_space<hbm>>
    tpu.enqueue_dma source(%dma_start3A_151 : memref<4x128xi32, #tpu.memory_space<hbm>>) target(%dma_start3A_148 : memref<4x128xi32, #tpu.memory_space<vmem>>) target_semaphore(%arg7 : memref<!tpu.dma_semaphore, #tpu.memory_space<semaphore_mem>>)
    %mul3A_152 = arith.constant 4 : i32
    %mul3A_153 = arith.muli %add3A, %mul3A_152 : i32
    %dma_start3A_154 = arith.constant 10 : i32
    %dma_start3A_155 = arith.constant 40 : i32
    %dma_start3A_156 = arith.constant 0 : i32
    %dma_start3A_157 = tpu.memref_slice %arg5[%dma_start3A_155, %dma_start3A_156] : memref<104x128xi32, #tpu.memory_space<vmem>> -> memref<4x128xi32, #tpu.memory_space<vmem>>
    %dma_start3A_158 = arith.constant 0 : i32
    %dma_start3A_159 = tpu.memref_slice %arg2[%dma_start3A_154, %mul3A_153, %dma_start3A_158] : memref<26x128x128xi32, #tpu.memory_space<hbm>> -> memref<1x4x128xi32, #tpu.memory_space<hbm>>
    %dma_start3A_160 = tpu.memref_squeeze %dma_start3A_159 : memref<1x4x128xi32, #tpu.memory_space<hbm>> -> memref<4x128xi32, #tpu.memory_space<hbm>>
    %dma_start3A_161 = arith.constant 40 : i32
    %dma_start3A_162 = arith.constant 0 : i32
    %dma_start3A_163 = tpu.memref_slice %arg5[%dma_start3A_161, %dma_start3A_162] : memref<104x128xi32, #tpu.memory_space<vmem>> -> memref<4x128xi32, #tpu.memory_space<vmem>>
    %dma_start3A_164 = arith.constant 0 : i32
    %dma_start3A_165 = tpu.memref_slice %arg2[%dma_start3A_154, %mul3A_153, %dma_start3A_164] : memref<26x128x128xi32, #tpu.memory_space<hbm>> -> memref<1x4x128xi32, #tpu.memory_space<hbm>>
    %dma_start3A_166 = tpu.memref_squeeze %dma_start3A_165 : memref<1x4x128xi32, #tpu.memory_space<hbm>> -> memref<4x128xi32, #tpu.memory_space<hbm>>
    tpu.enqueue_dma source(%dma_start3A_166 : memref<4x128xi32, #tpu.memory_space<hbm>>) target(%dma_start3A_163 : memref<4x128xi32, #tpu.memory_space<vmem>>) target_semaphore(%arg7 : memref<!tpu.dma_semaphore, #tpu.memory_space<semaphore_mem>>)
    %mul3A_167 = arith.constant 4 : i32
    %mul3A_168 = arith.muli %add3A, %mul3A_167 : i32
    %dma_start3A_169 = arith.constant 11 : i32
    %dma_start3A_170 = arith.constant 44 : i32
    %dma_start3A_171 = arith.constant 0 : i32
    %dma_start3A_172 = tpu.memref_slice %arg5[%dma_start3A_170, %dma_start3A_171] : memref<104x128xi32, #tpu.memory_space<vmem>> -> memref<4x128xi32, #tpu.memory_space<vmem>>
    %dma_start3A_173 = arith.constant 0 : i32
    %dma_start3A_174 = tpu.memref_slice %arg2[%dma_start3A_169, %mul3A_168, %dma_start3A_173] : memref<26x128x128xi32, #tpu.memory_space<hbm>> -> memref<1x4x128xi32, #tpu.memory_space<hbm>>
    %dma_start3A_175 = tpu.memref_squeeze %dma_start3A_174 : memref<1x4x128xi32, #tpu.memory_space<hbm>> -> memref<4x128xi32, #tpu.memory_space<hbm>>
    %dma_start3A_176 = arith.constant 44 : i32
    %dma_start3A_177 = arith.constant 0 : i32
    %dma_start3A_178 = tpu.memref_slice %arg5[%dma_start3A_176, %dma_start3A_177] : memref<104x128xi32, #tpu.memory_space<vmem>> -> memref<4x128xi32, #tpu.memory_space<vmem>>
    %dma_start3A_179 = arith.constant 0 : i32
    %dma_start3A_180 = tpu.memref_slice %arg2[%dma_start3A_169, %mul3A_168, %dma_start3A_179] : memref<26x128x128xi32, #tpu.memory_space<hbm>> -> memref<1x4x128xi32, #tpu.memory_space<hbm>>
    %dma_start3A_181 = tpu.memref_squeeze %dma_start3A_180 : memref<1x4x128xi32, #tpu.memory_space<hbm>> -> memref<4x128xi32, #tpu.memory_space<hbm>>
    tpu.enqueue_dma source(%dma_start3A_181 : memref<4x128xi32, #tpu.memory_space<hbm>>) target(%dma_start3A_178 : memref<4x128xi32, #tpu.memory_space<vmem>>) target_semaphore(%arg7 : memref<!tpu.dma_semaphore, #tpu.memory_space<semaphore_mem>>)
    %mul3A_182 = arith.constant 4 : i32
    %mul3A_183 = arith.muli %add3A, %mul3A_182 : i32
    %dma_start3A_184 = arith.constant 12 : i32
    %dma_start3A_185 = arith.constant 48 : i32
    %dma_start3A_186 = arith.constant 0 : i32
    %dma_start3A_187 = tpu.memref_slice %arg5[%dma_start3A_185, %dma_start3A_186] : memref<104x128xi32, #tpu.memory_space<vmem>> -> memref<4x128xi32, #tpu.memory_space<vmem>>
    %dma_start3A_188 = arith.constant 0 : i32
    %dma_start3A_189 = tpu.memref_slice %arg2[%dma_start3A_184, %mul3A_183, %dma_start3A_188] : memref<26x128x128xi32, #tpu.memory_space<hbm>> -> memref<1x4x128xi32, #tpu.memory_space<hbm>>
    %dma_start3A_190 = tpu.memref_squeeze %dma_start3A_189 : memref<1x4x128xi32, #tpu.memory_space<hbm>> -> memref<4x128xi32, #tpu.memory_space<hbm>>
    %dma_start3A_191 = arith.constant 48 : i32
    %dma_start3A_192 = arith.constant 0 : i32
    %dma_start3A_193 = tpu.memref_slice %arg5[%dma_start3A_191, %dma_start3A_192] : memref<104x128xi32, #tpu.memory_space<vmem>> -> memref<4x128xi32, #tpu.memory_space<vmem>>
    %dma_start3A_194 = arith.constant 0 : i32
    %dma_start3A_195 = tpu.memref_slice %arg2[%dma_start3A_184, %mul3A_183, %dma_start3A_194] : memref<26x128x128xi32, #tpu.memory_space<hbm>> -> memref<1x4x128xi32, #tpu.memory_space<hbm>>
    %dma_start3A_196 = tpu.memref_squeeze %dma_start3A_195 : memref<1x4x128xi32, #tpu.memory_space<hbm>> -> memref<4x128xi32, #tpu.memory_space<hbm>>
    tpu.enqueue_dma source(%dma_start3A_196 : memref<4x128xi32, #tpu.memory_space<hbm>>) target(%dma_start3A_193 : memref<4x128xi32, #tpu.memory_space<vmem>>) target_semaphore(%arg7 : memref<!tpu.dma_semaphore, #tpu.memory_space<semaphore_mem>>)
    %mul3A_197 = arith.constant 4 : i32
    %mul3A_198 = arith.muli %add3A, %mul3A_197 : i32
    %dma_start3A_199 = arith.constant 13 : i32
    %dma_start3A_200 = arith.constant 52 : i32
    %dma_start3A_201 = arith.constant 0 : i32
    %dma_start3A_202 = tpu.memref_slice %arg5[%dma_start3A_200, %dma_start3A_201] : memref<104x128xi32, #tpu.memory_space<vmem>> -> memref<4x128xi32, #tpu.memory_space<vmem>>
    %dma_start3A_203 = arith.constant 0 : i32
    %dma_start3A_204 = tpu.memref_slice %arg2[%dma_start3A_199, %mul3A_198, %dma_start3A_203] : memref<26x128x128xi32, #tpu.memory_space<hbm>> -> memref<1x4x128xi32, #tpu.memory_space<hbm>>
    %dma_start3A_205 = tpu.memref_squeeze %dma_start3A_204 : memref<1x4x128xi32, #tpu.memory_space<hbm>> -> memref<4x128xi32, #tpu.memory_space<hbm>>
    %dma_start3A_206 = arith.constant 52 : i32
    %dma_start3A_207 = arith.constant 0 : i32
    %dma_start3A_208 = tpu.memref_slice %arg5[%dma_start3A_206, %dma_start3A_207] : memref<104x128xi32, #tpu.memory_space<vmem>> -> memref<4x128xi32, #tpu.memory_space<vmem>>
    %dma_start3A_209 = arith.constant 0 : i32
    %dma_start3A_210 = tpu.memref_slice %arg2[%dma_start3A_199, %mul3A_198, %dma_start3A_209] : memref<26x128x128xi32, #tpu.memory_space<hbm>> -> memref<1x4x128xi32, #tpu.memory_space<hbm>>
    %dma_start3A_211 = tpu.memref_squeeze %dma_start3A_210 : memref<1x4x128xi32, #tpu.memory_space<hbm>> -> memref<4x128xi32, #tpu.memory_space<hbm>>
    tpu.enqueue_dma source(%dma_start3A_211 : memref<4x128xi32, #tpu.memory_space<hbm>>) target(%dma_start3A_208 : memref<4x128xi32, #tpu.memory_space<vmem>>) target_semaphore(%arg7 : memref<!tpu.dma_semaphore, #tpu.memory_space<semaphore_mem>>)
    %mul3A_212 = arith.constant 4 : i32
    %mul3A_213 = arith.muli %add3A, %mul3A_212 : i32
    %dma_start3A_214 = arith.constant 14 : i32
    %dma_start3A_215 = arith.constant 56 : i32
    %dma_start3A_216 = arith.constant 0 : i32
    %dma_start3A_217 = tpu.memref_slice %arg5[%dma_start3A_215, %dma_start3A_216] : memref<104x128xi32, #tpu.memory_space<vmem>> -> memref<4x128xi32, #tpu.memory_space<vmem>>
    %dma_start3A_218 = arith.constant 0 : i32
    %dma_start3A_219 = tpu.memref_slice %arg2[%dma_start3A_214, %mul3A_213, %dma_start3A_218] : memref<26x128x128xi32, #tpu.memory_space<hbm>> -> memref<1x4x128xi32, #tpu.memory_space<hbm>>
    %dma_start3A_220 = tpu.memref_squeeze %dma_start3A_219 : memref<1x4x128xi32, #tpu.memory_space<hbm>> -> memref<4x128xi32, #tpu.memory_space<hbm>>
    %dma_start3A_221 = arith.constant 56 : i32
    %dma_start3A_222 = arith.constant 0 : i32
    %dma_start3A_223 = tpu.memref_slice %arg5[%dma_start3A_221, %dma_start3A_222] : memref<104x128xi32, #tpu.memory_space<vmem>> -> memref<4x128xi32, #tpu.memory_space<vmem>>
    %dma_start3A_224 = arith.constant 0 : i32
    %dma_start3A_225 = tpu.memref_slice %arg2[%dma_start3A_214, %mul3A_213, %dma_start3A_224] : memref<26x128x128xi32, #tpu.memory_space<hbm>> -> memref<1x4x128xi32, #tpu.memory_space<hbm>>
    %dma_start3A_226 = tpu.memref_squeeze %dma_start3A_225 : memref<1x4x128xi32, #tpu.memory_space<hbm>> -> memref<4x128xi32, #tpu.memory_space<hbm>>
    tpu.enqueue_dma source(%dma_start3A_226 : memref<4x128xi32, #tpu.memory_space<hbm>>) target(%dma_start3A_223 : memref<4x128xi32, #tpu.memory_space<vmem>>) target_semaphore(%arg7 : memref<!tpu.dma_semaphore, #tpu.memory_space<semaphore_mem>>)
    %mul3A_227 = arith.constant 4 : i32
    %mul3A_228 = arith.muli %add3A, %mul3A_227 : i32
    %dma_start3A_229 = arith.constant 15 : i32
    %dma_start3A_230 = arith.constant 60 : i32
    %dma_start3A_231 = arith.constant 0 : i32
    %dma_start3A_232 = tpu.memref_slice %arg5[%dma_start3A_230, %dma_start3A_231] : memref<104x128xi32, #tpu.memory_space<vmem>> -> memref<4x128xi32, #tpu.memory_space<vmem>>
    %dma_start3A_233 = arith.constant 0 : i32
    %dma_start3A_234 = tpu.memref_slice %arg2[%dma_start3A_229, %mul3A_228, %dma_start3A_233] : memref<26x128x128xi32, #tpu.memory_space<hbm>> -> memref<1x4x128xi32, #tpu.memory_space<hbm>>
    %dma_start3A_235 = tpu.memref_squeeze %dma_start3A_234 : memref<1x4x128xi32, #tpu.memory_space<hbm>> -> memref<4x128xi32, #tpu.memory_space<hbm>>
    %dma_start3A_236 = arith.constant 60 : i32
    %dma_start3A_237 = arith.constant 0 : i32
    %dma_start3A_238 = tpu.memref_slice %arg5[%dma_start3A_236, %dma_start3A_237] : memref<104x128xi32, #tpu.memory_space<vmem>> -> memref<4x128xi32, #tpu.memory_space<vmem>>
    %dma_start3A_239 = arith.constant 0 : i32
    %dma_start3A_240 = tpu.memref_slice %arg2[%dma_start3A_229, %mul3A_228, %dma_start3A_239] : memref<26x128x128xi32, #tpu.memory_space<hbm>> -> memref<1x4x128xi32, #tpu.memory_space<hbm>>
    %dma_start3A_241 = tpu.memref_squeeze %dma_start3A_240 : memref<1x4x128xi32, #tpu.memory_space<hbm>> -> memref<4x128xi32, #tpu.memory_space<hbm>>
    tpu.enqueue_dma source(%dma_start3A_241 : memref<4x128xi32, #tpu.memory_space<hbm>>) target(%dma_start3A_238 : memref<4x128xi32, #tpu.memory_space<vmem>>) target_semaphore(%arg7 : memref<!tpu.dma_semaphore, #tpu.memory_space<semaphore_mem>>)
    %mul3A_242 = arith.constant 4 : i32
    %mul3A_243 = arith.muli %add3A, %mul3A_242 : i32
    %dma_start3A_244 = arith.constant 16 : i32
    %dma_start3A_245 = arith.constant 64 : i32
    %dma_start3A_246 = arith.constant 0 : i32
    %dma_start3A_247 = tpu.memref_slice %arg5[%dma_start3A_245, %dma_start3A_246] : memref<104x128xi32, #tpu.memory_space<vmem>> -> memref<4x128xi32, #tpu.memory_space<vmem>>
    %dma_start3A_248 = arith.constant 0 : i32
    %dma_start3A_249 = tpu.memref_slice %arg2[%dma_start3A_244, %mul3A_243, %dma_start3A_248] : memref<26x128x128xi32, #tpu.memory_space<hbm>> -> memref<1x4x128xi32, #tpu.memory_space<hbm>>
    %dma_start3A_250 = tpu.memref_squeeze %dma_start3A_249 : memref<1x4x128xi32, #tpu.memory_space<hbm>> -> memref<4x128xi32, #tpu.memory_space<hbm>>
    %dma_start3A_251 = arith.constant 64 : i32
    %dma_start3A_252 = arith.constant 0 : i32
    %dma_start3A_253 = tpu.memref_slice %arg5[%dma_start3A_251, %dma_start3A_252] : memref<104x128xi32, #tpu.memory_space<vmem>> -> memref<4x128xi32, #tpu.memory_space<vmem>>
    %dma_start3A_254 = arith.constant 0 : i32
    %dma_start3A_255 = tpu.memref_slice %arg2[%dma_start3A_244, %mul3A_243, %dma_start3A_254] : memref<26x128x128xi32, #tpu.memory_space<hbm>> -> memref<1x4x128xi32, #tpu.memory_space<hbm>>
    %dma_start3A_256 = tpu.memref_squeeze %dma_start3A_255 : memref<1x4x128xi32, #tpu.memory_space<hbm>> -> memref<4x128xi32, #tpu.memory_space<hbm>>
    tpu.enqueue_dma source(%dma_start3A_256 : memref<4x128xi32, #tpu.memory_space<hbm>>) target(%dma_start3A_253 : memref<4x128xi32, #tpu.memory_space<vmem>>) target_semaphore(%arg7 : memref<!tpu.dma_semaphore, #tpu.memory_space<semaphore_mem>>)
    %mul3A_257 = arith.constant 4 : i32
    %mul3A_258 = arith.muli %add3A, %mul3A_257 : i32
    %dma_start3A_259 = arith.constant 17 : i32
    %dma_start3A_260 = arith.constant 68 : i32
    %dma_start3A_261 = arith.constant 0 : i32
    %dma_start3A_262 = tpu.memref_slice %arg5[%dma_start3A_260, %dma_start3A_261] : memref<104x128xi32, #tpu.memory_space<vmem>> -> memref<4x128xi32, #tpu.memory_space<vmem>>
    %dma_start3A_263 = arith.constant 0 : i32
    %dma_start3A_264 = tpu.memref_slice %arg2[%dma_start3A_259, %mul3A_258, %dma_start3A_263] : memref<26x128x128xi32, #tpu.memory_space<hbm>> -> memref<1x4x128xi32, #tpu.memory_space<hbm>>
    %dma_start3A_265 = tpu.memref_squeeze %dma_start3A_264 : memref<1x4x128xi32, #tpu.memory_space<hbm>> -> memref<4x128xi32, #tpu.memory_space<hbm>>
    %dma_start3A_266 = arith.constant 68 : i32
    %dma_start3A_267 = arith.constant 0 : i32
    %dma_start3A_268 = tpu.memref_slice %arg5[%dma_start3A_266, %dma_start3A_267] : memref<104x128xi32, #tpu.memory_space<vmem>> -> memref<4x128xi32, #tpu.memory_space<vmem>>
    %dma_start3A_269 = arith.constant 0 : i32
    %dma_start3A_270 = tpu.memref_slice %arg2[%dma_start3A_259, %mul3A_258, %dma_start3A_269] : memref<26x128x128xi32, #tpu.memory_space<hbm>> -> memref<1x4x128xi32, #tpu.memory_space<hbm>>
    %dma_start3A_271 = tpu.memref_squeeze %dma_start3A_270 : memref<1x4x128xi32, #tpu.memory_space<hbm>> -> memref<4x128xi32, #tpu.memory_space<hbm>>
    tpu.enqueue_dma source(%dma_start3A_271 : memref<4x128xi32, #tpu.memory_space<hbm>>) target(%dma_start3A_268 : memref<4x128xi32, #tpu.memory_space<vmem>>) target_semaphore(%arg7 : memref<!tpu.dma_semaphore, #tpu.memory_space<semaphore_mem>>)
    %mul3A_272 = arith.constant 4 : i32
    %mul3A_273 = arith.muli %add3A, %mul3A_272 : i32
    %dma_start3A_274 = arith.constant 18 : i32
    %dma_start3A_275 = arith.constant 72 : i32
    %dma_start3A_276 = arith.constant 0 : i32
    %dma_start3A_277 = tpu.memref_slice %arg5[%dma_start3A_275, %dma_start3A_276] : memref<104x128xi32, #tpu.memory_space<vmem>> -> memref<4x128xi32, #tpu.memory_space<vmem>>
    %dma_start3A_278 = arith.constant 0 : i32
    %dma_start3A_279 = tpu.memref_slice %arg2[%dma_start3A_274, %mul3A_273, %dma_start3A_278] : memref<26x128x128xi32, #tpu.memory_space<hbm>> -> memref<1x4x128xi32, #tpu.memory_space<hbm>>
    %dma_start3A_280 = tpu.memref_squeeze %dma_start3A_279 : memref<1x4x128xi32, #tpu.memory_space<hbm>> -> memref<4x128xi32, #tpu.memory_space<hbm>>
    %dma_start3A_281 = arith.constant 72 : i32
    %dma_start3A_282 = arith.constant 0 : i32
    %dma_start3A_283 = tpu.memref_slice %arg5[%dma_start3A_281, %dma_start3A_282] : memref<104x128xi32, #tpu.memory_space<vmem>> -> memref<4x128xi32, #tpu.memory_space<vmem>>
    %dma_start3A_284 = arith.constant 0 : i32
    %dma_start3A_285 = tpu.memref_slice %arg2[%dma_start3A_274, %mul3A_273, %dma_start3A_284] : memref<26x128x128xi32, #tpu.memory_space<hbm>> -> memref<1x4x128xi32, #tpu.memory_space<hbm>>
    %dma_start3A_286 = tpu.memref_squeeze %dma_start3A_285 : memref<1x4x128xi32, #tpu.memory_space<hbm>> -> memref<4x128xi32, #tpu.memory_space<hbm>>
    tpu.enqueue_dma source(%dma_start3A_286 : memref<4x128xi32, #tpu.memory_space<hbm>>) target(%dma_start3A_283 : memref<4x128xi32, #tpu.memory_space<vmem>>) target_semaphore(%arg7 : memref<!tpu.dma_semaphore, #tpu.memory_space<semaphore_mem>>)
    %mul3A_287 = arith.constant 4 : i32
    %mul3A_288 = arith.muli %add3A, %mul3A_287 : i32
    %dma_start3A_289 = arith.constant 19 : i32
    %dma_start3A_290 = arith.constant 76 : i32
    %dma_start3A_291 = arith.constant 0 : i32
    %dma_start3A_292 = tpu.memref_slice %arg5[%dma_start3A_290, %dma_start3A_291] : memref<104x128xi32, #tpu.memory_space<vmem>> -> memref<4x128xi32, #tpu.memory_space<vmem>>
    %dma_start3A_293 = arith.constant 0 : i32
    %dma_start3A_294 = tpu.memref_slice %arg2[%dma_start3A_289, %mul3A_288, %dma_start3A_293] : memref<26x128x128xi32, #tpu.memory_space<hbm>> -> memref<1x4x128xi32, #tpu.memory_space<hbm>>
    %dma_start3A_295 = tpu.memref_squeeze %dma_start3A_294 : memref<1x4x128xi32, #tpu.memory_space<hbm>> -> memref<4x128xi32, #tpu.memory_space<hbm>>
    %dma_start3A_296 = arith.constant 76 : i32
    %dma_start3A_297 = arith.constant 0 : i32
    %dma_start3A_298 = tpu.memref_slice %arg5[%dma_start3A_296, %dma_start3A_297] : memref<104x128xi32, #tpu.memory_space<vmem>> -> memref<4x128xi32, #tpu.memory_space<vmem>>
    %dma_start3A_299 = arith.constant 0 : i32
    %dma_start3A_300 = tpu.memref_slice %arg2[%dma_start3A_289, %mul3A_288, %dma_start3A_299] : memref<26x128x128xi32, #tpu.memory_space<hbm>> -> memref<1x4x128xi32, #tpu.memory_space<hbm>>
    %dma_start3A_301 = tpu.memref_squeeze %dma_start3A_300 : memref<1x4x128xi32, #tpu.memory_space<hbm>> -> memref<4x128xi32, #tpu.memory_space<hbm>>
    tpu.enqueue_dma source(%dma_start3A_301 : memref<4x128xi32, #tpu.memory_space<hbm>>) target(%dma_start3A_298 : memref<4x128xi32, #tpu.memory_space<vmem>>) target_semaphore(%arg7 : memref<!tpu.dma_semaphore, #tpu.memory_space<semaphore_mem>>)
    %mul3A_302 = arith.constant 4 : i32
    %mul3A_303 = arith.muli %add3A, %mul3A_302 : i32
    %dma_start3A_304 = arith.constant 20 : i32
    %dma_start3A_305 = arith.constant 80 : i32
    %dma_start3A_306 = arith.constant 0 : i32
    %dma_start3A_307 = tpu.memref_slice %arg5[%dma_start3A_305, %dma_start3A_306] : memref<104x128xi32, #tpu.memory_space<vmem>> -> memref<4x128xi32, #tpu.memory_space<vmem>>
    %dma_start3A_308 = arith.constant 0 : i32
    %dma_start3A_309 = tpu.memref_slice %arg2[%dma_start3A_304, %mul3A_303, %dma_start3A_308] : memref<26x128x128xi32, #tpu.memory_space<hbm>> -> memref<1x4x128xi32, #tpu.memory_space<hbm>>
    %dma_start3A_310 = tpu.memref_squeeze %dma_start3A_309 : memref<1x4x128xi32, #tpu.memory_space<hbm>> -> memref<4x128xi32, #tpu.memory_space<hbm>>
    %dma_start3A_311 = arith.constant 80 : i32
    %dma_start3A_312 = arith.constant 0 : i32
    %dma_start3A_313 = tpu.memref_slice %arg5[%dma_start3A_311, %dma_start3A_312] : memref<104x128xi32, #tpu.memory_space<vmem>> -> memref<4x128xi32, #tpu.memory_space<vmem>>
    %dma_start3A_314 = arith.constant 0 : i32
    %dma_start3A_315 = tpu.memref_slice %arg2[%dma_start3A_304, %mul3A_303, %dma_start3A_314] : memref<26x128x128xi32, #tpu.memory_space<hbm>> -> memref<1x4x128xi32, #tpu.memory_space<hbm>>
    %dma_start3A_316 = tpu.memref_squeeze %dma_start3A_315 : memref<1x4x128xi32, #tpu.memory_space<hbm>> -> memref<4x128xi32, #tpu.memory_space<hbm>>
    tpu.enqueue_dma source(%dma_start3A_316 : memref<4x128xi32, #tpu.memory_space<hbm>>) target(%dma_start3A_313 : memref<4x128xi32, #tpu.memory_space<vmem>>) target_semaphore(%arg7 : memref<!tpu.dma_semaphore, #tpu.memory_space<semaphore_mem>>)
    %mul3A_317 = arith.constant 4 : i32
    %mul3A_318 = arith.muli %add3A, %mul3A_317 : i32
    %dma_start3A_319 = arith.constant 21 : i32
    %dma_start3A_320 = arith.constant 84 : i32
    %dma_start3A_321 = arith.constant 0 : i32
    %dma_start3A_322 = tpu.memref_slice %arg5[%dma_start3A_320, %dma_start3A_321] : memref<104x128xi32, #tpu.memory_space<vmem>> -> memref<4x128xi32, #tpu.memory_space<vmem>>
    %dma_start3A_323 = arith.constant 0 : i32
    %dma_start3A_324 = tpu.memref_slice %arg2[%dma_start3A_319, %mul3A_318, %dma_start3A_323] : memref<26x128x128xi32, #tpu.memory_space<hbm>> -> memref<1x4x128xi32, #tpu.memory_space<hbm>>
    %dma_start3A_325 = tpu.memref_squeeze %dma_start3A_324 : memref<1x4x128xi32, #tpu.memory_space<hbm>> -> memref<4x128xi32, #tpu.memory_space<hbm>>
    %dma_start3A_326 = arith.constant 84 : i32
    %dma_start3A_327 = arith.constant 0 : i32
    %dma_start3A_328 = tpu.memref_slice %arg5[%dma_start3A_326, %dma_start3A_327] : memref<104x128xi32, #tpu.memory_space<vmem>> -> memref<4x128xi32, #tpu.memory_space<vmem>>
    %dma_start3A_329 = arith.constant 0 : i32
    %dma_start3A_330 = tpu.memref_slice %arg2[%dma_start3A_319, %mul3A_318, %dma_start3A_329] : memref<26x128x128xi32, #tpu.memory_space<hbm>> -> memref<1x4x128xi32, #tpu.memory_space<hbm>>
    %dma_start3A_331 = tpu.memref_squeeze %dma_start3A_330 : memref<1x4x128xi32, #tpu.memory_space<hbm>> -> memref<4x128xi32, #tpu.memory_space<hbm>>
    tpu.enqueue_dma source(%dma_start3A_331 : memref<4x128xi32, #tpu.memory_space<hbm>>) target(%dma_start3A_328 : memref<4x128xi32, #tpu.memory_space<vmem>>) target_semaphore(%arg7 : memref<!tpu.dma_semaphore, #tpu.memory_space<semaphore_mem>>)
    %mul3A_332 = arith.constant 4 : i32
    %mul3A_333 = arith.muli %add3A, %mul3A_332 : i32
    %dma_start3A_334 = arith.constant 22 : i32
    %dma_start3A_335 = arith.constant 88 : i32
    %dma_start3A_336 = arith.constant 0 : i32
    %dma_start3A_337 = tpu.memref_slice %arg5[%dma_start3A_335, %dma_start3A_336] : memref<104x128xi32, #tpu.memory_space<vmem>> -> memref<4x128xi32, #tpu.memory_space<vmem>>
    %dma_start3A_338 = arith.constant 0 : i32
    %dma_start3A_339 = tpu.memref_slice %arg2[%dma_start3A_334, %mul3A_333, %dma_start3A_338] : memref<26x128x128xi32, #tpu.memory_space<hbm>> -> memref<1x4x128xi32, #tpu.memory_space<hbm>>
    %dma_start3A_340 = tpu.memref_squeeze %dma_start3A_339 : memref<1x4x128xi32, #tpu.memory_space<hbm>> -> memref<4x128xi32, #tpu.memory_space<hbm>>
    %dma_start3A_341 = arith.constant 88 : i32
    %dma_start3A_342 = arith.constant 0 : i32
    %dma_start3A_343 = tpu.memref_slice %arg5[%dma_start3A_341, %dma_start3A_342] : memref<104x128xi32, #tpu.memory_space<vmem>> -> memref<4x128xi32, #tpu.memory_space<vmem>>
    %dma_start3A_344 = arith.constant 0 : i32
    %dma_start3A_345 = tpu.memref_slice %arg2[%dma_start3A_334, %mul3A_333, %dma_start3A_344] : memref<26x128x128xi32, #tpu.memory_space<hbm>> -> memref<1x4x128xi32, #tpu.memory_space<hbm>>
    %dma_start3A_346 = tpu.memref_squeeze %dma_start3A_345 : memref<1x4x128xi32, #tpu.memory_space<hbm>> -> memref<4x128xi32, #tpu.memory_space<hbm>>
    tpu.enqueue_dma source(%dma_start3A_346 : memref<4x128xi32, #tpu.memory_space<hbm>>) target(%dma_start3A_343 : memref<4x128xi32, #tpu.memory_space<vmem>>) target_semaphore(%arg7 : memref<!tpu.dma_semaphore, #tpu.memory_space<semaphore_mem>>)
    %mul3A_347 = arith.constant 4 : i32
    %mul3A_348 = arith.muli %add3A, %mul3A_347 : i32
    %dma_start3A_349 = arith.constant 23 : i32
    %dma_start3A_350 = arith.constant 92 : i32
    %dma_start3A_351 = arith.constant 0 : i32
    %dma_start3A_352 = tpu.memref_slice %arg5[%dma_start3A_350, %dma_start3A_351] : memref<104x128xi32, #tpu.memory_space<vmem>> -> memref<4x128xi32, #tpu.memory_space<vmem>>
    %dma_start3A_353 = arith.constant 0 : i32
    %dma_start3A_354 = tpu.memref_slice %arg2[%dma_start3A_349, %mul3A_348, %dma_start3A_353] : memref<26x128x128xi32, #tpu.memory_space<hbm>> -> memref<1x4x128xi32, #tpu.memory_space<hbm>>
    %dma_start3A_355 = tpu.memref_squeeze %dma_start3A_354 : memref<1x4x128xi32, #tpu.memory_space<hbm>> -> memref<4x128xi32, #tpu.memory_space<hbm>>
    %dma_start3A_356 = arith.constant 92 : i32
    %dma_start3A_357 = arith.constant 0 : i32
    %dma_start3A_358 = tpu.memref_slice %arg5[%dma_start3A_356, %dma_start3A_357] : memref<104x128xi32, #tpu.memory_space<vmem>> -> memref<4x128xi32, #tpu.memory_space<vmem>>
    %dma_start3A_359 = arith.constant 0 : i32
    %dma_start3A_360 = tpu.memref_slice %arg2[%dma_start3A_349, %mul3A_348, %dma_start3A_359] : memref<26x128x128xi32, #tpu.memory_space<hbm>> -> memref<1x4x128xi32, #tpu.memory_space<hbm>>
    %dma_start3A_361 = tpu.memref_squeeze %dma_start3A_360 : memref<1x4x128xi32, #tpu.memory_space<hbm>> -> memref<4x128xi32, #tpu.memory_space<hbm>>
    tpu.enqueue_dma source(%dma_start3A_361 : memref<4x128xi32, #tpu.memory_space<hbm>>) target(%dma_start3A_358 : memref<4x128xi32, #tpu.memory_space<vmem>>) target_semaphore(%arg7 : memref<!tpu.dma_semaphore, #tpu.memory_space<semaphore_mem>>)
    %mul3A_362 = arith.constant 4 : i32
    %mul3A_363 = arith.muli %add3A, %mul3A_362 : i32
    %dma_start3A_364 = arith.constant 24 : i32
    %dma_start3A_365 = arith.constant 96 : i32
    %dma_start3A_366 = arith.constant 0 : i32
    %dma_start3A_367 = tpu.memref_slice %arg5[%dma_start3A_365, %dma_start3A_366] : memref<104x128xi32, #tpu.memory_space<vmem>> -> memref<4x128xi32, #tpu.memory_space<vmem>>
    %dma_start3A_368 = arith.constant 0 : i32
    %dma_start3A_369 = tpu.memref_slice %arg2[%dma_start3A_364, %mul3A_363, %dma_start3A_368] : memref<26x128x128xi32, #tpu.memory_space<hbm>> -> memref<1x4x128xi32, #tpu.memory_space<hbm>>
    %dma_start3A_370 = tpu.memref_squeeze %dma_start3A_369 : memref<1x4x128xi32, #tpu.memory_space<hbm>> -> memref<4x128xi32, #tpu.memory_space<hbm>>
    %dma_start3A_371 = arith.constant 96 : i32
    %dma_start3A_372 = arith.constant 0 : i32
    %dma_start3A_373 = tpu.memref_slice %arg5[%dma_start3A_371, %dma_start3A_372] : memref<104x128xi32, #tpu.memory_space<vmem>> -> memref<4x128xi32, #tpu.memory_space<vmem>>
    %dma_start3A_374 = arith.constant 0 : i32
    %dma_start3A_375 = tpu.memref_slice %arg2[%dma_start3A_364, %mul3A_363, %dma_start3A_374] : memref<26x128x128xi32, #tpu.memory_space<hbm>> -> memref<1x4x128xi32, #tpu.memory_space<hbm>>
    %dma_start3A_376 = tpu.memref_squeeze %dma_start3A_375 : memref<1x4x128xi32, #tpu.memory_space<hbm>> -> memref<4x128xi32, #tpu.memory_space<hbm>>
    tpu.enqueue_dma source(%dma_start3A_376 : memref<4x128xi32, #tpu.memory_space<hbm>>) target(%dma_start3A_373 : memref<4x128xi32, #tpu.memory_space<vmem>>) target_semaphore(%arg7 : memref<!tpu.dma_semaphore, #tpu.memory_space<semaphore_mem>>)
    %mul3A_377 = arith.constant 4 : i32
    %mul3A_378 = arith.muli %add3A, %mul3A_377 : i32
    %dma_start3A_379 = arith.constant 25 : i32
    %dma_start3A_380 = arith.constant 100 : i32
    %dma_start3A_381 = arith.constant 0 : i32
    %dma_start3A_382 = tpu.memref_slice %arg5[%dma_start3A_380, %dma_start3A_381] : memref<104x128xi32, #tpu.memory_space<vmem>> -> memref<4x128xi32, #tpu.memory_space<vmem>>
    %dma_start3A_383 = arith.constant 0 : i32
    %dma_start3A_384 = tpu.memref_slice %arg2[%dma_start3A_379, %mul3A_378, %dma_start3A_383] : memref<26x128x128xi32, #tpu.memory_space<hbm>> -> memref<1x4x128xi32, #tpu.memory_space<hbm>>
    %dma_start3A_385 = tpu.memref_squeeze %dma_start3A_384 : memref<1x4x128xi32, #tpu.memory_space<hbm>> -> memref<4x128xi32, #tpu.memory_space<hbm>>
    %dma_start3A_386 = arith.constant 100 : i32
    %dma_start3A_387 = arith.constant 0 : i32
    %dma_start3A_388 = tpu.memref_slice %arg5[%dma_start3A_386, %dma_start3A_387] : memref<104x128xi32, #tpu.memory_space<vmem>> -> memref<4x128xi32, #tpu.memory_space<vmem>>
    %dma_start3A_389 = arith.constant 0 : i32
    %dma_start3A_390 = tpu.memref_slice %arg2[%dma_start3A_379, %mul3A_378, %dma_start3A_389] : memref<26x128x128xi32, #tpu.memory_space<hbm>> -> memref<1x4x128xi32, #tpu.memory_space<hbm>>
    %dma_start3A_391 = tpu.memref_squeeze %dma_start3A_390 : memref<1x4x128xi32, #tpu.memory_space<hbm>> -> memref<4x128xi32, #tpu.memory_space<hbm>>
    tpu.enqueue_dma source(%dma_start3A_391 : memref<4x128xi32, #tpu.memory_space<hbm>>) target(%dma_start3A_388 : memref<4x128xi32, #tpu.memory_space<vmem>>) target_semaphore(%arg7 : memref<!tpu.dma_semaphore, #tpu.memory_space<semaphore_mem>>)
    %mul3A_392 = arith.constant 4 : i32
    %mul3A_393 = arith.muli %add3A, %mul3A_392 : i32
    %dma_wait3A = arith.constant 0 : i32
    %dma_wait3A_394 = arith.constant 0 : i32
    %dma_wait3A_395 = arith.constant 0 : i32
    %dma_wait3A_396 = tpu.memref_slice %arg5[%dma_wait3A_394, %dma_wait3A_395] : memref<104x128xi32, #tpu.memory_space<vmem>> -> memref<4x128xi32, #tpu.memory_space<vmem>>
    %dma_wait3A_397 = arith.constant 0 : i32
    %dma_wait3A_398 = tpu.memref_slice %arg2[%dma_wait3A, %mul3A_393, %dma_wait3A_397] : memref<26x128x128xi32, #tpu.memory_space<hbm>> -> memref<1x4x128xi32, #tpu.memory_space<hbm>>
    %dma_wait3A_399 = tpu.memref_squeeze %dma_wait3A_398 : memref<1x4x128xi32, #tpu.memory_space<hbm>> -> memref<4x128xi32, #tpu.memory_space<hbm>>
    %dma_wait3A_400 = arith.constant 0 : i32
    %dma_wait3A_401 = arith.constant 0 : i32
    %dma_wait3A_402 = tpu.memref_slice %arg5[%dma_wait3A_400, %dma_wait3A_401] : memref<104x128xi32, #tpu.memory_space<vmem>> -> memref<4x128xi32, #tpu.memory_space<vmem>>
    %dma_wait3A_403 = arith.constant 0 : i32
    %dma_wait3A_404 = tpu.memref_slice %arg2[%dma_wait3A, %mul3A_393, %dma_wait3A_403] : memref<26x128x128xi32, #tpu.memory_space<hbm>> -> memref<1x4x128xi32, #tpu.memory_space<hbm>>
    %dma_wait3A_405 = tpu.memref_squeeze %dma_wait3A_404 : memref<1x4x128xi32, #tpu.memory_space<hbm>> -> memref<4x128xi32, #tpu.memory_space<hbm>>
    tpu.wait_dma2 semaphore(%arg7 : memref<!tpu.dma_semaphore, #tpu.memory_space<semaphore_mem>>) src(%dma_wait3A_405 : memref<4x128xi32, #tpu.memory_space<hbm>>) dst(%dma_wait3A_402 : memref<4x128xi32, #tpu.memory_space<vmem>>)
    %mul3A_406 = arith.constant 4 : i32
    %mul3A_407 = arith.muli %add3A, %mul3A_406 : i32
    %dma_wait3A_408 = arith.constant 1 : i32
    %dma_wait3A_409 = arith.constant 4 : i32
    %dma_wait3A_410 = arith.constant 0 : i32
    %dma_wait3A_411 = tpu.memref_slice %arg5[%dma_wait3A_409, %dma_wait3A_410] : memref<104x128xi32, #tpu.memory_space<vmem>> -> memref<4x128xi32, #tpu.memory_space<vmem>>
    %dma_wait3A_412 = arith.constant 0 : i32
    %dma_wait3A_413 = tpu.memref_slice %arg2[%dma_wait3A_408, %mul3A_407, %dma_wait3A_412] : memref<26x128x128xi32, #tpu.memory_space<hbm>> -> memref<1x4x128xi32, #tpu.memory_space<hbm>>
    %dma_wait3A_414 = tpu.memref_squeeze %dma_wait3A_413 : memref<1x4x128xi32, #tpu.memory_space<hbm>> -> memref<4x128xi32, #tpu.memory_space<hbm>>
    %dma_wait3A_415 = arith.constant 4 : i32
    %dma_wait3A_416 = arith.constant 0 : i32
    %dma_wait3A_417 = tpu.memref_slice %arg5[%dma_wait3A_415, %dma_wait3A_416] : memref<104x128xi32, #tpu.memory_space<vmem>> -> memref<4x128xi32, #tpu.memory_space<vmem>>
    %dma_wait3A_418 = arith.constant 0 : i32
    %dma_wait3A_419 = tpu.memref_slice %arg2[%dma_wait3A_408, %mul3A_407, %dma_wait3A_418] : memref<26x128x128xi32, #tpu.memory_space<hbm>> -> memref<1x4x128xi32, #tpu.memory_space<hbm>>
    %dma_wait3A_420 = tpu.memref_squeeze %dma_wait3A_419 : memref<1x4x128xi32, #tpu.memory_space<hbm>> -> memref<4x128xi32, #tpu.memory_space<hbm>>
    tpu.wait_dma2 semaphore(%arg7 : memref<!tpu.dma_semaphore, #tpu.memory_space<semaphore_mem>>) src(%dma_wait3A_420 : memref<4x128xi32, #tpu.memory_space<hbm>>) dst(%dma_wait3A_417 : memref<4x128xi32, #tpu.memory_space<vmem>>)
    %mul3A_421 = arith.constant 4 : i32
    %mul3A_422 = arith.muli %add3A, %mul3A_421 : i32
    %dma_wait3A_423 = arith.constant 2 : i32
    %dma_wait3A_424 = arith.constant 8 : i32
    %dma_wait3A_425 = arith.constant 0 : i32
    %dma_wait3A_426 = tpu.memref_slice %arg5[%dma_wait3A_424, %dma_wait3A_425] : memref<104x128xi32, #tpu.memory_space<vmem>> -> memref<4x128xi32, #tpu.memory_space<vmem>>
    %dma_wait3A_427 = arith.constant 0 : i32
    %dma_wait3A_428 = tpu.memref_slice %arg2[%dma_wait3A_423, %mul3A_422, %dma_wait3A_427] : memref<26x128x128xi32, #tpu.memory_space<hbm>> -> memref<1x4x128xi32, #tpu.memory_space<hbm>>
    %dma_wait3A_429 = tpu.memref_squeeze %dma_wait3A_428 : memref<1x4x128xi32, #tpu.memory_space<hbm>> -> memref<4x128xi32, #tpu.memory_space<hbm>>
    %dma_wait3A_430 = arith.constant 8 : i32
    %dma_wait3A_431 = arith.constant 0 : i32
    %dma_wait3A_432 = tpu.memref_slice %arg5[%dma_wait3A_430, %dma_wait3A_431] : memref<104x128xi32, #tpu.memory_space<vmem>> -> memref<4x128xi32, #tpu.memory_space<vmem>>
    %dma_wait3A_433 = arith.constant 0 : i32
    %dma_wait3A_434 = tpu.memref_slice %arg2[%dma_wait3A_423, %mul3A_422, %dma_wait3A_433] : memref<26x128x128xi32, #tpu.memory_space<hbm>> -> memref<1x4x128xi32, #tpu.memory_space<hbm>>
    %dma_wait3A_435 = tpu.memref_squeeze %dma_wait3A_434 : memref<1x4x128xi32, #tpu.memory_space<hbm>> -> memref<4x128xi32, #tpu.memory_space<hbm>>
    tpu.wait_dma2 semaphore(%arg7 : memref<!tpu.dma_semaphore, #tpu.memory_space<semaphore_mem>>) src(%dma_wait3A_435 : memref<4x128xi32, #tpu.memory_space<hbm>>) dst(%dma_wait3A_432 : memref<4x128xi32, #tpu.memory_space<vmem>>)
    %mul3A_436 = arith.constant 4 : i32
    %mul3A_437 = arith.muli %add3A, %mul3A_436 : i32
    %dma_wait3A_438 = arith.constant 3 : i32
    %dma_wait3A_439 = arith.constant 12 : i32
    %dma_wait3A_440 = arith.constant 0 : i32
    %dma_wait3A_441 = tpu.memref_slice %arg5[%dma_wait3A_439, %dma_wait3A_440] : memref<104x128xi32, #tpu.memory_space<vmem>> -> memref<4x128xi32, #tpu.memory_space<vmem>>
    %dma_wait3A_442 = arith.constant 0 : i32
    %dma_wait3A_443 = tpu.memref_slice %arg2[%dma_wait3A_438, %mul3A_437, %dma_wait3A_442] : memref<26x128x128xi32, #tpu.memory_space<hbm>> -> memref<1x4x128xi32, #tpu.memory_space<hbm>>
    %dma_wait3A_444 = tpu.memref_squeeze %dma_wait3A_443 : memref<1x4x128xi32, #tpu.memory_space<hbm>> -> memref<4x128xi32, #tpu.memory_space<hbm>>
    %dma_wait3A_445 = arith.constant 12 : i32
    %dma_wait3A_446 = arith.constant 0 : i32
    %dma_wait3A_447 = tpu.memref_slice %arg5[%dma_wait3A_445, %dma_wait3A_446] : memref<104x128xi32, #tpu.memory_space<vmem>> -> memref<4x128xi32, #tpu.memory_space<vmem>>
    %dma_wait3A_448 = arith.constant 0 : i32
    %dma_wait3A_449 = tpu.memref_slice %arg2[%dma_wait3A_438, %mul3A_437, %dma_wait3A_448] : memref<26x128x128xi32, #tpu.memory_space<hbm>> -> memref<1x4x128xi32, #tpu.memory_space<hbm>>
    %dma_wait3A_450 = tpu.memref_squeeze %dma_wait3A_449 : memref<1x4x128xi32, #tpu.memory_space<hbm>> -> memref<4x128xi32, #tpu.memory_space<hbm>>
    tpu.wait_dma2 semaphore(%arg7 : memref<!tpu.dma_semaphore, #tpu.memory_space<semaphore_mem>>) src(%dma_wait3A_450 : memref<4x128xi32, #tpu.memory_space<hbm>>) dst(%dma_wait3A_447 : memref<4x128xi32, #tpu.memory_space<vmem>>)
    %mul3A_451 = arith.constant 4 : i32
    %mul3A_452 = arith.muli %add3A, %mul3A_451 : i32
    %dma_wait3A_453 = arith.constant 4 : i32
    %dma_wait3A_454 = arith.constant 16 : i32
    %dma_wait3A_455 = arith.constant 0 : i32
    %dma_wait3A_456 = tpu.memref_slice %arg5[%dma_wait3A_454, %dma_wait3A_455] : memref<104x128xi32, #tpu.memory_space<vmem>> -> memref<4x128xi32, #tpu.memory_space<vmem>>
    %dma_wait3A_457 = arith.constant 0 : i32
    %dma_wait3A_458 = tpu.memref_slice %arg2[%dma_wait3A_453, %mul3A_452, %dma_wait3A_457] : memref<26x128x128xi32, #tpu.memory_space<hbm>> -> memref<1x4x128xi32, #tpu.memory_space<hbm>>
    %dma_wait3A_459 = tpu.memref_squeeze %dma_wait3A_458 : memref<1x4x128xi32, #tpu.memory_space<hbm>> -> memref<4x128xi32, #tpu.memory_space<hbm>>
    %dma_wait3A_460 = arith.constant 16 : i32
    %dma_wait3A_461 = arith.constant 0 : i32
    %dma_wait3A_462 = tpu.memref_slice %arg5[%dma_wait3A_460, %dma_wait3A_461] : memref<104x128xi32, #tpu.memory_space<vmem>> -> memref<4x128xi32, #tpu.memory_space<vmem>>
    %dma_wait3A_463 = arith.constant 0 : i32
    %dma_wait3A_464 = tpu.memref_slice %arg2[%dma_wait3A_453, %mul3A_452, %dma_wait3A_463] : memref<26x128x128xi32, #tpu.memory_space<hbm>> -> memref<1x4x128xi32, #tpu.memory_space<hbm>>
    %dma_wait3A_465 = tpu.memref_squeeze %dma_wait3A_464 : memref<1x4x128xi32, #tpu.memory_space<hbm>> -> memref<4x128xi32, #tpu.memory_space<hbm>>
    tpu.wait_dma2 semaphore(%arg7 : memref<!tpu.dma_semaphore, #tpu.memory_space<semaphore_mem>>) src(%dma_wait3A_465 : memref<4x128xi32, #tpu.memory_space<hbm>>) dst(%dma_wait3A_462 : memref<4x128xi32, #tpu.memory_space<vmem>>)
    %mul3A_466 = arith.constant 4 : i32
    %mul3A_467 = arith.muli %add3A, %mul3A_466 : i32
    %dma_wait3A_468 = arith.constant 5 : i32
    %dma_wait3A_469 = arith.constant 20 : i32
    %dma_wait3A_470 = arith.constant 0 : i32
    %dma_wait3A_471 = tpu.memref_slice %arg5[%dma_wait3A_469, %dma_wait3A_470] : memref<104x128xi32, #tpu.memory_space<vmem>> -> memref<4x128xi32, #tpu.memory_space<vmem>>
    %dma_wait3A_472 = arith.constant 0 : i32
    %dma_wait3A_473 = tpu.memref_slice %arg2[%dma_wait3A_468, %mul3A_467, %dma_wait3A_472] : memref<26x128x128xi32, #tpu.memory_space<hbm>> -> memref<1x4x128xi32, #tpu.memory_space<hbm>>
    %dma_wait3A_474 = tpu.memref_squeeze %dma_wait3A_473 : memref<1x4x128xi32, #tpu.memory_space<hbm>> -> memref<4x128xi32, #tpu.memory_space<hbm>>
    %dma_wait3A_475 = arith.constant 20 : i32
    %dma_wait3A_476 = arith.constant 0 : i32
    %dma_wait3A_477 = tpu.memref_slice %arg5[%dma_wait3A_475, %dma_wait3A_476] : memref<104x128xi32, #tpu.memory_space<vmem>> -> memref<4x128xi32, #tpu.memory_space<vmem>>
    %dma_wait3A_478 = arith.constant 0 : i32
    %dma_wait3A_479 = tpu.memref_slice %arg2[%dma_wait3A_468, %mul3A_467, %dma_wait3A_478] : memref<26x128x128xi32, #tpu.memory_space<hbm>> -> memref<1x4x128xi32, #tpu.memory_space<hbm>>
    %dma_wait3A_480 = tpu.memref_squeeze %dma_wait3A_479 : memref<1x4x128xi32, #tpu.memory_space<hbm>> -> memref<4x128xi32, #tpu.memory_space<hbm>>
    tpu.wait_dma2 semaphore(%arg7 : memref<!tpu.dma_semaphore, #tpu.memory_space<semaphore_mem>>) src(%dma_wait3A_480 : memref<4x128xi32, #tpu.memory_space<hbm>>) dst(%dma_wait3A_477 : memref<4x128xi32, #tpu.memory_space<vmem>>)
    %mul3A_481 = arith.constant 4 : i32
    %mul3A_482 = arith.muli %add3A, %mul3A_481 : i32
    %dma_wait3A_483 = arith.constant 6 : i32
    %dma_wait3A_484 = arith.constant 24 : i32
    %dma_wait3A_485 = arith.constant 0 : i32
    %dma_wait3A_486 = tpu.memref_slice %arg5[%dma_wait3A_484, %dma_wait3A_485] : memref<104x128xi32, #tpu.memory_space<vmem>> -> memref<4x128xi32, #tpu.memory_space<vmem>>
    %dma_wait3A_487 = arith.constant 0 : i32
    %dma_wait3A_488 = tpu.memref_slice %arg2[%dma_wait3A_483, %mul3A_482, %dma_wait3A_487] : memref<26x128x128xi32, #tpu.memory_space<hbm>> -> memref<1x4x128xi32, #tpu.memory_space<hbm>>
    %dma_wait3A_489 = tpu.memref_squeeze %dma_wait3A_488 : memref<1x4x128xi32, #tpu.memory_space<hbm>> -> memref<4x128xi32, #tpu.memory_space<hbm>>
    %dma_wait3A_490 = arith.constant 24 : i32
    %dma_wait3A_491 = arith.constant 0 : i32
    %dma_wait3A_492 = tpu.memref_slice %arg5[%dma_wait3A_490, %dma_wait3A_491] : memref<104x128xi32, #tpu.memory_space<vmem>> -> memref<4x128xi32, #tpu.memory_space<vmem>>
    %dma_wait3A_493 = arith.constant 0 : i32
    %dma_wait3A_494 = tpu.memref_slice %arg2[%dma_wait3A_483, %mul3A_482, %dma_wait3A_493] : memref<26x128x128xi32, #tpu.memory_space<hbm>> -> memref<1x4x128xi32, #tpu.memory_space<hbm>>
    %dma_wait3A_495 = tpu.memref_squeeze %dma_wait3A_494 : memref<1x4x128xi32, #tpu.memory_space<hbm>> -> memref<4x128xi32, #tpu.memory_space<hbm>>
    tpu.wait_dma2 semaphore(%arg7 : memref<!tpu.dma_semaphore, #tpu.memory_space<semaphore_mem>>) src(%dma_wait3A_495 : memref<4x128xi32, #tpu.memory_space<hbm>>) dst(%dma_wait3A_492 : memref<4x128xi32, #tpu.memory_space<vmem>>)
    %mul3A_496 = arith.constant 4 : i32
    %mul3A_497 = arith.muli %add3A, %mul3A_496 : i32
    %dma_wait3A_498 = arith.constant 7 : i32
    %dma_wait3A_499 = arith.constant 28 : i32
    %dma_wait3A_500 = arith.constant 0 : i32
    %dma_wait3A_501 = tpu.memref_slice %arg5[%dma_wait3A_499, %dma_wait3A_500] : memref<104x128xi32, #tpu.memory_space<vmem>> -> memref<4x128xi32, #tpu.memory_space<vmem>>
    %dma_wait3A_502 = arith.constant 0 : i32
    %dma_wait3A_503 = tpu.memref_slice %arg2[%dma_wait3A_498, %mul3A_497, %dma_wait3A_502] : memref<26x128x128xi32, #tpu.memory_space<hbm>> -> memref<1x4x128xi32, #tpu.memory_space<hbm>>
    %dma_wait3A_504 = tpu.memref_squeeze %dma_wait3A_503 : memref<1x4x128xi32, #tpu.memory_space<hbm>> -> memref<4x128xi32, #tpu.memory_space<hbm>>
    %dma_wait3A_505 = arith.constant 28 : i32
    %dma_wait3A_506 = arith.constant 0 : i32
    %dma_wait3A_507 = tpu.memref_slice %arg5[%dma_wait3A_505, %dma_wait3A_506] : memref<104x128xi32, #tpu.memory_space<vmem>> -> memref<4x128xi32, #tpu.memory_space<vmem>>
    %dma_wait3A_508 = arith.constant 0 : i32
    %dma_wait3A_509 = tpu.memref_slice %arg2[%dma_wait3A_498, %mul3A_497, %dma_wait3A_508] : memref<26x128x128xi32, #tpu.memory_space<hbm>> -> memref<1x4x128xi32, #tpu.memory_space<hbm>>
    %dma_wait3A_510 = tpu.memref_squeeze %dma_wait3A_509 : memref<1x4x128xi32, #tpu.memory_space<hbm>> -> memref<4x128xi32, #tpu.memory_space<hbm>>
    tpu.wait_dma2 semaphore(%arg7 : memref<!tpu.dma_semaphore, #tpu.memory_space<semaphore_mem>>) src(%dma_wait3A_510 : memref<4x128xi32, #tpu.memory_space<hbm>>) dst(%dma_wait3A_507 : memref<4x128xi32, #tpu.memory_space<vmem>>)
    %mul3A_511 = arith.constant 4 : i32
    %mul3A_512 = arith.muli %add3A, %mul3A_511 : i32
    %dma_wait3A_513 = arith.constant 8 : i32
    %dma_wait3A_514 = arith.constant 32 : i32
    %dma_wait3A_515 = arith.constant 0 : i32
    %dma_wait3A_516 = tpu.memref_slice %arg5[%dma_wait3A_514, %dma_wait3A_515] : memref<104x128xi32, #tpu.memory_space<vmem>> -> memref<4x128xi32, #tpu.memory_space<vmem>>
    %dma_wait3A_517 = arith.constant 0 : i32
    %dma_wait3A_518 = tpu.memref_slice %arg2[%dma_wait3A_513, %mul3A_512, %dma_wait3A_517] : memref<26x128x128xi32, #tpu.memory_space<hbm>> -> memref<1x4x128xi32, #tpu.memory_space<hbm>>
    %dma_wait3A_519 = tpu.memref_squeeze %dma_wait3A_518 : memref<1x4x128xi32, #tpu.memory_space<hbm>> -> memref<4x128xi32, #tpu.memory_space<hbm>>
    %dma_wait3A_520 = arith.constant 32 : i32
    %dma_wait3A_521 = arith.constant 0 : i32
    %dma_wait3A_522 = tpu.memref_slice %arg5[%dma_wait3A_520, %dma_wait3A_521] : memref<104x128xi32, #tpu.memory_space<vmem>> -> memref<4x128xi32, #tpu.memory_space<vmem>>
    %dma_wait3A_523 = arith.constant 0 : i32
    %dma_wait3A_524 = tpu.memref_slice %arg2[%dma_wait3A_513, %mul3A_512, %dma_wait3A_523] : memref<26x128x128xi32, #tpu.memory_space<hbm>> -> memref<1x4x128xi32, #tpu.memory_space<hbm>>
    %dma_wait3A_525 = tpu.memref_squeeze %dma_wait3A_524 : memref<1x4x128xi32, #tpu.memory_space<hbm>> -> memref<4x128xi32, #tpu.memory_space<hbm>>
    tpu.wait_dma2 semaphore(%arg7 : memref<!tpu.dma_semaphore, #tpu.memory_space<semaphore_mem>>) src(%dma_wait3A_525 : memref<4x128xi32, #tpu.memory_space<hbm>>) dst(%dma_wait3A_522 : memref<4x128xi32, #tpu.memory_space<vmem>>)
    %mul3A_526 = arith.constant 4 : i32
    %mul3A_527 = arith.muli %add3A, %mul3A_526 : i32
    %dma_wait3A_528 = arith.constant 9 : i32
    %dma_wait3A_529 = arith.constant 36 : i32
    %dma_wait3A_530 = arith.constant 0 : i32
    %dma_wait3A_531 = tpu.memref_slice %arg5[%dma_wait3A_529, %dma_wait3A_530] : memref<104x128xi32, #tpu.memory_space<vmem>> -> memref<4x128xi32, #tpu.memory_space<vmem>>
    %dma_wait3A_532 = arith.constant 0 : i32
    %dma_wait3A_533 = tpu.memref_slice %arg2[%dma_wait3A_528, %mul3A_527, %dma_wait3A_532] : memref<26x128x128xi32, #tpu.memory_space<hbm>> -> memref<1x4x128xi32, #tpu.memory_space<hbm>>
    %dma_wait3A_534 = tpu.memref_squeeze %dma_wait3A_533 : memref<1x4x128xi32, #tpu.memory_space<hbm>> -> memref<4x128xi32, #tpu.memory_space<hbm>>
    %dma_wait3A_535 = arith.constant 36 : i32
    %dma_wait3A_536 = arith.constant 0 : i32
    %dma_wait3A_537 = tpu.memref_slice %arg5[%dma_wait3A_535, %dma_wait3A_536] : memref<104x128xi32, #tpu.memory_space<vmem>> -> memref<4x128xi32, #tpu.memory_space<vmem>>
    %dma_wait3A_538 = arith.constant 0 : i32
    %dma_wait3A_539 = tpu.memref_slice %arg2[%dma_wait3A_528, %mul3A_527, %dma_wait3A_538] : memref<26x128x128xi32, #tpu.memory_space<hbm>> -> memref<1x4x128xi32, #tpu.memory_space<hbm>>
    %dma_wait3A_540 = tpu.memref_squeeze %dma_wait3A_539 : memref<1x4x128xi32, #tpu.memory_space<hbm>> -> memref<4x128xi32, #tpu.memory_space<hbm>>
    tpu.wait_dma2 semaphore(%arg7 : memref<!tpu.dma_semaphore, #tpu.memory_space<semaphore_mem>>) src(%dma_wait3A_540 : memref<4x128xi32, #tpu.memory_space<hbm>>) dst(%dma_wait3A_537 : memref<4x128xi32, #tpu.memory_space<vmem>>)
    %mul3A_541 = arith.constant 4 : i32
    %mul3A_542 = arith.muli %add3A, %mul3A_541 : i32
    %dma_wait3A_543 = arith.constant 10 : i32
    %dma_wait3A_544 = arith.constant 40 : i32
    %dma_wait3A_545 = arith.constant 0 : i32
    %dma_wait3A_546 = tpu.memref_slice %arg5[%dma_wait3A_544, %dma_wait3A_545] : memref<104x128xi32, #tpu.memory_space<vmem>> -> memref<4x128xi32, #tpu.memory_space<vmem>>
    %dma_wait3A_547 = arith.constant 0 : i32
    %dma_wait3A_548 = tpu.memref_slice %arg2[%dma_wait3A_543, %mul3A_542, %dma_wait3A_547] : memref<26x128x128xi32, #tpu.memory_space<hbm>> -> memref<1x4x128xi32, #tpu.memory_space<hbm>>
    %dma_wait3A_549 = tpu.memref_squeeze %dma_wait3A_548 : memref<1x4x128xi32, #tpu.memory_space<hbm>> -> memref<4x128xi32, #tpu.memory_space<hbm>>
    %dma_wait3A_550 = arith.constant 40 : i32
    %dma_wait3A_551 = arith.constant 0 : i32
    %dma_wait3A_552 = tpu.memref_slice %arg5[%dma_wait3A_550, %dma_wait3A_551] : memref<104x128xi32, #tpu.memory_space<vmem>> -> memref<4x128xi32, #tpu.memory_space<vmem>>
    %dma_wait3A_553 = arith.constant 0 : i32
    %dma_wait3A_554 = tpu.memref_slice %arg2[%dma_wait3A_543, %mul3A_542, %dma_wait3A_553] : memref<26x128x128xi32, #tpu.memory_space<hbm>> -> memref<1x4x128xi32, #tpu.memory_space<hbm>>
    %dma_wait3A_555 = tpu.memref_squeeze %dma_wait3A_554 : memref<1x4x128xi32, #tpu.memory_space<hbm>> -> memref<4x128xi32, #tpu.memory_space<hbm>>
    tpu.wait_dma2 semaphore(%arg7 : memref<!tpu.dma_semaphore, #tpu.memory_space<semaphore_mem>>) src(%dma_wait3A_555 : memref<4x128xi32, #tpu.memory_space<hbm>>) dst(%dma_wait3A_552 : memref<4x128xi32, #tpu.memory_space<vmem>>)
    %mul3A_556 = arith.constant 4 : i32
    %mul3A_557 = arith.muli %add3A, %mul3A_556 : i32
    %dma_wait3A_558 = arith.constant 11 : i32
    %dma_wait3A_559 = arith.constant 44 : i32
    %dma_wait3A_560 = arith.constant 0 : i32
    %dma_wait3A_561 = tpu.memref_slice %arg5[%dma_wait3A_559, %dma_wait3A_560] : memref<104x128xi32, #tpu.memory_space<vmem>> -> memref<4x128xi32, #tpu.memory_space<vmem>>
    %dma_wait3A_562 = arith.constant 0 : i32
    %dma_wait3A_563 = tpu.memref_slice %arg2[%dma_wait3A_558, %mul3A_557, %dma_wait3A_562] : memref<26x128x128xi32, #tpu.memory_space<hbm>> -> memref<1x4x128xi32, #tpu.memory_space<hbm>>
    %dma_wait3A_564 = tpu.memref_squeeze %dma_wait3A_563 : memref<1x4x128xi32, #tpu.memory_space<hbm>> -> memref<4x128xi32, #tpu.memory_space<hbm>>
    %dma_wait3A_565 = arith.constant 44 : i32
    %dma_wait3A_566 = arith.constant 0 : i32
    %dma_wait3A_567 = tpu.memref_slice %arg5[%dma_wait3A_565, %dma_wait3A_566] : memref<104x128xi32, #tpu.memory_space<vmem>> -> memref<4x128xi32, #tpu.memory_space<vmem>>
    %dma_wait3A_568 = arith.constant 0 : i32
    %dma_wait3A_569 = tpu.memref_slice %arg2[%dma_wait3A_558, %mul3A_557, %dma_wait3A_568] : memref<26x128x128xi32, #tpu.memory_space<hbm>> -> memref<1x4x128xi32, #tpu.memory_space<hbm>>
    %dma_wait3A_570 = tpu.memref_squeeze %dma_wait3A_569 : memref<1x4x128xi32, #tpu.memory_space<hbm>> -> memref<4x128xi32, #tpu.memory_space<hbm>>
    tpu.wait_dma2 semaphore(%arg7 : memref<!tpu.dma_semaphore, #tpu.memory_space<semaphore_mem>>) src(%dma_wait3A_570 : memref<4x128xi32, #tpu.memory_space<hbm>>) dst(%dma_wait3A_567 : memref<4x128xi32, #tpu.memory_space<vmem>>)
    %mul3A_571 = arith.constant 4 : i32
    %mul3A_572 = arith.muli %add3A, %mul3A_571 : i32
    %dma_wait3A_573 = arith.constant 12 : i32
    %dma_wait3A_574 = arith.constant 48 : i32
    %dma_wait3A_575 = arith.constant 0 : i32
    %dma_wait3A_576 = tpu.memref_slice %arg5[%dma_wait3A_574, %dma_wait3A_575] : memref<104x128xi32, #tpu.memory_space<vmem>> -> memref<4x128xi32, #tpu.memory_space<vmem>>
    %dma_wait3A_577 = arith.constant 0 : i32
    %dma_wait3A_578 = tpu.memref_slice %arg2[%dma_wait3A_573, %mul3A_572, %dma_wait3A_577] : memref<26x128x128xi32, #tpu.memory_space<hbm>> -> memref<1x4x128xi32, #tpu.memory_space<hbm>>
    %dma_wait3A_579 = tpu.memref_squeeze %dma_wait3A_578 : memref<1x4x128xi32, #tpu.memory_space<hbm>> -> memref<4x128xi32, #tpu.memory_space<hbm>>
    %dma_wait3A_580 = arith.constant 48 : i32
    %dma_wait3A_581 = arith.constant 0 : i32
    %dma_wait3A_582 = tpu.memref_slice %arg5[%dma_wait3A_580, %dma_wait3A_581] : memref<104x128xi32, #tpu.memory_space<vmem>> -> memref<4x128xi32, #tpu.memory_space<vmem>>
    %dma_wait3A_583 = arith.constant 0 : i32
    %dma_wait3A_584 = tpu.memref_slice %arg2[%dma_wait3A_573, %mul3A_572, %dma_wait3A_583] : memref<26x128x128xi32, #tpu.memory_space<hbm>> -> memref<1x4x128xi32, #tpu.memory_space<hbm>>
    %dma_wait3A_585 = tpu.memref_squeeze %dma_wait3A_584 : memref<1x4x128xi32, #tpu.memory_space<hbm>> -> memref<4x128xi32, #tpu.memory_space<hbm>>
    tpu.wait_dma2 semaphore(%arg7 : memref<!tpu.dma_semaphore, #tpu.memory_space<semaphore_mem>>) src(%dma_wait3A_585 : memref<4x128xi32, #tpu.memory_space<hbm>>) dst(%dma_wait3A_582 : memref<4x128xi32, #tpu.memory_space<vmem>>)
    %mul3A_586 = arith.constant 4 : i32
    %mul3A_587 = arith.muli %add3A, %mul3A_586 : i32
    %dma_wait3A_588 = arith.constant 13 : i32
    %dma_wait3A_589 = arith.constant 52 : i32
    %dma_wait3A_590 = arith.constant 0 : i32
    %dma_wait3A_591 = tpu.memref_slice %arg5[%dma_wait3A_589, %dma_wait3A_590] : memref<104x128xi32, #tpu.memory_space<vmem>> -> memref<4x128xi32, #tpu.memory_space<vmem>>
    %dma_wait3A_592 = arith.constant 0 : i32
    %dma_wait3A_593 = tpu.memref_slice %arg2[%dma_wait3A_588, %mul3A_587, %dma_wait3A_592] : memref<26x128x128xi32, #tpu.memory_space<hbm>> -> memref<1x4x128xi32, #tpu.memory_space<hbm>>
    %dma_wait3A_594 = tpu.memref_squeeze %dma_wait3A_593 : memref<1x4x128xi32, #tpu.memory_space<hbm>> -> memref<4x128xi32, #tpu.memory_space<hbm>>
    %dma_wait3A_595 = arith.constant 52 : i32
    %dma_wait3A_596 = arith.constant 0 : i32
    %dma_wait3A_597 = tpu.memref_slice %arg5[%dma_wait3A_595, %dma_wait3A_596] : memref<104x128xi32, #tpu.memory_space<vmem>> -> memref<4x128xi32, #tpu.memory_space<vmem>>
    %dma_wait3A_598 = arith.constant 0 : i32
    %dma_wait3A_599 = tpu.memref_slice %arg2[%dma_wait3A_588, %mul3A_587, %dma_wait3A_598] : memref<26x128x128xi32, #tpu.memory_space<hbm>> -> memref<1x4x128xi32, #tpu.memory_space<hbm>>
    %dma_wait3A_600 = tpu.memref_squeeze %dma_wait3A_599 : memref<1x4x128xi32, #tpu.memory_space<hbm>> -> memref<4x128xi32, #tpu.memory_space<hbm>>
    tpu.wait_dma2 semaphore(%arg7 : memref<!tpu.dma_semaphore, #tpu.memory_space<semaphore_mem>>) src(%dma_wait3A_600 : memref<4x128xi32, #tpu.memory_space<hbm>>) dst(%dma_wait3A_597 : memref<4x128xi32, #tpu.memory_space<vmem>>)
    %mul3A_601 = arith.constant 4 : i32
    %mul3A_602 = arith.muli %add3A, %mul3A_601 : i32
    %dma_wait3A_603 = arith.constant 14 : i32
    %dma_wait3A_604 = arith.constant 56 : i32
    %dma_wait3A_605 = arith.constant 0 : i32
    %dma_wait3A_606 = tpu.memref_slice %arg5[%dma_wait3A_604, %dma_wait3A_605] : memref<104x128xi32, #tpu.memory_space<vmem>> -> memref<4x128xi32, #tpu.memory_space<vmem>>
    %dma_wait3A_607 = arith.constant 0 : i32
    %dma_wait3A_608 = tpu.memref_slice %arg2[%dma_wait3A_603, %mul3A_602, %dma_wait3A_607] : memref<26x128x128xi32, #tpu.memory_space<hbm>> -> memref<1x4x128xi32, #tpu.memory_space<hbm>>
    %dma_wait3A_609 = tpu.memref_squeeze %dma_wait3A_608 : memref<1x4x128xi32, #tpu.memory_space<hbm>> -> memref<4x128xi32, #tpu.memory_space<hbm>>
    %dma_wait3A_610 = arith.constant 56 : i32
    %dma_wait3A_611 = arith.constant 0 : i32
    %dma_wait3A_612 = tpu.memref_slice %arg5[%dma_wait3A_610, %dma_wait3A_611] : memref<104x128xi32, #tpu.memory_space<vmem>> -> memref<4x128xi32, #tpu.memory_space<vmem>>
    %dma_wait3A_613 = arith.constant 0 : i32
    %dma_wait3A_614 = tpu.memref_slice %arg2[%dma_wait3A_603, %mul3A_602, %dma_wait3A_613] : memref<26x128x128xi32, #tpu.memory_space<hbm>> -> memref<1x4x128xi32, #tpu.memory_space<hbm>>
    %dma_wait3A_615 = tpu.memref_squeeze %dma_wait3A_614 : memref<1x4x128xi32, #tpu.memory_space<hbm>> -> memref<4x128xi32, #tpu.memory_space<hbm>>
    tpu.wait_dma2 semaphore(%arg7 : memref<!tpu.dma_semaphore, #tpu.memory_space<semaphore_mem>>) src(%dma_wait3A_615 : memref<4x128xi32, #tpu.memory_space<hbm>>) dst(%dma_wait3A_612 : memref<4x128xi32, #tpu.memory_space<vmem>>)
    %mul3A_616 = arith.constant 4 : i32
    %mul3A_617 = arith.muli %add3A, %mul3A_616 : i32
    %dma_wait3A_618 = arith.constant 15 : i32
    %dma_wait3A_619 = arith.constant 60 : i32
    %dma_wait3A_620 = arith.constant 0 : i32
    %dma_wait3A_621 = tpu.memref_slice %arg5[%dma_wait3A_619, %dma_wait3A_620] : memref<104x128xi32, #tpu.memory_space<vmem>> -> memref<4x128xi32, #tpu.memory_space<vmem>>
    %dma_wait3A_622 = arith.constant 0 : i32
    %dma_wait3A_623 = tpu.memref_slice %arg2[%dma_wait3A_618, %mul3A_617, %dma_wait3A_622] : memref<26x128x128xi32, #tpu.memory_space<hbm>> -> memref<1x4x128xi32, #tpu.memory_space<hbm>>
    %dma_wait3A_624 = tpu.memref_squeeze %dma_wait3A_623 : memref<1x4x128xi32, #tpu.memory_space<hbm>> -> memref<4x128xi32, #tpu.memory_space<hbm>>
    %dma_wait3A_625 = arith.constant 60 : i32
    %dma_wait3A_626 = arith.constant 0 : i32
    %dma_wait3A_627 = tpu.memref_slice %arg5[%dma_wait3A_625, %dma_wait3A_626] : memref<104x128xi32, #tpu.memory_space<vmem>> -> memref<4x128xi32, #tpu.memory_space<vmem>>
    %dma_wait3A_628 = arith.constant 0 : i32
    %dma_wait3A_629 = tpu.memref_slice %arg2[%dma_wait3A_618, %mul3A_617, %dma_wait3A_628] : memref<26x128x128xi32, #tpu.memory_space<hbm>> -> memref<1x4x128xi32, #tpu.memory_space<hbm>>
    %dma_wait3A_630 = tpu.memref_squeeze %dma_wait3A_629 : memref<1x4x128xi32, #tpu.memory_space<hbm>> -> memref<4x128xi32, #tpu.memory_space<hbm>>
    tpu.wait_dma2 semaphore(%arg7 : memref<!tpu.dma_semaphore, #tpu.memory_space<semaphore_mem>>) src(%dma_wait3A_630 : memref<4x128xi32, #tpu.memory_space<hbm>>) dst(%dma_wait3A_627 : memref<4x128xi32, #tpu.memory_space<vmem>>)
    %mul3A_631 = arith.constant 4 : i32
    %mul3A_632 = arith.muli %add3A, %mul3A_631 : i32
    %dma_wait3A_633 = arith.constant 16 : i32
    %dma_wait3A_634 = arith.constant 64 : i32
    %dma_wait3A_635 = arith.constant 0 : i32
    %dma_wait3A_636 = tpu.memref_slice %arg5[%dma_wait3A_634, %dma_wait3A_635] : memref<104x128xi32, #tpu.memory_space<vmem>> -> memref<4x128xi32, #tpu.memory_space<vmem>>
    %dma_wait3A_637 = arith.constant 0 : i32
    %dma_wait3A_638 = tpu.memref_slice %arg2[%dma_wait3A_633, %mul3A_632, %dma_wait3A_637] : memref<26x128x128xi32, #tpu.memory_space<hbm>> -> memref<1x4x128xi32, #tpu.memory_space<hbm>>
    %dma_wait3A_639 = tpu.memref_squeeze %dma_wait3A_638 : memref<1x4x128xi32, #tpu.memory_space<hbm>> -> memref<4x128xi32, #tpu.memory_space<hbm>>
    %dma_wait3A_640 = arith.constant 64 : i32
    %dma_wait3A_641 = arith.constant 0 : i32
    %dma_wait3A_642 = tpu.memref_slice %arg5[%dma_wait3A_640, %dma_wait3A_641] : memref<104x128xi32, #tpu.memory_space<vmem>> -> memref<4x128xi32, #tpu.memory_space<vmem>>
    %dma_wait3A_643 = arith.constant 0 : i32
    %dma_wait3A_644 = tpu.memref_slice %arg2[%dma_wait3A_633, %mul3A_632, %dma_wait3A_643] : memref<26x128x128xi32, #tpu.memory_space<hbm>> -> memref<1x4x128xi32, #tpu.memory_space<hbm>>
    %dma_wait3A_645 = tpu.memref_squeeze %dma_wait3A_644 : memref<1x4x128xi32, #tpu.memory_space<hbm>> -> memref<4x128xi32, #tpu.memory_space<hbm>>
    tpu.wait_dma2 semaphore(%arg7 : memref<!tpu.dma_semaphore, #tpu.memory_space<semaphore_mem>>) src(%dma_wait3A_645 : memref<4x128xi32, #tpu.memory_space<hbm>>) dst(%dma_wait3A_642 : memref<4x128xi32, #tpu.memory_space<vmem>>)
    %mul3A_646 = arith.constant 4 : i32
    %mul3A_647 = arith.muli %add3A, %mul3A_646 : i32
    %dma_wait3A_648 = arith.constant 17 : i32
    %dma_wait3A_649 = arith.constant 68 : i32
    %dma_wait3A_650 = arith.constant 0 : i32
    %dma_wait3A_651 = tpu.memref_slice %arg5[%dma_wait3A_649, %dma_wait3A_650] : memref<104x128xi32, #tpu.memory_space<vmem>> -> memref<4x128xi32, #tpu.memory_space<vmem>>
    %dma_wait3A_652 = arith.constant 0 : i32
    %dma_wait3A_653 = tpu.memref_slice %arg2[%dma_wait3A_648, %mul3A_647, %dma_wait3A_652] : memref<26x128x128xi32, #tpu.memory_space<hbm>> -> memref<1x4x128xi32, #tpu.memory_space<hbm>>
    %dma_wait3A_654 = tpu.memref_squeeze %dma_wait3A_653 : memref<1x4x128xi32, #tpu.memory_space<hbm>> -> memref<4x128xi32, #tpu.memory_space<hbm>>
    %dma_wait3A_655 = arith.constant 68 : i32
    %dma_wait3A_656 = arith.constant 0 : i32
    %dma_wait3A_657 = tpu.memref_slice %arg5[%dma_wait3A_655, %dma_wait3A_656] : memref<104x128xi32, #tpu.memory_space<vmem>> -> memref<4x128xi32, #tpu.memory_space<vmem>>
    %dma_wait3A_658 = arith.constant 0 : i32
    %dma_wait3A_659 = tpu.memref_slice %arg2[%dma_wait3A_648, %mul3A_647, %dma_wait3A_658] : memref<26x128x128xi32, #tpu.memory_space<hbm>> -> memref<1x4x128xi32, #tpu.memory_space<hbm>>
    %dma_wait3A_660 = tpu.memref_squeeze %dma_wait3A_659 : memref<1x4x128xi32, #tpu.memory_space<hbm>> -> memref<4x128xi32, #tpu.memory_space<hbm>>
    tpu.wait_dma2 semaphore(%arg7 : memref<!tpu.dma_semaphore, #tpu.memory_space<semaphore_mem>>) src(%dma_wait3A_660 : memref<4x128xi32, #tpu.memory_space<hbm>>) dst(%dma_wait3A_657 : memref<4x128xi32, #tpu.memory_space<vmem>>)
    %mul3A_661 = arith.constant 4 : i32
    %mul3A_662 = arith.muli %add3A, %mul3A_661 : i32
    %dma_wait3A_663 = arith.constant 18 : i32
    %dma_wait3A_664 = arith.constant 72 : i32
    %dma_wait3A_665 = arith.constant 0 : i32
    %dma_wait3A_666 = tpu.memref_slice %arg5[%dma_wait3A_664, %dma_wait3A_665] : memref<104x128xi32, #tpu.memory_space<vmem>> -> memref<4x128xi32, #tpu.memory_space<vmem>>
    %dma_wait3A_667 = arith.constant 0 : i32
    %dma_wait3A_668 = tpu.memref_slice %arg2[%dma_wait3A_663, %mul3A_662, %dma_wait3A_667] : memref<26x128x128xi32, #tpu.memory_space<hbm>> -> memref<1x4x128xi32, #tpu.memory_space<hbm>>
    %dma_wait3A_669 = tpu.memref_squeeze %dma_wait3A_668 : memref<1x4x128xi32, #tpu.memory_space<hbm>> -> memref<4x128xi32, #tpu.memory_space<hbm>>
    %dma_wait3A_670 = arith.constant 72 : i32
    %dma_wait3A_671 = arith.constant 0 : i32
    %dma_wait3A_672 = tpu.memref_slice %arg5[%dma_wait3A_670, %dma_wait3A_671] : memref<104x128xi32, #tpu.memory_space<vmem>> -> memref<4x128xi32, #tpu.memory_space<vmem>>
    %dma_wait3A_673 = arith.constant 0 : i32
    %dma_wait3A_674 = tpu.memref_slice %arg2[%dma_wait3A_663, %mul3A_662, %dma_wait3A_673] : memref<26x128x128xi32, #tpu.memory_space<hbm>> -> memref<1x4x128xi32, #tpu.memory_space<hbm>>
    %dma_wait3A_675 = tpu.memref_squeeze %dma_wait3A_674 : memref<1x4x128xi32, #tpu.memory_space<hbm>> -> memref<4x128xi32, #tpu.memory_space<hbm>>
    tpu.wait_dma2 semaphore(%arg7 : memref<!tpu.dma_semaphore, #tpu.memory_space<semaphore_mem>>) src(%dma_wait3A_675 : memref<4x128xi32, #tpu.memory_space<hbm>>) dst(%dma_wait3A_672 : memref<4x128xi32, #tpu.memory_space<vmem>>)
    %mul3A_676 = arith.constant 4 : i32
    %mul3A_677 = arith.muli %add3A, %mul3A_676 : i32
    %dma_wait3A_678 = arith.constant 19 : i32
    %dma_wait3A_679 = arith.constant 76 : i32
    %dma_wait3A_680 = arith.constant 0 : i32
    %dma_wait3A_681 = tpu.memref_slice %arg5[%dma_wait3A_679, %dma_wait3A_680] : memref<104x128xi32, #tpu.memory_space<vmem>> -> memref<4x128xi32, #tpu.memory_space<vmem>>
    %dma_wait3A_682 = arith.constant 0 : i32
    %dma_wait3A_683 = tpu.memref_slice %arg2[%dma_wait3A_678, %mul3A_677, %dma_wait3A_682] : memref<26x128x128xi32, #tpu.memory_space<hbm>> -> memref<1x4x128xi32, #tpu.memory_space<hbm>>
    %dma_wait3A_684 = tpu.memref_squeeze %dma_wait3A_683 : memref<1x4x128xi32, #tpu.memory_space<hbm>> -> memref<4x128xi32, #tpu.memory_space<hbm>>
    %dma_wait3A_685 = arith.constant 76 : i32
    %dma_wait3A_686 = arith.constant 0 : i32
    %dma_wait3A_687 = tpu.memref_slice %arg5[%dma_wait3A_685, %dma_wait3A_686] : memref<104x128xi32, #tpu.memory_space<vmem>> -> memref<4x128xi32, #tpu.memory_space<vmem>>
    %dma_wait3A_688 = arith.constant 0 : i32
    %dma_wait3A_689 = tpu.memref_slice %arg2[%dma_wait3A_678, %mul3A_677, %dma_wait3A_688] : memref<26x128x128xi32, #tpu.memory_space<hbm>> -> memref<1x4x128xi32, #tpu.memory_space<hbm>>
    %dma_wait3A_690 = tpu.memref_squeeze %dma_wait3A_689 : memref<1x4x128xi32, #tpu.memory_space<hbm>> -> memref<4x128xi32, #tpu.memory_space<hbm>>
    tpu.wait_dma2 semaphore(%arg7 : memref<!tpu.dma_semaphore, #tpu.memory_space<semaphore_mem>>) src(%dma_wait3A_690 : memref<4x128xi32, #tpu.memory_space<hbm>>) dst(%dma_wait3A_687 : memref<4x128xi32, #tpu.memory_space<vmem>>)
    %mul3A_691 = arith.constant 4 : i32
    %mul3A_692 = arith.muli %add3A, %mul3A_691 : i32
    %dma_wait3A_693 = arith.constant 20 : i32
    %dma_wait3A_694 = arith.constant 80 : i32
    %dma_wait3A_695 = arith.constant 0 : i32
    %dma_wait3A_696 = tpu.memref_slice %arg5[%dma_wait3A_694, %dma_wait3A_695] : memref<104x128xi32, #tpu.memory_space<vmem>> -> memref<4x128xi32, #tpu.memory_space<vmem>>
    %dma_wait3A_697 = arith.constant 0 : i32
    %dma_wait3A_698 = tpu.memref_slice %arg2[%dma_wait3A_693, %mul3A_692, %dma_wait3A_697] : memref<26x128x128xi32, #tpu.memory_space<hbm>> -> memref<1x4x128xi32, #tpu.memory_space<hbm>>
    %dma_wait3A_699 = tpu.memref_squeeze %dma_wait3A_698 : memref<1x4x128xi32, #tpu.memory_space<hbm>> -> memref<4x128xi32, #tpu.memory_space<hbm>>
    %dma_wait3A_700 = arith.constant 80 : i32
    %dma_wait3A_701 = arith.constant 0 : i32
    %dma_wait3A_702 = tpu.memref_slice %arg5[%dma_wait3A_700, %dma_wait3A_701] : memref<104x128xi32, #tpu.memory_space<vmem>> -> memref<4x128xi32, #tpu.memory_space<vmem>>
    %dma_wait3A_703 = arith.constant 0 : i32
    %dma_wait3A_704 = tpu.memref_slice %arg2[%dma_wait3A_693, %mul3A_692, %dma_wait3A_703] : memref<26x128x128xi32, #tpu.memory_space<hbm>> -> memref<1x4x128xi32, #tpu.memory_space<hbm>>
    %dma_wait3A_705 = tpu.memref_squeeze %dma_wait3A_704 : memref<1x4x128xi32, #tpu.memory_space<hbm>> -> memref<4x128xi32, #tpu.memory_space<hbm>>
    tpu.wait_dma2 semaphore(%arg7 : memref<!tpu.dma_semaphore, #tpu.memory_space<semaphore_mem>>) src(%dma_wait3A_705 : memref<4x128xi32, #tpu.memory_space<hbm>>) dst(%dma_wait3A_702 : memref<4x128xi32, #tpu.memory_space<vmem>>)
    %mul3A_706 = arith.constant 4 : i32
    %mul3A_707 = arith.muli %add3A, %mul3A_706 : i32
    %dma_wait3A_708 = arith.constant 21 : i32
    %dma_wait3A_709 = arith.constant 84 : i32
    %dma_wait3A_710 = arith.constant 0 : i32
    %dma_wait3A_711 = tpu.memref_slice %arg5[%dma_wait3A_709, %dma_wait3A_710] : memref<104x128xi32, #tpu.memory_space<vmem>> -> memref<4x128xi32, #tpu.memory_space<vmem>>
    %dma_wait3A_712 = arith.constant 0 : i32
    %dma_wait3A_713 = tpu.memref_slice %arg2[%dma_wait3A_708, %mul3A_707, %dma_wait3A_712] : memref<26x128x128xi32, #tpu.memory_space<hbm>> -> memref<1x4x128xi32, #tpu.memory_space<hbm>>
    %dma_wait3A_714 = tpu.memref_squeeze %dma_wait3A_713 : memref<1x4x128xi32, #tpu.memory_space<hbm>> -> memref<4x128xi32, #tpu.memory_space<hbm>>
    %dma_wait3A_715 = arith.constant 84 : i32
    %dma_wait3A_716 = arith.constant 0 : i32
    %dma_wait3A_717 = tpu.memref_slice %arg5[%dma_wait3A_715, %dma_wait3A_716] : memref<104x128xi32, #tpu.memory_space<vmem>> -> memref<4x128xi32, #tpu.memory_space<vmem>>
    %dma_wait3A_718 = arith.constant 0 : i32
    %dma_wait3A_719 = tpu.memref_slice %arg2[%dma_wait3A_708, %mul3A_707, %dma_wait3A_718] : memref<26x128x128xi32, #tpu.memory_space<hbm>> -> memref<1x4x128xi32, #tpu.memory_space<hbm>>
    %dma_wait3A_720 = tpu.memref_squeeze %dma_wait3A_719 : memref<1x4x128xi32, #tpu.memory_space<hbm>> -> memref<4x128xi32, #tpu.memory_space<hbm>>
    tpu.wait_dma2 semaphore(%arg7 : memref<!tpu.dma_semaphore, #tpu.memory_space<semaphore_mem>>) src(%dma_wait3A_720 : memref<4x128xi32, #tpu.memory_space<hbm>>) dst(%dma_wait3A_717 : memref<4x128xi32, #tpu.memory_space<vmem>>)
    %mul3A_721 = arith.constant 4 : i32
    %mul3A_722 = arith.muli %add3A, %mul3A_721 : i32
    %dma_wait3A_723 = arith.constant 22 : i32
    %dma_wait3A_724 = arith.constant 88 : i32
    %dma_wait3A_725 = arith.constant 0 : i32
    %dma_wait3A_726 = tpu.memref_slice %arg5[%dma_wait3A_724, %dma_wait3A_725] : memref<104x128xi32, #tpu.memory_space<vmem>> -> memref<4x128xi32, #tpu.memory_space<vmem>>
    %dma_wait3A_727 = arith.constant 0 : i32
    %dma_wait3A_728 = tpu.memref_slice %arg2[%dma_wait3A_723, %mul3A_722, %dma_wait3A_727] : memref<26x128x128xi32, #tpu.memory_space<hbm>> -> memref<1x4x128xi32, #tpu.memory_space<hbm>>
    %dma_wait3A_729 = tpu.memref_squeeze %dma_wait3A_728 : memref<1x4x128xi32, #tpu.memory_space<hbm>> -> memref<4x128xi32, #tpu.memory_space<hbm>>
    %dma_wait3A_730 = arith.constant 88 : i32
    %dma_wait3A_731 = arith.constant 0 : i32
    %dma_wait3A_732 = tpu.memref_slice %arg5[%dma_wait3A_730, %dma_wait3A_731] : memref<104x128xi32, #tpu.memory_space<vmem>> -> memref<4x128xi32, #tpu.memory_space<vmem>>
    %dma_wait3A_733 = arith.constant 0 : i32
    %dma_wait3A_734 = tpu.memref_slice %arg2[%dma_wait3A_723, %mul3A_722, %dma_wait3A_733] : memref<26x128x128xi32, #tpu.memory_space<hbm>> -> memref<1x4x128xi32, #tpu.memory_space<hbm>>
    %dma_wait3A_735 = tpu.memref_squeeze %dma_wait3A_734 : memref<1x4x128xi32, #tpu.memory_space<hbm>> -> memref<4x128xi32, #tpu.memory_space<hbm>>
    tpu.wait_dma2 semaphore(%arg7 : memref<!tpu.dma_semaphore, #tpu.memory_space<semaphore_mem>>) src(%dma_wait3A_735 : memref<4x128xi32, #tpu.memory_space<hbm>>) dst(%dma_wait3A_732 : memref<4x128xi32, #tpu.memory_space<vmem>>)
    %mul3A_736 = arith.constant 4 : i32
    %mul3A_737 = arith.muli %add3A, %mul3A_736 : i32
    %dma_wait3A_738 = arith.constant 23 : i32
    %dma_wait3A_739 = arith.constant 92 : i32
    %dma_wait3A_740 = arith.constant 0 : i32
    %dma_wait3A_741 = tpu.memref_slice %arg5[%dma_wait3A_739, %dma_wait3A_740] : memref<104x128xi32, #tpu.memory_space<vmem>> -> memref<4x128xi32, #tpu.memory_space<vmem>>
    %dma_wait3A_742 = arith.constant 0 : i32
    %dma_wait3A_743 = tpu.memref_slice %arg2[%dma_wait3A_738, %mul3A_737, %dma_wait3A_742] : memref<26x128x128xi32, #tpu.memory_space<hbm>> -> memref<1x4x128xi32, #tpu.memory_space<hbm>>
    %dma_wait3A_744 = tpu.memref_squeeze %dma_wait3A_743 : memref<1x4x128xi32, #tpu.memory_space<hbm>> -> memref<4x128xi32, #tpu.memory_space<hbm>>
    %dma_wait3A_745 = arith.constant 92 : i32
    %dma_wait3A_746 = arith.constant 0 : i32
    %dma_wait3A_747 = tpu.memref_slice %arg5[%dma_wait3A_745, %dma_wait3A_746] : memref<104x128xi32, #tpu.memory_space<vmem>> -> memref<4x128xi32, #tpu.memory_space<vmem>>
    %dma_wait3A_748 = arith.constant 0 : i32
    %dma_wait3A_749 = tpu.memref_slice %arg2[%dma_wait3A_738, %mul3A_737, %dma_wait3A_748] : memref<26x128x128xi32, #tpu.memory_space<hbm>> -> memref<1x4x128xi32, #tpu.memory_space<hbm>>
    %dma_wait3A_750 = tpu.memref_squeeze %dma_wait3A_749 : memref<1x4x128xi32, #tpu.memory_space<hbm>> -> memref<4x128xi32, #tpu.memory_space<hbm>>
    tpu.wait_dma2 semaphore(%arg7 : memref<!tpu.dma_semaphore, #tpu.memory_space<semaphore_mem>>) src(%dma_wait3A_750 : memref<4x128xi32, #tpu.memory_space<hbm>>) dst(%dma_wait3A_747 : memref<4x128xi32, #tpu.memory_space<vmem>>)
    %mul3A_751 = arith.constant 4 : i32
    %mul3A_752 = arith.muli %add3A, %mul3A_751 : i32
    %dma_wait3A_753 = arith.constant 24 : i32
    %dma_wait3A_754 = arith.constant 96 : i32
    %dma_wait3A_755 = arith.constant 0 : i32
    %dma_wait3A_756 = tpu.memref_slice %arg5[%dma_wait3A_754, %dma_wait3A_755] : memref<104x128xi32, #tpu.memory_space<vmem>> -> memref<4x128xi32, #tpu.memory_space<vmem>>
    %dma_wait3A_757 = arith.constant 0 : i32
    %dma_wait3A_758 = tpu.memref_slice %arg2[%dma_wait3A_753, %mul3A_752, %dma_wait3A_757] : memref<26x128x128xi32, #tpu.memory_space<hbm>> -> memref<1x4x128xi32, #tpu.memory_space<hbm>>
    %dma_wait3A_759 = tpu.memref_squeeze %dma_wait3A_758 : memref<1x4x128xi32, #tpu.memory_space<hbm>> -> memref<4x128xi32, #tpu.memory_space<hbm>>
    %dma_wait3A_760 = arith.constant 96 : i32
    %dma_wait3A_761 = arith.constant 0 : i32
    %dma_wait3A_762 = tpu.memref_slice %arg5[%dma_wait3A_760, %dma_wait3A_761] : memref<104x128xi32, #tpu.memory_space<vmem>> -> memref<4x128xi32, #tpu.memory_space<vmem>>
    %dma_wait3A_763 = arith.constant 0 : i32
    %dma_wait3A_764 = tpu.memref_slice %arg2[%dma_wait3A_753, %mul3A_752, %dma_wait3A_763] : memref<26x128x128xi32, #tpu.memory_space<hbm>> -> memref<1x4x128xi32, #tpu.memory_space<hbm>>
    %dma_wait3A_765 = tpu.memref_squeeze %dma_wait3A_764 : memref<1x4x128xi32, #tpu.memory_space<hbm>> -> memref<4x128xi32, #tpu.memory_space<hbm>>
    tpu.wait_dma2 semaphore(%arg7 : memref<!tpu.dma_semaphore, #tpu.memory_space<semaphore_mem>>) src(%dma_wait3A_765 : memref<4x128xi32, #tpu.memory_space<hbm>>) dst(%dma_wait3A_762 : memref<4x128xi32, #tpu.memory_space<vmem>>)
    %mul3A_766 = arith.constant 4 : i32
    %mul3A_767 = arith.muli %add3A, %mul3A_766 : i32
    %dma_wait3A_768 = arith.constant 25 : i32
    %dma_wait3A_769 = arith.constant 100 : i32
    %dma_wait3A_770 = arith.constant 0 : i32
    %dma_wait3A_771 = tpu.memref_slice %arg5[%dma_wait3A_769, %dma_wait3A_770] : memref<104x128xi32, #tpu.memory_space<vmem>> -> memref<4x128xi32, #tpu.memory_space<vmem>>
    %dma_wait3A_772 = arith.constant 0 : i32
    %dma_wait3A_773 = tpu.memref_slice %arg2[%dma_wait3A_768, %mul3A_767, %dma_wait3A_772] : memref<26x128x128xi32, #tpu.memory_space<hbm>> -> memref<1x4x128xi32, #tpu.memory_space<hbm>>
    %dma_wait3A_774 = tpu.memref_squeeze %dma_wait3A_773 : memref<1x4x128xi32, #tpu.memory_space<hbm>> -> memref<4x128xi32, #tpu.memory_space<hbm>>
    %dma_wait3A_775 = arith.constant 100 : i32
    %dma_wait3A_776 = arith.constant 0 : i32
    %dma_wait3A_777 = tpu.memref_slice %arg5[%dma_wait3A_775, %dma_wait3A_776] : memref<104x128xi32, #tpu.memory_space<vmem>> -> memref<4x128xi32, #tpu.memory_space<vmem>>
    %dma_wait3A_778 = arith.constant 0 : i32
    %dma_wait3A_779 = tpu.memref_slice %arg2[%dma_wait3A_768, %mul3A_767, %dma_wait3A_778] : memref<26x128x128xi32, #tpu.memory_space<hbm>> -> memref<1x4x128xi32, #tpu.memory_space<hbm>>
    %dma_wait3A_780 = tpu.memref_squeeze %dma_wait3A_779 : memref<1x4x128xi32, #tpu.memory_space<hbm>> -> memref<4x128xi32, #tpu.memory_space<hbm>>
    tpu.wait_dma2 semaphore(%arg7 : memref<!tpu.dma_semaphore, #tpu.memory_space<semaphore_mem>>) src(%dma_wait3A_780 : memref<4x128xi32, #tpu.memory_space<hbm>>) dst(%dma_wait3A_777 : memref<4x128xi32, #tpu.memory_space<vmem>>)
    %get3A = arith.constant 0 : i32
    %get3A_781 = arith.index_cast %get3A : i32 to index
    %get3A_782 = arith.constant 0 : index
    %get3A_783 = tpu.vector_load %arg5[%get3A_781, %get3A_782] {strides = array<i32>} : memref<104x128xi32, #tpu.memory_space<vmem>>, vector<1x16xi32>,
    %get3A_784 = vector.shape_cast %get3A_783 : vector<1x16xi32> to vector<16xi32>
    %add3A_785 = arith.constant 0 : i32
    %add3A_786 = vector.broadcast %add3A_785 : i32 to vector<16xi32>
    %add3A_787 = arith.addi %get3A_784, %add3A_786 : vector<16xi32>
    %swap3A = arith.constant 0 : i32
    %swap3A_788 = arith.index_cast %swap3A : i32 to index
    %swap3A_789 = arith.constant 0 : index
    %swap3A_790 = tpu.vector_load %arg5[%swap3A_788, %swap3A_789] {strides = array<i32>} : memref<104x128xi32, #tpu.memory_space<vmem>>, vector<1x16xi32>,
    %swap3A_791 = vector.shape_cast %swap3A_790 : vector<1x16xi32> to vector<16xi32>
    %swap3A_792 = vector.shape_cast %add3A_787 : vector<16xi32> to vector<1x16xi32>
    tpu.vector_store %arg5[%swap3A_788, %swap3A_789], %swap3A_792 {strides = array<i32>} : memref<104x128xi32, #tpu.memory_space<vmem>>, vector<1x16xi32>,
    %get3A_793 = arith.constant 0 : i32
    %get3A_794 = arith.index_cast %get3A_793 : i32 to index
    %get3A_795 = arith.constant 16 : index
    %get3A_796 = tpu.vector_load %arg5[%get3A_794, %get3A_795] {strides = array<i32>} : memref<104x128xi32, #tpu.memory_space<vmem>>, vector<1x16xi32>,
    %get3A_797 = vector.shape_cast %get3A_796 : vector<1x16xi32> to vector<16xi32>
    %add3A_798 = arith.constant 0 : i32
    %add3A_799 = vector.broadcast %add3A_798 : i32 to vector<16xi32>
    %add3A_800 = arith.addi %get3A_797, %add3A_799 : vector<16xi32>
    %swap3A_801 = arith.constant 0 : i32
    %swap3A_802 = arith.index_cast %swap3A_801 : i32 to index
    %swap3A_803 = arith.constant 16 : index
    %swap3A_804 = tpu.vector_load %arg5[%swap3A_802, %swap3A_803] {strides = array<i32>} : memref<104x128xi32, #tpu.memory_space<vmem>>, vector<1x16xi32>,
    %swap3A_805 = vector.shape_cast %swap3A_804 : vector<1x16xi32> to vector<16xi32>
    %swap3A_806 = vector.shape_cast %add3A_800 : vector<16xi32> to vector<1x16xi32>
    tpu.vector_store %arg5[%swap3A_802, %swap3A_803], %swap3A_806 {strides = array<i32>} : memref<104x128xi32, #tpu.memory_space<vmem>>, vector<1x16xi32>,
    %get3A_807 = arith.constant 0 : i32
    %get3A_808 = arith.index_cast %get3A_807 : i32 to index
    %get3A_809 = arith.constant 32 : index
    %get3A_810 = tpu.vector_load %arg5[%get3A_808, %get3A_809] {strides = array<i32>} : memref<104x128xi32, #tpu.memory_space<vmem>>, vector<1x16xi32>,
    %get3A_811 = vector.shape_cast %get3A_810 : vector<1x16xi32> to vector<16xi32>
    %add3A_812 = arith.constant 0 : i32
    %add3A_813 = vector.broadcast %add3A_812 : i32 to vector<16xi32>
    %add3A_814 = arith.addi %get3A_811, %add3A_813 : vector<16xi32>
    %swap3A_815 = arith.constant 0 : i32
    %swap3A_816 = arith.index_cast %swap3A_815 : i32 to index
    %swap3A_817 = arith.constant 32 : index
    %swap3A_818 = tpu.vector_load %arg5[%swap3A_816, %swap3A_817] {strides = array<i32>} : memref<104x128xi32, #tpu.memory_space<vmem>>, vector<1x16xi32>,
    %swap3A_819 = vector.shape_cast %swap3A_818 : vector<1x16xi32> to vector<16xi32>
    %swap3A_820 = vector.shape_cast %add3A_814 : vector<16xi32> to vector<1x16xi32>
    tpu.vector_store %arg5[%swap3A_816, %swap3A_817], %swap3A_820 {strides = array<i32>} : memref<104x128xi32, #tpu.memory_space<vmem>>, vector<1x16xi32>,
    %get3A_821 = arith.constant 0 : i32
    %get3A_822 = arith.index_cast %get3A_821 : i32 to index
    %get3A_823 = arith.constant 48 : index
    %get3A_824 = tpu.vector_load %arg5[%get3A_822, %get3A_823] {strides = array<i32>} : memref<104x128xi32, #tpu.memory_space<vmem>>, vector<1x16xi32>,
    %get3A_825 = vector.shape_cast %get3A_824 : vector<1x16xi32> to vector<16xi32>
    %add3A_826 = arith.constant 0 : i32
    %add3A_827 = vector.broadcast %add3A_826 : i32 to vector<16xi32>
    %add3A_828 = arith.addi %get3A_825, %add3A_827 : vector<16xi32>
    %swap3A_829 = arith.constant 0 : i32
    %swap3A_830 = arith.index_cast %swap3A_829 : i32 to index
    %swap3A_831 = arith.constant 48 : index
    %swap3A_832 = tpu.vector_load %arg5[%swap3A_830, %swap3A_831] {strides = array<i32>} : memref<104x128xi32, #tpu.memory_space<vmem>>, vector<1x16xi32>,
    %swap3A_833 = vector.shape_cast %swap3A_832 : vector<1x16xi32> to vector<16xi32>
    %swap3A_834 = vector.shape_cast %add3A_828 : vector<16xi32> to vector<1x16xi32>
    tpu.vector_store %arg5[%swap3A_830, %swap3A_831], %swap3A_834 {strides = array<i32>} : memref<104x128xi32, #tpu.memory_space<vmem>>, vector<1x16xi32>,
    %get3A_835 = arith.constant 0 : i32
    %get3A_836 = arith.index_cast %get3A_835 : i32 to index
    %get3A_837 = arith.constant 64 : index
    %get3A_838 = tpu.vector_load %arg5[%get3A_836, %get3A_837] {strides = array<i32>} : memref<104x128xi32, #tpu.memory_space<vmem>>, vector<1x16xi32>,
    %get3A_839 = vector.shape_cast %get3A_838 : vector<1x16xi32> to vector<16xi32>
    %add3A_840 = arith.constant 0 : i32
    %add3A_841 = vector.broadcast %add3A_840 : i32 to vector<16xi32>
    %add3A_842 = arith.addi %get3A_839, %add3A_841 : vector<16xi32>
    %swap3A_843 = arith.constant 0 : i32
    %swap3A_844 = arith.index_cast %swap3A_843 : i32 to index
    %swap3A_845 = arith.constant 64 : index
    %swap3A_846 = tpu.vector_load %arg5[%swap3A_844, %swap3A_845] {strides = array<i32>} : memref<104x128xi32, #tpu.memory_space<vmem>>, vector<1x16xi32>,
    %swap3A_847 = vector.shape_cast %swap3A_846 : vector<1x16xi32> to vector<16xi32>
    %swap3A_848 = vector.shape_cast %add3A_842 : vector<16xi32> to vector<1x16xi32>
    tpu.vector_store %arg5[%swap3A_844, %swap3A_845], %swap3A_848 {strides = array<i32>} : memref<104x128xi32, #tpu.memory_space<vmem>>, vector<1x16xi32>,
    %get3A_849 = arith.constant 0 : i32
    %get3A_850 = arith.index_cast %get3A_849 : i32 to index
    %get3A_851 = arith.constant 80 : index
    %get3A_852 = tpu.vector_load %arg5[%get3A_850, %get3A_851] {strides = array<i32>} : memref<104x128xi32, #tpu.memory_space<vmem>>, vector<1x16xi32>,
    %get3A_853 = vector.shape_cast %get3A_852 : vector<1x16xi32> to vector<16xi32>
    %add3A_854 = arith.constant 0 : i32
    %add3A_855 = vector.broadcast %add3A_854 : i32 to vector<16xi32>
    %add3A_856 = arith.addi %get3A_853, %add3A_855 : vector<16xi32>
    %swap3A_857 = arith.constant 0 : i32
    %swap3A_858 = arith.index_cast %swap3A_857 : i32 to index
    %swap3A_859 = arith.constant 80 : index
    %swap3A_860 = tpu.vector_load %arg5[%swap3A_858, %swap3A_859] {strides = array<i32>} : memref<104x128xi32, #tpu.memory_space<vmem>>, vector<1x16xi32>,
    %swap3A_861 = vector.shape_cast %swap3A_860 : vector<1x16xi32> to vector<16xi32>
    %swap3A_862 = vector.shape_cast %add3A_856 : vector<16xi32> to vector<1x16xi32>
    tpu.vector_store %arg5[%swap3A_858, %swap3A_859], %swap3A_862 {strides = array<i32>} : memref<104x128xi32, #tpu.memory_space<vmem>>, vector<1x16xi32>,
    %get3A_863 = arith.constant 0 : i32
    %get3A_864 = arith.index_cast %get3A_863 : i32 to index
    %get3A_865 = arith.constant 96 : index
    %get3A_866 = tpu.vector_load %arg5[%get3A_864, %get3A_865] {strides = array<i32>} : memref<104x128xi32, #tpu.memory_space<vmem>>, vector<1x16xi32>,
    %get3A_867 = vector.shape_cast %get3A_866 : vector<1x16xi32> to vector<16xi32>
    %add3A_868 = arith.constant 0 : i32
    %add3A_869 = vector.broadcast %add3A_868 : i32 to vector<16xi32>
    %add3A_870 = arith.addi %get3A_867, %add3A_869 : vector<16xi32>
    %swap3A_871 = arith.constant 0 : i32
    %swap3A_872 = arith.index_cast %swap3A_871 : i32 to index
    %swap3A_873 = arith.constant 96 : index
    %swap3A_874 = tpu.vector_load %arg5[%swap3A_872, %swap3A_873] {strides = array<i32>} : memref<104x128xi32, #tpu.memory_space<vmem>>, vector<1x16xi32>,
    %swap3A_875 = vector.shape_cast %swap3A_874 : vector<1x16xi32> to vector<16xi32>
    %swap3A_876 = vector.shape_cast %add3A_870 : vector<16xi32> to vector<1x16xi32>
    tpu.vector_store %arg5[%swap3A_872, %swap3A_873], %swap3A_876 {strides = array<i32>} : memref<104x128xi32, #tpu.memory_space<vmem>>, vector<1x16xi32>,
    %get3A_877 = arith.constant 0 : i32
    %get3A_878 = arith.index_cast %get3A_877 : i32 to index
    %get3A_879 = arith.constant 112 : index
    %get3A_880 = tpu.vector_load %arg5[%get3A_878, %get3A_879] {strides = array<i32>} : memref<104x128xi32, #tpu.memory_space<vmem>>, vector<1x16xi32>,
    %get3A_881 = vector.shape_cast %get3A_880 : vector<1x16xi32> to vector<16xi32>
    %add3A_882 = arith.constant 0 : i32
    %add3A_883 = vector.broadcast %add3A_882 : i32 to vector<16xi32>
    %add3A_884 = arith.addi %get3A_881, %add3A_883 : vector<16xi32>
    %swap3A_885 = arith.constant 0 : i32
    %swap3A_886 = arith.index_cast %swap3A_885 : i32 to index
    %swap3A_887 = arith.constant 112 : index
    %swap3A_888 = tpu.vector_load %arg5[%swap3A_886, %swap3A_887] {strides = array<i32>} : memref<104x128xi32, #tpu.memory_space<vmem>>, vector<1x16xi32>,
    %swap3A_889 = vector.shape_cast %swap3A_888 : vector<1x16xi32> to vector<16xi32>
    %swap3A_890 = vector.shape_cast %add3A_884 : vector<16xi32> to vector<1x16xi32>
    tpu.vector_store %arg5[%swap3A_886, %swap3A_887], %swap3A_890 {strides = array<i32>} : memref<104x128xi32, #tpu.memory_space<vmem>>, vector<1x16xi32>,
    %get3A_891 = arith.constant 1 : i32
    %get3A_892 = arith.index_cast %get3A_891 : i32 to index
    %get3A_893 = arith.constant 0 : index
    %get3A_894 = tpu.vector_load %arg5[%get3A_892, %get3A_893] {strides = array<i32>} : memref<104x128xi32, #tpu.memory_space<vmem>>, vector<1x16xi32>,
    %get3A_895 = vector.shape_cast %get3A_894 : vector<1x16xi32> to vector<16xi32>
    %add3A_896 = arith.constant 0 : i32
    %add3A_897 = vector.broadcast %add3A_896 : i32 to vector<16xi32>
    %add3A_898 = arith.addi %get3A_895, %add3A_897 : vector<16xi32>
    %swap3A_899 = arith.constant 1 : i32
    %swap3A_900 = arith.index_cast %swap3A_899 : i32 to index
    %swap3A_901 = arith.constant 0 : index
    %swap3A_902 = tpu.vector_load %arg5[%swap3A_900, %swap3A_901] {strides = array<i32>} : memref<104x128xi32, #tpu.memory_space<vmem>>, vector<1x16xi32>,
    %swap3A_903 = vector.shape_cast %swap3A_902 : vector<1x16xi32> to vector<16xi32>
    %swap3A_904 = vector.shape_cast %add3A_898 : vector<16xi32> to vector<1x16xi32>
    tpu.vector_store %arg5[%swap3A_900, %swap3A_901], %swap3A_904 {strides = array<i32>} : memref<104x128xi32, #tpu.memory_space<vmem>>, vector<1x16xi32>,
    %get3A_905 = arith.constant 1 : i32
    %get3A_906 = arith.index_cast %get3A_905 : i32 to index
    %get3A_907 = arith.constant 16 : index
    %get3A_908 = tpu.vector_load %arg5[%get3A_906, %get3A_907] {strides = array<i32>} : memref<104x128xi32, #tpu.memory_space<vmem>>, vector<1x16xi32>,
    %get3A_909 = vector.shape_cast %get3A_908 : vector<1x16xi32> to vector<16xi32>
    %add3A_910 = arith.constant 0 : i32
    %add3A_911 = vector.broadcast %add3A_910 : i32 to vector<16xi32>
    %add3A_912 = arith.addi %get3A_909, %add3A_911 : vector<16xi32>
    %swap3A_913 = arith.constant 1 : i32
    %swap3A_914 = arith.index_cast %swap3A_913 : i32 to index
    %swap3A_915 = arith.constant 16 : index
    %swap3A_916 = tpu.vector_load %arg5[%swap3A_914, %swap3A_915] {strides = array<i32>} : memref<104x128xi32, #tpu.memory_space<vmem>>, vector<1x16xi32>,
    %swap3A_917 = vector.shape_cast %swap3A_916 : vector<1x16xi32> to vector<16xi32>
    %swap3A_918 = vector.shape_cast %add3A_912 : vector<16xi32> to vector<1x16xi32>
    tpu.vector_store %arg5[%swap3A_914, %swap3A_915], %swap3A_918 {strides = array<i32>} : memref<104x128xi32, #tpu.memory_space<vmem>>, vector<1x16xi32>,
    %get3A_919 = arith.constant 1 : i32
    %get3A_920 = arith.index_cast %get3A_919 : i32 to index
    %get3A_921 = arith.constant 32 : index
    %get3A_922 = tpu.vector_load %arg5[%get3A_920, %get3A_921] {strides = array<i32>} : memref<104x128xi32, #tpu.memory_space<vmem>>, vector<1x16xi32>,
    %get3A_923 = vector.shape_cast %get3A_922 : vector<1x16xi32> to vector<16xi32>
    %add3A_924 = arith.constant 0 : i32
    %add3A_925 = vector.broadcast %add3A_924 : i32 to vector<16xi32>
    %add3A_926 = arith.addi %get3A_923, %add3A_925 : vector<16xi32>
    %swap3A_927 = arith.constant 1 : i32
    %swap3A_928 = arith.index_cast %swap3A_927 : i32 to index
    %swap3A_929 = arith.constant 32 : index
    %swap3A_930 = tpu.vector_load %arg5[%swap3A_928, %swap3A_929] {strides = array<i32>} : memref<104x128xi32, #tpu.memory_space<vmem>>, vector<1x16xi32>,
    %swap3A_931 = vector.shape_cast %swap3A_930 : vector<1x16xi32> to vector<16xi32>
    %swap3A_932 = vector.shape_cast %add3A_926 : vector<16xi32> to vector<1x16xi32>
    tpu.vector_store %arg5[%swap3A_928, %swap3A_929], %swap3A_932 {strides = array<i32>} : memref<104x128xi32, #tpu.memory_space<vmem>>, vector<1x16xi32>,
    %get3A_933 = arith.constant 1 : i32
    %get3A_934 = arith.index_cast %get3A_933 : i32 to index
    %get3A_935 = arith.constant 48 : index
    %get3A_936 = tpu.vector_load %arg5[%get3A_934, %get3A_935] {strides = array<i32>} : memref<104x128xi32, #tpu.memory_space<vmem>>, vector<1x16xi32>,
    %get3A_937 = vector.shape_cast %get3A_936 : vector<1x16xi32> to vector<16xi32>
    %add3A_938 = arith.constant 0 : i32
    %add3A_939 = vector.broadcast %add3A_938 : i32 to vector<16xi32>
    %add3A_940 = arith.addi %get3A_937, %add3A_939 : vector<16xi32>
    %swap3A_941 = arith.constant 1 : i32
    %swap3A_942 = arith.index_cast %swap3A_941 : i32 to index
    %swap3A_943 = arith.constant 48 : index
    %swap3A_944 = tpu.vector_load %arg5[%swap3A_942, %swap3A_943] {strides = array<i32>} : memref<104x128xi32, #tpu.memory_space<vmem>>, vector<1x16xi32>,
    %swap3A_945 = vector.shape_cast %swap3A_944 : vector<1x16xi32> to vector<16xi32>
    %swap3A_946 = vector.shape_cast %add3A_940 : vector<16xi32> to vector<1x16xi32>
    tpu.vector_store %arg5[%swap3A_942, %swap3A_943], %swap3A_946 {strides = array<i32>} : memref<104x128xi32, #tpu.memory_space<vmem>>, vector<1x16xi32>,
    %get3A_947 = arith.constant 1 : i32
    %get3A_948 = arith.index_cast %get3A_947 : i32 to index
    %get3A_949 = arith.constant 64 : index
    %get3A_950 = tpu.vector_load %arg5[%get3A_948, %get3A_949] {strides = array<i32>} : memref<104x128xi32, #tpu.memory_space<vmem>>, vector<1x16xi32>,
    %get3A_951 = vector.shape_cast %get3A_950 : vector<1x16xi32> to vector<16xi32>
    %add3A_952 = arith.constant 0 : i32
    %add3A_953 = vector.broadcast %add3A_952 : i32 to vector<16xi32>
    %add3A_954 = arith.addi %get3A_951, %add3A_953 : vector<16xi32>
    %swap3A_955 = arith.constant 1 : i32
    %swap3A_956 = arith.index_cast %swap3A_955 : i32 to index
    %swap3A_957 = arith.constant 64 : index
    %swap3A_958 = tpu.vector_load %arg5[%swap3A_956, %swap3A_957] {strides = array<i32>} : memref<104x128xi32, #tpu.memory_space<vmem>>, vector<1x16xi32>,
    %swap3A_959 = vector.shape_cast %swap3A_958 : vector<1x16xi32> to vector<16xi32>
    %swap3A_960 = vector.shape_cast %add3A_954 : vector<16xi32> to vector<1x16xi32>
    tpu.vector_store %arg5[%swap3A_956, %swap3A_957], %swap3A_960 {strides = array<i32>} : memref<104x128xi32, #tpu.memory_space<vmem>>, vector<1x16xi32>,
    %get3A_961 = arith.constant 1 : i32
    %get3A_962 = arith.index_cast %get3A_961 : i32 to index
    %get3A_963 = arith.constant 80 : index
    %get3A_964 = tpu.vector_load %arg5[%get3A_962, %get3A_963] {strides = array<i32>} : memref<104x128xi32, #tpu.memory_space<vmem>>, vector<1x16xi32>,
    %get3A_965 = vector.shape_cast %get3A_964 : vector<1x16xi32> to vector<16xi32>
    %add3A_966 = arith.constant 0 : i32
    %add3A_967 = vector.broadcast %add3A_966 : i32 to vector<16xi32>
    %add3A_968 = arith.addi %get3A_965, %add3A_967 : vector<16xi32>
    %swap3A_969 = arith.constant 1 : i32
    %swap3A_970 = arith.index_cast %swap3A_969 : i32 to index
    %swap3A_971 = arith.constant 80 : index
    %swap3A_972 = tpu.vector_load %arg5[%swap3A_970, %swap3A_971] {strides = array<i32>} : memref<104x128xi32, #tpu.memory_space<vmem>>, vector<1x16xi32>,
    %swap3A_973 = vector.shape_cast %swap3A_972 : vector<1x16xi32> to vector<16xi32>
    %swap3A_974 = vector.shape_cast %add3A_968 : vector<16xi32> to vector<1x16xi32>
    tpu.vector_store %arg5[%swap3A_970, %swap3A_971], %swap3A_974 {strides = array<i32>} : memref<104x128xi32, #tpu.memory_space<vmem>>, vector<1x16xi32>,
    %get3A_975 = arith.constant 1 : i32
    %get3A_976 = arith.index_cast %get3A_975 : i32 to index
    %get3A_977 = arith.constant 96 : index
    %get3A_978 = tpu.vector_load %arg5[%get3A_976, %get3A_977] {strides = array<i32>} : memref<104x128xi32, #tpu.memory_space<vmem>>, vector<1x16xi32>,
    %get3A_979 = vector.shape_cast %get3A_978 : vector<1x16xi32> to vector<16xi32>
    %add3A_980 = arith.constant 0 : i32
    %add3A_981 = vector.broadcast %add3A_980 : i32 to vector<16xi32>
    %add3A_982 = arith.addi %get3A_979, %add3A_981 : vector<16xi32>
    %swap3A_983 = arith.constant 1 : i32
    %swap3A_984 = arith.index_cast %swap3A_983 : i32 to index
    %swap3A_985 = arith.constant 96 : index
    %swap3A_986 = tpu.vector_load %arg5[%swap3A_984, %swap3A_985] {strides = array<i32>} : memref<104x128xi32, #tpu.memory_space<vmem>>, vector<1x16xi32>,
    %swap3A_987 = vector.shape_cast %swap3A_986 : vector<1x16xi32> to vector<16xi32>
    %swap3A_988 = vector.shape_cast %add3A_982 : vector<16xi32> to vector<1x16xi32>
    tpu.vector_store %arg5[%swap3A_984, %swap3A_985], %swap3A_988 {strides = array<i32>} : memref<104x128xi32, #tpu.memory_space<vmem>>, vector<1x16xi32>,
    %get3A_989 = arith.constant 1 : i32
    %get3A_990 = arith.index_cast %get3A_989 : i32 to index
    %get3A_991 = arith.constant 112 : index
    %get3A_992 = tpu.vector_load %arg5[%get3A_990, %get3A_991] {strides = array<i32>} : memref<104x128xi32, #tpu.memory_space<vmem>>, vector<1x16xi32>,
    %get3A_993 = vector.shape_cast %get3A_992 : vector<1x16xi32> to vector<16xi32>
    %add3A_994 = arith.constant 0 : i32
    %add3A_995 = vector.broadcast %add3A_994 : i32 to vector<16xi32>
    %add3A_996 = arith.addi %get3A_993, %add3A_995 : vector<16xi32>
    %swap3A_997 = arith.constant 1 : i32
    %swap3A_998 = arith.index_cast %swap3A_997 : i32 to index
    %swap3A_999 = arith.constant 112 : index
    %swap3A_1000 = tpu.vector_load %arg5[%swap3A_998, %swap3A_999] {strides = array<i32>} : memref<104x128xi32, #tpu.memory_space<vmem>>, vector<1x16xi32>,
    %swap3A_1001 = vector.shape_cast %swap3A_1000 : vector<1x16xi32> to vector<16xi32>
    %swap3A_1002 = vector.shape_cast %add3A_996 : vector<16xi32> to vector<1x16xi32>
    tpu.vector_store %arg5[%swap3A_998, %swap3A_999], %swap3A_1002 {strides = array<i32>} : memref<104x128xi32, #tpu.memory_space<vmem>>, vector<1x16xi32>,
    %get3A_1003 = arith.constant 2 : i32
    %get3A_1004 = arith.index_cast %get3A_1003 : i32 to index
    %get3A_1005 = arith.constant 0 : index
    %get3A_1006 = tpu.vector_load %arg5[%get3A_1004, %get3A_1005] {strides = array<i32>} : memref<104x128xi32, #tpu.memory_space<vmem>>, vector<1x16xi32>,
    %get3A_1007 = vector.shape_cast %get3A_1006 : vector<1x16xi32> to vector<16xi32>
    %add3A_1008 = arith.constant 0 : i32
    %add3A_1009 = vector.broadcast %add3A_1008 : i32 to vector<16xi32>
    %add3A_1010 = arith.addi %get3A_1007, %add3A_1009 : vector<16xi32>
    %swap3A_1011 = arith.constant 2 : i32
    %swap3A_1012 = arith.index_cast %swap3A_1011 : i32 to index
    %swap3A_1013 = arith.constant 0 : index
    %swap3A_1014 = tpu.vector_load %arg5[%swap3A_1012, %swap3A_1013] {strides = array<i32>} : memref<104x128xi32, #tpu.memory_space<vmem>>, vector<1x16xi32>,
    %swap3A_1015 = vector.shape_cast %swap3A_1014 : vector<1x16xi32> to vector<16xi32>
    %swap3A_1016 = vector.shape_cast %add3A_1010 : vector<16xi32> to vector<1x16xi32>
    tpu.vector_store %arg5[%swap3A_1012, %swap3A_1013], %swap3A_1016 {strides = array<i32>} : memref<104x128xi32, #tpu.memory_space<vmem>>, vector<1x16xi32>,
    %get3A_1017 = arith.constant 2 : i32
    %get3A_1018 = arith.index_cast %get3A_1017 : i32 to index
    %get3A_1019 = arith.constant 16 : index
    %get3A_1020 = tpu.vector_load %arg5[%get3A_1018, %get3A_1019] {strides = array<i32>} : memref<104x128xi32, #tpu.memory_space<vmem>>, vector<1x16xi32>,
    %get3A_1021 = vector.shape_cast %get3A_1020 : vector<1x16xi32> to vector<16xi32>
    %add3A_1022 = arith.constant 0 : i32
    %add3A_1023 = vector.broadcast %add3A_1022 : i32 to vector<16xi32>
    %add3A_1024 = arith.addi %get3A_1021, %add3A_1023 : vector<16xi32>
    %swap3A_1025 = arith.constant 2 : i32
    %swap3A_1026 = arith.index_cast %swap3A_1025 : i32 to index
    %swap3A_1027 = arith.constant 16 : index
    %swap3A_1028 = tpu.vector_load %arg5[%swap3A_1026, %swap3A_1027] {strides = array<i32>} : memref<104x128xi32, #tpu.memory_space<vmem>>, vector<1x16xi32>,
    %swap3A_1029 = vector.shape_cast %swap3A_1028 : vector<1x16xi32> to vector<16xi32>
    %swap3A_1030 = vector.shape_cast %add3A_1024 : vector<16xi32> to vector<1x16xi32>
    tpu.vector_store %arg5[%swap3A_1026, %swap3A_1027], %swap3A_1030 {strides = array<i32>} : memref<104x128xi32, #tpu.memory_space<vmem>>, vector<1x16xi32>,
    %get3A_1031 = arith.constant 2 : i32
    %get3A_1032 = arith.index_cast %get3A_1031 : i32 to index
    %get3A_1033 = arith.constant 32 : index
    %get3A_1034 = tpu.vector_load %arg5[%get3A_1032, %get3A_1033] {strides = array<i32>} : memref<104x128xi32, #tpu.memory_space<vmem>>, vector<1x16xi32>,
    %get3A_1035 = vector.shape_cast %get3A_1034 : vector<1x16xi32> to vector<16xi32>
    %add3A_1036 = arith.constant 0 : i32
    %add3A_1037 = vector.broadcast %add3A_1036 : i32 to vector<16xi32>
    %add3A_1038 = arith.addi %get3A_1035, %add3A_1037 : vector<16xi32>
    %swap3A_1039 = arith.constant 2 : i32
    %swap3A_1040 = arith.index_cast %swap3A_1039 : i32 to index
    %swap3A_1041 = arith.constant 32 : index
    %swap3A_1042 = tpu.vector_load %arg5[%swap3A_1040, %swap3A_1041] {strides = array<i32>} : memref<104x128xi32, #tpu.memory_space<vmem>>, vector<1x16xi32>,
    %swap3A_1043 = vector.shape_cast %swap3A_1042 : vector<1x16xi32> to vector<16xi32>
    %swap3A_1044 = vector.shape_cast %add3A_1038 : vector<16xi32> to vector<1x16xi32>
    tpu.vector_store %arg5[%swap3A_1040, %swap3A_1041], %swap3A_1044 {strides = array<i32>} : memref<104x128xi32, #tpu.memory_space<vmem>>, vector<1x16xi32>,
    %get3A_1045 = arith.constant 2 : i32
    %get3A_1046 = arith.index_cast %get3A_1045 : i32 to index
    %get3A_1047 = arith.constant 48 : index
    %get3A_1048 = tpu.vector_load %arg5[%get3A_1046, %get3A_1047] {strides = array<i32>} : memref<104x128xi32, #tpu.memory_space<vmem>>, vector<1x16xi32>,
    %get3A_1049 = vector.shape_cast %get3A_1048 : vector<1x16xi32> to vector<16xi32>
    %add3A_1050 = arith.constant 0 : i32
    %add3A_1051 = vector.broadcast %add3A_1050 : i32 to vector<16xi32>
    %add3A_1052 = arith.addi %get3A_1049, %add3A_1051 : vector<16xi32>
    %swap3A_1053 = arith.constant 2 : i32
    %swap3A_1054 = arith.index_cast %swap3A_1053 : i32 to index
    %swap3A_1055 = arith.constant 48 : index
    %swap3A_1056 = tpu.vector_load %arg5[%swap3A_1054, %swap3A_1055] {strides = array<i32>} : memref<104x128xi32, #tpu.memory_space<vmem>>, vector<1x16xi32>,
    %swap3A_1057 = vector.shape_cast %swap3A_1056 : vector<1x16xi32> to vector<16xi32>
    %swap3A_1058 = vector.shape_cast %add3A_1052 : vector<16xi32> to vector<1x16xi32>
    tpu.vector_store %arg5[%swap3A_1054, %swap3A_1055], %swap3A_1058 {strides = array<i32>} : memref<104x128xi32, #tpu.memory_space<vmem>>, vector<1x16xi32>,
    %get3A_1059 = arith.constant 2 : i32
    %get3A_1060 = arith.index_cast %get3A_1059 : i32 to index
    %get3A_1061 = arith.constant 64 : index
    %get3A_1062 = tpu.vector_load %arg5[%get3A_1060, %get3A_1061] {strides = array<i32>} : memref<104x128xi32, #tpu.memory_space<vmem>>, vector<1x16xi32>,
    %get3A_1063 = vector.shape_cast %get3A_1062 : vector<1x16xi32> to vector<16xi32>
    %add3A_1064 = arith.constant 0 : i32
    %add3A_1065 = vector.broadcast %add3A_1064 : i32 to vector<16xi32>
    %add3A_1066 = arith.addi %get3A_1063, %add3A_1065 : vector<16xi32>
    %swap3A_1067 = arith.constant 2 : i32
    %swap3A_1068 = arith.index_cast %swap3A_1067 : i32 to index
    %swap3A_1069 = arith.constant 64 : index
    %swap3A_1070 = tpu.vector_load %arg5[%swap3A_1068, %swap3A_1069] {strides = array<i32>} : memref<104x128xi32, #tpu.memory_space<vmem>>, vector<1x16xi32>,
    %swap3A_1071 = vector.shape_cast %swap3A_1070 : vector<1x16xi32> to vector<16xi32>
    %swap3A_1072 = vector.shape_cast %add3A_1066 : vector<16xi32> to vector<1x16xi32>
    tpu.vector_store %arg5[%swap3A_1068, %swap3A_1069], %swap3A_1072 {strides = array<i32>} : memref<104x128xi32, #tpu.memory_space<vmem>>, vector<1x16xi32>,
    %get3A_1073 = arith.constant 2 : i32
    %get3A_1074 = arith.index_cast %get3A_1073 : i32 to index
    %get3A_1075 = arith.constant 80 : index
    %get3A_1076 = tpu.vector_load %arg5[%get3A_1074, %get3A_1075] {strides = array<i32>} : memref<104x128xi32, #tpu.memory_space<vmem>>, vector<1x16xi32>,
    %get3A_1077 = vector.shape_cast %get3A_1076 : vector<1x16xi32> to vector<16xi32>
    %add3A_1078 = arith.constant 0 : i32
    %add3A_1079 = vector.broadcast %add3A_1078 : i32 to vector<16xi32>
    %add3A_1080 = arith.addi %get3A_1077, %add3A_1079 : vector<16xi32>
    %swap3A_1081 = arith.constant 2 : i32
    %swap3A_1082 = arith.index_cast %swap3A_1081 : i32 to index
    %swap3A_1083 = arith.constant 80 : index
    %swap3A_1084 = tpu.vector_load %arg5[%swap3A_1082, %swap3A_1083] {strides = array<i32>} : memref<104x128xi32, #tpu.memory_space<vmem>>, vector<1x16xi32>,
    %swap3A_1085 = vector.shape_cast %swap3A_1084 : vector<1x16xi32> to vector<16xi32>
    %swap3A_1086 = vector.shape_cast %add3A_1080 : vector<16xi32> to vector<1x16xi32>
    tpu.vector_store %arg5[%swap3A_1082, %swap3A_1083], %swap3A_1086 {strides = array<i32>} : memref<104x128xi32, #tpu.memory_space<vmem>>, vector<1x16xi32>,
    %get3A_1087 = arith.constant 2 : i32
    %get3A_1088 = arith.index_cast %get3A_1087 : i32 to index
    %get3A_1089 = arith.constant 96 : index
    %get3A_1090 = tpu.vector_load %arg5[%get3A_1088, %get3A_1089] {strides = array<i32>} : memref<104x128xi32, #tpu.memory_space<vmem>>, vector<1x16xi32>,
    %get3A_1091 = vector.shape_cast %get3A_1090 : vector<1x16xi32> to vector<16xi32>
    %add3A_1092 = arith.constant 0 : i32
    %add3A_1093 = vector.broadcast %add3A_1092 : i32 to vector<16xi32>
    %add3A_1094 = arith.addi %get3A_1091, %add3A_1093 : vector<16xi32>
    %swap3A_1095 = arith.constant 2 : i32
    %swap3A_1096 = arith.index_cast %swap3A_1095 : i32 to index
    %swap3A_1097 = arith.constant 96 : index
    %swap3A_1098 = tpu.vector_load %arg5[%swap3A_1096, %swap3A_1097] {strides = array<i32>} : memref<104x128xi32, #tpu.memory_space<vmem>>, vector<1x16xi32>,
    %swap3A_1099 = vector.shape_cast %swap3A_1098 : vector<1x16xi32> to vector<16xi32>
    %swap3A_1100 = vector.shape_cast %add3A_1094 : vector<16xi32> to vector<1x16xi32>
    tpu.vector_store %arg5[%swap3A_1096, %swap3A_1097], %swap3A_1100 {strides = array<i32>} : memref<104x128xi32, #tpu.memory_space<vmem>>, vector<1x16xi32>,
    %get3A_1101 = arith.constant 2 : i32
    %get3A_1102 = arith.index_cast %get3A_1101 : i32 to index
    %get3A_1103 = arith.constant 112 : index
    %get3A_1104 = tpu.vector_load %arg5[%get3A_1102, %get3A_1103] {strides = array<i32>} : memref<104x128xi32, #tpu.memory_space<vmem>>, vector<1x16xi32>,
    %get3A_1105 = vector.shape_cast %get3A_1104 : vector<1x16xi32> to vector<16xi32>
    %add3A_1106 = arith.constant 0 : i32
    %add3A_1107 = vector.broadcast %add3A_1106 : i32 to vector<16xi32>
    %add3A_1108 = arith.addi %get3A_1105, %add3A_1107 : vector<16xi32>
    %swap3A_1109 = arith.constant 2 : i32
    %swap3A_1110 = arith.index_cast %swap3A_1109 : i32 to index
    %swap3A_1111 = arith.constant 112 : index
    %swap3A_1112 = tpu.vector_load %arg5[%swap3A_1110, %swap3A_1111] {strides = array<i32>} : memref<104x128xi32, #tpu.memory_space<vmem>>, vector<1x16xi32>,
    %swap3A_1113 = vector.shape_cast %swap3A_1112 : vector<1x16xi32> to vector<16xi32>
    %swap3A_1114 = vector.shape_cast %add3A_1108 : vector<16xi32> to vector<1x16xi32>
    tpu.vector_store %arg5[%swap3A_1110, %swap3A_1111], %swap3A_1114 {strides = array<i32>} : memref<104x128xi32, #tpu.memory_space<vmem>>, vector<1x16xi32>,
    %get3A_1115 = arith.constant 3 : i32
    %get3A_1116 = arith.index_cast %get3A_1115 : i32 to index
    %get3A_1117 = arith.constant 0 : index
    %get3A_1118 = tpu.vector_load %arg5[%get3A_1116, %get3A_1117] {strides = array<i32>} : memref<104x128xi32, #tpu.memory_space<vmem>>, vector<1x16xi32>,
    %get3A_1119 = vector.shape_cast %get3A_1118 : vector<1x16xi32> to vector<16xi32>
    %add3A_1120 = arith.constant 0 : i32
    %add3A_1121 = vector.broadcast %add3A_1120 : i32 to vector<16xi32>
    %add3A_1122 = arith.addi %get3A_1119, %add3A_1121 : vector<16xi32>
    %swap3A_1123 = arith.constant 3 : i32
    %swap3A_1124 = arith.index_cast %swap3A_1123 : i32 to index
    %swap3A_1125 = arith.constant 0 : index
    %swap3A_1126 = tpu.vector_load %arg5[%swap3A_1124, %swap3A_1125] {strides = array<i32>} : memref<104x128xi32, #tpu.memory_space<vmem>>, vector<1x16xi32>,
    %swap3A_1127 = vector.shape_cast %swap3A_1126 : vector<1x16xi32> to vector<16xi32>
    %swap3A_1128 = vector.shape_cast %add3A_1122 : vector<16xi32> to vector<1x16xi32>
    tpu.vector_store %arg5[%swap3A_1124, %swap3A_1125], %swap3A_1128 {strides = array<i32>} : memref<104x128xi32, #tpu.memory_space<vmem>>, vector<1x16xi32>,
    %get3A_1129 = arith.constant 3 : i32
    %get3A_1130 = arith.index_cast %get3A_1129 : i32 to index
    %get3A_1131 = arith.constant 16 : index
    %get3A_1132 = tpu.vector_load %arg5[%get3A_1130, %get3A_1131] {strides = array<i32>} : memref<104x128xi32, #tpu.memory_space<vmem>>, vector<1x16xi32>,
    %get3A_1133 = vector.shape_cast %get3A_1132 : vector<1x16xi32> to vector<16xi32>
    %add3A_1134 = arith.constant 0 : i32
    %add3A_1135 = vector.broadcast %add3A_1134 : i32 to vector<16xi32>
    %add3A_1136 = arith.addi %get3A_1133, %add3A_1135 : vector<16xi32>
    %swap3A_1137 = arith.constant 3 : i32
    %swap3A_1138 = arith.index_cast %swap3A_1137 : i32 to index
    %swap3A_1139 = arith.constant 16 : index
    %swap3A_1140 = tpu.vector_load %arg5[%swap3A_1138, %swap3A_1139] {strides = array<i32>} : memref<104x128xi32, #tpu.memory_space<vmem>>, vector<1x16xi32>,
    %swap3A_1141 = vector.shape_cast %swap3A_1140 : vector<1x16xi32> to vector<16xi32>
    %swap3A_1142 = vector.shape_cast %add3A_1136 : vector<16xi32> to vector<1x16xi32>
    tpu.vector_store %arg5[%swap3A_1138, %swap3A_1139], %swap3A_1142 {strides = array<i32>} : memref<104x128xi32, #tpu.memory_space<vmem>>, vector<1x16xi32>,
    %get3A_1143 = arith.constant 3 : i32
    %get3A_1144 = arith.index_cast %get3A_1143 : i32 to index
    %get3A_1145 = arith.constant 32 : index
    %get3A_1146 = tpu.vector_load %arg5[%get3A_1144, %get3A_1145] {strides = array<i32>} : memref<104x128xi32, #tpu.memory_space<vmem>>, vector<1x16xi32>,
    %get3A_1147 = vector.shape_cast %get3A_1146 : vector<1x16xi32> to vector<16xi32>
    %add3A_1148 = arith.constant 0 : i32
    %add3A_1149 = vector.broadcast %add3A_1148 : i32 to vector<16xi32>
    %add3A_1150 = arith.addi %get3A_1147, %add3A_1149 : vector<16xi32>
    %swap3A_1151 = arith.constant 3 : i32
    %swap3A_1152 = arith.index_cast %swap3A_1151 : i32 to index
    %swap3A_1153 = arith.constant 32 : index
    %swap3A_1154 = tpu.vector_load %arg5[%swap3A_1152, %swap3A_1153] {strides = array<i32>} : memref<104x128xi32, #tpu.memory_space<vmem>>, vector<1x16xi32>,
    %swap3A_1155 = vector.shape_cast %swap3A_1154 : vector<1x16xi32> to vector<16xi32>
    %swap3A_1156 = vector.shape_cast %add3A_1150 : vector<16xi32> to vector<1x16xi32>
    tpu.vector_store %arg5[%swap3A_1152, %swap3A_1153], %swap3A_1156 {strides = array<i32>} : memref<104x128xi32, #tpu.memory_space<vmem>>, vector<1x16xi32>,
    %get3A_1157 = arith.constant 3 : i32
    %get3A_1158 = arith.index_cast %get3A_1157 : i32 to index
    %get3A_1159 = arith.constant 48 : index
    %get3A_1160 = tpu.vector_load %arg5[%get3A_1158, %get3A_1159] {strides = array<i32>} : memref<104x128xi32, #tpu.memory_space<vmem>>, vector<1x16xi32>,
    %get3A_1161 = vector.shape_cast %get3A_1160 : vector<1x16xi32> to vector<16xi32>
    %add3A_1162 = arith.constant 0 : i32
    %add3A_1163 = vector.broadcast %add3A_1162 : i32 to vector<16xi32>
    %add3A_1164 = arith.addi %get3A_1161, %add3A_1163 : vector<16xi32>
    %swap3A_1165 = arith.constant 3 : i32
    %swap3A_1166 = arith.index_cast %swap3A_1165 : i32 to index
    %swap3A_1167 = arith.constant 48 : index
    %swap3A_1168 = tpu.vector_load %arg5[%swap3A_1166, %swap3A_1167] {strides = array<i32>} : memref<104x128xi32, #tpu.memory_space<vmem>>, vector<1x16xi32>,
    %swap3A_1169 = vector.shape_cast %swap3A_1168 : vector<1x16xi32> to vector<16xi32>
    %swap3A_1170 = vector.shape_cast %add3A_1164 : vector<16xi32> to vector<1x16xi32>
    tpu.vector_store %arg5[%swap3A_1166, %swap3A_1167], %swap3A_1170 {strides = array<i32>} : memref<104x128xi32, #tpu.memory_space<vmem>>, vector<1x16xi32>,
    %get3A_1171 = arith.constant 3 : i32
    %get3A_1172 = arith.index_cast %get3A_1171 : i32 to index
    %get3A_1173 = arith.constant 64 : index
    %get3A_1174 = tpu.vector_load %arg5[%get3A_1172, %get3A_1173] {strides = array<i32>} : memref<104x128xi32, #tpu.memory_space<vmem>>, vector<1x16xi32>,
    %get3A_1175 = vector.shape_cast %get3A_1174 : vector<1x16xi32> to vector<16xi32>
    %add3A_1176 = arith.constant 0 : i32
    %add3A_1177 = vector.broadcast %add3A_1176 : i32 to vector<16xi32>
    %add3A_1178 = arith.addi %get3A_1175, %add3A_1177 : vector<16xi32>
    %swap3A_1179 = arith.constant 3 : i32
    %swap3A_1180 = arith.index_cast %swap3A_1179 : i32 to index
    %swap3A_1181 = arith.constant 64 : index
    %swap3A_1182 = tpu.vector_load %arg5[%swap3A_1180, %swap3A_1181] {strides = array<i32>} : memref<104x128xi32, #tpu.memory_space<vmem>>, vector<1x16xi32>,
    %swap3A_1183 = vector.shape_cast %swap3A_1182 : vector<1x16xi32> to vector<16xi32>
    %swap3A_1184 = vector.shape_cast %add3A_1178 : vector<16xi32> to vector<1x16xi32>
    tpu.vector_store %arg5[%swap3A_1180, %swap3A_1181], %swap3A_1184 {strides = array<i32>} : memref<104x128xi32, #tpu.memory_space<vmem>>, vector<1x16xi32>,
    %get3A_1185 = arith.constant 3 : i32
    %get3A_1186 = arith.index_cast %get3A_1185 : i32 to index
    %get3A_1187 = arith.constant 80 : index
    %get3A_1188 = tpu.vector_load %arg5[%get3A_1186, %get3A_1187] {strides = array<i32>} : memref<104x128xi32, #tpu.memory_space<vmem>>, vector<1x16xi32>,
    %get3A_1189 = vector.shape_cast %get3A_1188 : vector<1x16xi32> to vector<16xi32>
    %add3A_1190 = arith.constant 0 : i32
    %add3A_1191 = vector.broadcast %add3A_1190 : i32 to vector<16xi32>
    %add3A_1192 = arith.addi %get3A_1189, %add3A_1191 : vector<16xi32>
    %swap3A_1193 = arith.constant 3 : i32
    %swap3A_1194 = arith.index_cast %swap3A_1193 : i32 to index
    %swap3A_1195 = arith.constant 80 : index
    %swap3A_1196 = tpu.vector_load %arg5[%swap3A_1194, %swap3A_1195] {strides = array<i32>} : memref<104x128xi32, #tpu.memory_space<vmem>>, vector<1x16xi32>,
    %swap3A_1197 = vector.shape_cast %swap3A_1196 : vector<1x16xi32> to vector<16xi32>
    %swap3A_1198 = vector.shape_cast %add3A_1192 : vector<16xi32> to vector<1x16xi32>
    tpu.vector_store %arg5[%swap3A_1194, %swap3A_1195], %swap3A_1198 {strides = array<i32>} : memref<104x128xi32, #tpu.memory_space<vmem>>, vector<1x16xi32>,
    %get3A_1199 = arith.constant 3 : i32
    %get3A_1200 = arith.index_cast %get3A_1199 : i32 to index
    %get3A_1201 = arith.constant 96 : index
    %get3A_1202 = tpu.vector_load %arg5[%get3A_1200, %get3A_1201] {strides = array<i32>} : memref<104x128xi32, #tpu.memory_space<vmem>>, vector<1x16xi32>,
    %get3A_1203 = vector.shape_cast %get3A_1202 : vector<1x16xi32> to vector<16xi32>
    %add3A_1204 = arith.constant 0 : i32
    %add3A_1205 = vector.broadcast %add3A_1204 : i32 to vector<16xi32>
    %add3A_1206 = arith.addi %get3A_1203, %add3A_1205 : vector<16xi32>
    %swap3A_1207 = arith.constant 3 : i32
    %swap3A_1208 = arith.index_cast %swap3A_1207 : i32 to index
    %swap3A_1209 = arith.constant 96 : index
    %swap3A_1210 = tpu.vector_load %arg5[%swap3A_1208, %swap3A_1209] {strides = array<i32>} : memref<104x128xi32, #tpu.memory_space<vmem>>, vector<1x16xi32>,
    %swap3A_1211 = vector.shape_cast %swap3A_1210 : vector<1x16xi32> to vector<16xi32>
    %swap3A_1212 = vector.shape_cast %add3A_1206 : vector<16xi32> to vector<1x16xi32>
    tpu.vector_store %arg5[%swap3A_1208, %swap3A_1209], %swap3A_1212 {strides = array<i32>} : memref<104x128xi32, #tpu.memory_space<vmem>>, vector<1x16xi32>,
    %get3A_1213 = arith.constant 3 : i32
    %get3A_1214 = arith.index_cast %get3A_1213 : i32 to index
    %get3A_1215 = arith.constant 112 : index
    %get3A_1216 = tpu.vector_load %arg5[%get3A_1214, %get3A_1215] {strides = array<i32>} : memref<104x128xi32, #tpu.memory_space<vmem>>, vector<1x16xi32>,
    %get3A_1217 = vector.shape_cast %get3A_1216 : vector<1x16xi32> to vector<16xi32>
    %add3A_1218 = arith.constant 0 : i32
    %add3A_1219 = vector.broadcast %add3A_1218 : i32 to vector<16xi32>
    %add3A_1220 = arith.addi %get3A_1217, %add3A_1219 : vector<16xi32>
    %swap3A_1221 = arith.constant 3 : i32
    %swap3A_1222 = arith.index_cast %swap3A_1221 : i32 to index
    %swap3A_1223 = arith.constant 112 : index
    %swap3A_1224 = tpu.vector_load %arg5[%swap3A_1222, %swap3A_1223] {strides = array<i32>} : memref<104x128xi32, #tpu.memory_space<vmem>>, vector<1x16xi32>,
    %swap3A_1225 = vector.shape_cast %swap3A_1224 : vector<1x16xi32> to vector<16xi32>
    %swap3A_1226 = vector.shape_cast %add3A_1220 : vector<16xi32> to vector<1x16xi32>
    tpu.vector_store %arg5[%swap3A_1222, %swap3A_1223], %swap3A_1226 {strides = array<i32>} : memref<104x128xi32, #tpu.memory_space<vmem>>, vector<1x16xi32>,
    %dma_start3A_1227 = arith.constant 0 : i32
    %dma_start3A_1228 = arith.constant 0 : i32
    %dma_start3A_1229 = arith.constant 0 : i32
    %dma_start3A_1230 = arith.constant 0 : i32
    %dma_start3A_1231 = tpu.memref_slice %arg6[%dma_start3A_1228, %dma_start3A_1229, %dma_start3A_1230] : memref<4x512x16xf32, #tpu.memory_space<vmem>> -> memref<1x128x16xf32, #tpu.memory_space<vmem>>
    %dma_start3A_1232 = tpu.memref_squeeze %dma_start3A_1231 : memref<1x128x16xf32, #tpu.memory_space<vmem>> -> memref<128x16xf32, #tpu.memory_space<vmem>>
    %dma_start3A_1233 = arith.constant 0 : i32
    %dma_start3A_1234 = tpu.memref_slice %arg5[%dma_start3A_1227, %dma_start3A_1233] : memref<104x128xi32, #tpu.memory_space<vmem>> -> memref<1x128xi32, #tpu.memory_space<vmem>>
    %dma_start3A_1235 = tpu.memref_squeeze %dma_start3A_1234 : memref<1x128xi32, #tpu.memory_space<vmem>> -> memref<128xi32, #tpu.memory_space<vmem>>
    %dma_start3A_1236 = arith.constant 0 : i32
    %dma_start3A_1237 = arith.constant 0 : i32
    %dma_start3A_1238 = tpu.memref_slice %arg3[%dma_start3A_1236, %dma_start3A_1237] : memref<2600000x16xf32, #tpu.memory_space<hbm>> -> memref<2600000x16xf32, #tpu.memory_space<hbm>>
    tpu.enqueue_indirect_dma source(%dma_start3A_1238 : memref<2600000x16xf32, #tpu.memory_space<hbm>>) target(%dma_start3A_1232 : memref<128x16xf32, #tpu.memory_space<vmem>>) offsets(%dma_start3A_1235 : memref<128xi32, #tpu.memory_space<vmem>>) semaphore(%arg8 : memref<!tpu.dma_semaphore, #tpu.memory_space<semaphore_mem>>)
    %dma_start3A_1239 = arith.constant 1 : i32
    %dma_start3A_1240 = arith.constant 0 : i32
    %dma_start3A_1241 = arith.constant 128 : i32
    %dma_start3A_1242 = arith.constant 0 : i32
    %dma_start3A_1243 = tpu.memref_slice %arg6[%dma_start3A_1240, %dma_start3A_1241, %dma_start3A_1242] : memref<4x512x16xf32, #tpu.memory_space<vmem>> -> memref<1x128x16xf32, #tpu.memory_space<vmem>>
    %dma_start3A_1244 = tpu.memref_squeeze %dma_start3A_1243 : memref<1x128x16xf32, #tpu.memory_space<vmem>> -> memref<128x16xf32, #tpu.memory_space<vmem>>
    %dma_start3A_1245 = arith.constant 0 : i32
    %dma_start3A_1246 = tpu.memref_slice %arg5[%dma_start3A_1239, %dma_start3A_1245] : memref<104x128xi32, #tpu.memory_space<vmem>> -> memref<1x128xi32, #tpu.memory_space<vmem>>
    %dma_start3A_1247 = tpu.memref_squeeze %dma_start3A_1246 : memref<1x128xi32, #tpu.memory_space<vmem>> -> memref<128xi32, #tpu.memory_space<vmem>>
    %dma_start3A_1248 = arith.constant 0 : i32
    %dma_start3A_1249 = arith.constant 0 : i32
    %dma_start3A_1250 = tpu.memref_slice %arg3[%dma_start3A_1248, %dma_start3A_1249] : memref<2600000x16xf32, #tpu.memory_space<hbm>> -> memref<2600000x16xf32, #tpu.memory_space<hbm>>
    tpu.enqueue_indirect_dma source(%dma_start3A_1250 : memref<2600000x16xf32, #tpu.memory_space<hbm>>) target(%dma_start3A_1244 : memref<128x16xf32, #tpu.memory_space<vmem>>) offsets(%dma_start3A_1247 : memref<128xi32, #tpu.memory_space<vmem>>) semaphore(%arg8 : memref<!tpu.dma_semaphore, #tpu.memory_space<semaphore_mem>>)
    %dma_start3A_1251 = arith.constant 2 : i32
    %dma_start3A_1252 = arith.constant 0 : i32
    %dma_start3A_1253 = arith.constant 256 : i32
    %dma_start3A_1254 = arith.constant 0 : i32
    %dma_start3A_1255 = tpu.memref_slice %arg6[%dma_start3A_1252, %dma_start3A_1253, %dma_start3A_1254] : memref<4x512x16xf32, #tpu.memory_space<vmem>> -> memref<1x128x16xf32, #tpu.memory_space<vmem>>
    %dma_start3A_1256 = tpu.memref_squeeze %dma_start3A_1255 : memref<1x128x16xf32, #tpu.memory_space<vmem>> -> memref<128x16xf32, #tpu.memory_space<vmem>>
    %dma_start3A_1257 = arith.constant 0 : i32
    %dma_start3A_1258 = tpu.memref_slice %arg5[%dma_start3A_1251, %dma_start3A_1257] : memref<104x128xi32, #tpu.memory_space<vmem>> -> memref<1x128xi32, #tpu.memory_space<vmem>>
    %dma_start3A_1259 = tpu.memref_squeeze %dma_start3A_1258 : memref<1x128xi32, #tpu.memory_space<vmem>> -> memref<128xi32, #tpu.memory_space<vmem>>
    %dma_start3A_1260 = arith.constant 0 : i32
    %dma_start3A_1261 = arith.constant 0 : i32
    %dma_start3A_1262 = tpu.memref_slice %arg3[%dma_start3A_1260, %dma_start3A_1261] : memref<2600000x16xf32, #tpu.memory_space<hbm>> -> memref<2600000x16xf32, #tpu.memory_space<hbm>>
    tpu.enqueue_indirect_dma source(%dma_start3A_1262 : memref<2600000x16xf32, #tpu.memory_space<hbm>>) target(%dma_start3A_1256 : memref<128x16xf32, #tpu.memory_space<vmem>>) offsets(%dma_start3A_1259 : memref<128xi32, #tpu.memory_space<vmem>>) semaphore(%arg8 : memref<!tpu.dma_semaphore, #tpu.memory_space<semaphore_mem>>)
    %dma_start3A_1263 = arith.constant 3 : i32
    %dma_start3A_1264 = arith.constant 0 : i32
    %dma_start3A_1265 = arith.constant 384 : i32
    %dma_start3A_1266 = arith.constant 0 : i32
    %dma_start3A_1267 = tpu.memref_slice %arg6[%dma_start3A_1264, %dma_start3A_1265, %dma_start3A_1266] : memref<4x512x16xf32, #tpu.memory_space<vmem>> -> memref<1x128x16xf32, #tpu.memory_space<vmem>>
    %dma_start3A_1268 = tpu.memref_squeeze %dma_start3A_1267 : memref<1x128x16xf32, #tpu.memory_space<vmem>> -> memref<128x16xf32, #tpu.memory_space<vmem>>
    %dma_start3A_1269 = arith.constant 0 : i32
    %dma_start3A_1270 = tpu.memref_slice %arg5[%dma_start3A_1263, %dma_start3A_1269] : memref<104x128xi32, #tpu.memory_space<vmem>> -> memref<1x128xi32, #tpu.memory_space<vmem>>
    %dma_start3A_1271 = tpu.memref_squeeze %dma_start3A_1270 : memref<1x128xi32, #tpu.memory_space<vmem>> -> memref<128xi32, #tpu.memory_space<vmem>>
    %dma_start3A_1272 = arith.constant 0 : i32
    %dma_start3A_1273 = arith.constant 0 : i32
    %dma_start3A_1274 = tpu.memref_slice %arg3[%dma_start3A_1272, %dma_start3A_1273] : memref<2600000x16xf32, #tpu.memory_space<hbm>> -> memref<2600000x16xf32, #tpu.memory_space<hbm>>
    tpu.enqueue_indirect_dma source(%dma_start3A_1274 : memref<2600000x16xf32, #tpu.memory_space<hbm>>) target(%dma_start3A_1268 : memref<128x16xf32, #tpu.memory_space<vmem>>) offsets(%dma_start3A_1271 : memref<128xi32, #tpu.memory_space<vmem>>) semaphore(%arg8 : memref<!tpu.dma_semaphore, #tpu.memory_space<semaphore_mem>>)
    %get3A_1275 = arith.constant 4 : i32
    %get3A_1276 = arith.index_cast %get3A_1275 : i32 to index
    %get3A_1277 = arith.constant 0 : index
    %get3A_1278 = tpu.vector_load %arg5[%get3A_1276, %get3A_1277] {strides = array<i32>} : memref<104x128xi32, #tpu.memory_space<vmem>>, vector<1x16xi32>,
    %get3A_1279 = vector.shape_cast %get3A_1278 : vector<1x16xi32> to vector<16xi32>
    %add3A_1280 = arith.constant 100000 : i32
    %add3A_1281 = vector.broadcast %add3A_1280 : i32 to vector<16xi32>
    %add3A_1282 = arith.addi %get3A_1279, %add3A_1281 : vector<16xi32>
    %swap3A_1283 = arith.constant 4 : i32
    %swap3A_1284 = arith.index_cast %swap3A_1283 : i32 to index
    %swap3A_1285 = arith.constant 0 : index
    %swap3A_1286 = tpu.vector_load %arg5[%swap3A_1284, %swap3A_1285] {strides = array<i32>} : memref<104x128xi32, #tpu.memory_space<vmem>>, vector<1x16xi32>,
    %swap3A_1287 = vector.shape_cast %swap3A_1286 : vector<1x16xi32> to vector<16xi32>
    %swap3A_1288 = vector.shape_cast %add3A_1282 : vector<16xi32> to vector<1x16xi32>
    tpu.vector_store %arg5[%swap3A_1284, %swap3A_1285], %swap3A_1288 {strides = array<i32>} : memref<104x128xi32, #tpu.memory_space<vmem>>, vector<1x16xi32>,
    %get3A_1289 = arith.constant 4 : i32
    %get3A_1290 = arith.index_cast %get3A_1289 : i32 to index
    %get3A_1291 = arith.constant 16 : index
    %get3A_1292 = tpu.vector_load %arg5[%get3A_1290, %get3A_1291] {strides = array<i32>} : memref<104x128xi32, #tpu.memory_space<vmem>>, vector<1x16xi32>,
    %get3A_1293 = vector.shape_cast %get3A_1292 : vector<1x16xi32> to vector<16xi32>
    %add3A_1294 = arith.constant 100000 : i32
    %add3A_1295 = vector.broadcast %add3A_1294 : i32 to vector<16xi32>
    %add3A_1296 = arith.addi %get3A_1293, %add3A_1295 : vector<16xi32>
    %swap3A_1297 = arith.constant 4 : i32
    %swap3A_1298 = arith.index_cast %swap3A_1297 : i32 to index
    %swap3A_1299 = arith.constant 16 : index
    %swap3A_1300 = tpu.vector_load %arg5[%swap3A_1298, %swap3A_1299] {strides = array<i32>} : memref<104x128xi32, #tpu.memory_space<vmem>>, vector<1x16xi32>,
    %swap3A_1301 = vector.shape_cast %swap3A_1300 : vector<1x16xi32> to vector<16xi32>
    %swap3A_1302 = vector.shape_cast %add3A_1296 : vector<16xi32> to vector<1x16xi32>
    tpu.vector_store %arg5[%swap3A_1298, %swap3A_1299], %swap3A_1302 {strides = array<i32>} : memref<104x128xi32, #tpu.memory_space<vmem>>, vector<1x16xi32>,
    %get3A_1303 = arith.constant 4 : i32
    %get3A_1304 = arith.index_cast %get3A_1303 : i32 to index
    %get3A_1305 = arith.constant 32 : index
    %get3A_1306 = tpu.vector_load %arg5[%get3A_1304, %get3A_1305] {strides = array<i32>} : memref<104x128xi32, #tpu.memory_space<vmem>>, vector<1x16xi32>,
    %get3A_1307 = vector.shape_cast %get3A_1306 : vector<1x16xi32> to vector<16xi32>
    %add3A_1308 = arith.constant 100000 : i32
    %add3A_1309 = vector.broadcast %add3A_1308 : i32 to vector<16xi32>
    %add3A_1310 = arith.addi %get3A_1307, %add3A_1309 : vector<16xi32>
    %swap3A_1311 = arith.constant 4 : i32
    %swap3A_1312 = arith.index_cast %swap3A_1311 : i32 to index
    %swap3A_1313 = arith.constant 32 : index
    %swap3A_1314 = tpu.vector_load %arg5[%swap3A_1312, %swap3A_1313] {strides = array<i32>} : memref<104x128xi32, #tpu.memory_space<vmem>>, vector<1x16xi32>,
    %swap3A_1315 = vector.shape_cast %swap3A_1314 : vector<1x16xi32> to vector<16xi32>
    %swap3A_1316 = vector.shape_cast %add3A_1310 : vector<16xi32> to vector<1x16xi32>
    tpu.vector_store %arg5[%swap3A_1312, %swap3A_1313], %swap3A_1316 {strides = array<i32>} : memref<104x128xi32, #tpu.memory_space<vmem>>, vector<1x16xi32>,
    %get3A_1317 = arith.constant 4 : i32
    %get3A_1318 = arith.index_cast %get3A_1317 : i32 to index
    %get3A_1319 = arith.constant 48 : index
    %get3A_1320 = tpu.vector_load %arg5[%get3A_1318, %get3A_1319] {strides = array<i32>} : memref<104x128xi32, #tpu.memory_space<vmem>>, vector<1x16xi32>,
    %get3A_1321 = vector.shape_cast %get3A_1320 : vector<1x16xi32> to vector<16xi32>
    %add3A_1322 = arith.constant 100000 : i32
    %add3A_1323 = vector.broadcast %add3A_1322 : i32 to vector<16xi32>
    %add3A_1324 = arith.addi %get3A_1321, %add3A_1323 : vector<16xi32>
    %swap3A_1325 = arith.constant 4 : i32
    %swap3A_1326 = arith.index_cast %swap3A_1325 : i32 to index
    %swap3A_1327 = arith.constant 48 : index
    %swap3A_1328 = tpu.vector_load %arg5[%swap3A_1326, %swap3A_1327] {strides = array<i32>} : memref<104x128xi32, #tpu.memory_space<vmem>>, vector<1x16xi32>,
    %swap3A_1329 = vector.shape_cast %swap3A_1328 : vector<1x16xi32> to vector<16xi32>
    %swap3A_1330 = vector.shape_cast %add3A_1324 : vector<16xi32> to vector<1x16xi32>
    tpu.vector_store %arg5[%swap3A_1326, %swap3A_1327], %swap3A_1330 {strides = array<i32>} : memref<104x128xi32, #tpu.memory_space<vmem>>, vector<1x16xi32>,
    %get3A_1331 = arith.constant 4 : i32
    %get3A_1332 = arith.index_cast %get3A_1331 : i32 to index
    %get3A_1333 = arith.constant 64 : index
    %get3A_1334 = tpu.vector_load %arg5[%get3A_1332, %get3A_1333] {strides = array<i32>} : memref<104x128xi32, #tpu.memory_space<vmem>>, vector<1x16xi32>,
    %get3A_1335 = vector.shape_cast %get3A_1334 : vector<1x16xi32> to vector<16xi32>
    %add3A_1336 = arith.constant 100000 : i32
    %add3A_1337 = vector.broadcast %add3A_1336 : i32 to vector<16xi32>
    %add3A_1338 = arith.addi %get3A_1335, %add3A_1337 : vector<16xi32>
    %swap3A_1339 = arith.constant 4 : i32
    %swap3A_1340 = arith.index_cast %swap3A_1339 : i32 to index
    %swap3A_1341 = arith.constant 64 : index
    %swap3A_1342 = tpu.vector_load %arg5[%swap3A_1340, %swap3A_1341] {strides = array<i32>} : memref<104x128xi32, #tpu.memory_space<vmem>>, vector<1x16xi32>,
    %swap3A_1343 = vector.shape_cast %swap3A_1342 : vector<1x16xi32> to vector<16xi32>
    %swap3A_1344 = vector.shape_cast %add3A_1338 : vector<16xi32> to vector<1x16xi32>
    tpu.vector_store %arg5[%swap3A_1340, %swap3A_1341], %swap3A_1344 {strides = array<i32>} : memref<104x128xi32, #tpu.memory_space<vmem>>, vector<1x16xi32>,
    %get3A_1345 = arith.constant 4 : i32
    %get3A_1346 = arith.index_cast %get3A_1345 : i32 to index
    %get3A_1347 = arith.constant 80 : index
    %get3A_1348 = tpu.vector_load %arg5[%get3A_1346, %get3A_1347] {strides = array<i32>} : memref<104x128xi32, #tpu.memory_space<vmem>>, vector<1x16xi32>,
    %get3A_1349 = vector.shape_cast %get3A_1348 : vector<1x16xi32> to vector<16xi32>
    %add3A_1350 = arith.constant 100000 : i32
    %add3A_1351 = vector.broadcast %add3A_1350 : i32 to vector<16xi32>
    %add3A_1352 = arith.addi %get3A_1349, %add3A_1351 : vector<16xi32>
    %swap3A_1353 = arith.constant 4 : i32
    %swap3A_1354 = arith.index_cast %swap3A_1353 : i32 to index
    %swap3A_1355 = arith.constant 80 : index
    %swap3A_1356 = tpu.vector_load %arg5[%swap3A_1354, %swap3A_1355] {strides = array<i32>} : memref<104x128xi32, #tpu.memory_space<vmem>>, vector<1x16xi32>,
    %swap3A_1357 = vector.shape_cast %swap3A_1356 : vector<1x16xi32> to vector<16xi32>
    %swap3A_1358 = vector.shape_cast %add3A_1352 : vector<16xi32> to vector<1x16xi32>
    tpu.vector_store %arg5[%swap3A_1354, %swap3A_1355], %swap3A_1358 {strides = array<i32>} : memref<104x128xi32, #tpu.memory_space<vmem>>, vector<1x16xi32>,
    %get3A_1359 = arith.constant 4 : i32
    %get3A_1360 = arith.index_cast %get3A_1359 : i32 to index
    %get3A_1361 = arith.constant 96 : index
    %get3A_1362 = tpu.vector_load %arg5[%get3A_1360, %get3A_1361] {strides = array<i32>} : memref<104x128xi32, #tpu.memory_space<vmem>>, vector<1x16xi32>,
    %get3A_1363 = vector.shape_cast %get3A_1362 : vector<1x16xi32> to vector<16xi32>
    %add3A_1364 = arith.constant 100000 : i32
    %add3A_1365 = vector.broadcast %add3A_1364 : i32 to vector<16xi32>
    %add3A_1366 = arith.addi %get3A_1363, %add3A_1365 : vector<16xi32>
    %swap3A_1367 = arith.constant 4 : i32
    %swap3A_1368 = arith.index_cast %swap3A_1367 : i32 to index
    %swap3A_1369 = arith.constant 96 : index
    %swap3A_1370 = tpu.vector_load %arg5[%swap3A_1368, %swap3A_1369] {strides = array<i32>} : memref<104x128xi32, #tpu.memory_space<vmem>>, vector<1x16xi32>,
    %swap3A_1371 = vector.shape_cast %swap3A_1370 : vector<1x16xi32> to vector<16xi32>
    %swap3A_1372 = vector.shape_cast %add3A_1366 : vector<16xi32> to vector<1x16xi32>
    tpu.vector_store %arg5[%swap3A_1368, %swap3A_1369], %swap3A_1372 {strides = array<i32>} : memref<104x128xi32, #tpu.memory_space<vmem>>, vector<1x16xi32>,
    %get3A_1373 = arith.constant 4 : i32
    %get3A_1374 = arith.index_cast %get3A_1373 : i32 to index
    %get3A_1375 = arith.constant 112 : index
    %get3A_1376 = tpu.vector_load %arg5[%get3A_1374, %get3A_1375] {strides = array<i32>} : memref<104x128xi32, #tpu.memory_space<vmem>>, vector<1x16xi32>,
    %get3A_1377 = vector.shape_cast %get3A_1376 : vector<1x16xi32> to vector<16xi32>
    %add3A_1378 = arith.constant 100000 : i32
    %add3A_1379 = vector.broadcast %add3A_1378 : i32 to vector<16xi32>
    %add3A_1380 = arith.addi %get3A_1377, %add3A_1379 : vector<16xi32>
    %swap3A_1381 = arith.constant 4 : i32
    %swap3A_1382 = arith.index_cast %swap3A_1381 : i32 to index
    %swap3A_1383 = arith.constant 112 : index
    %swap3A_1384 = tpu.vector_load %arg5[%swap3A_1382, %swap3A_1383] {strides = array<i32>} : memref<104x128xi32, #tpu.memory_space<vmem>>, vector<1x16xi32>,
    %swap3A_1385 = vector.shape_cast %swap3A_1384 : vector<1x16xi32> to vector<16xi32>
    %swap3A_1386 = vector.shape_cast %add3A_1380 : vector<16xi32> to vector<1x16xi32>
    tpu.vector_store %arg5[%swap3A_1382, %swap3A_1383], %swap3A_1386 {strides = array<i32>} : memref<104x128xi32, #tpu.memory_space<vmem>>, vector<1x16xi32>,
    %get3A_1387 = arith.constant 5 : i32
    %get3A_1388 = arith.index_cast %get3A_1387 : i32 to index
    %get3A_1389 = arith.constant 0 : index
    %get3A_1390 = tpu.vector_load %arg5[%get3A_1388, %get3A_1389] {strides = array<i32>} : memref<104x128xi32, #tpu.memory_space<vmem>>, vector<1x16xi32>,
    %get3A_1391 = vector.shape_cast %get3A_1390 : vector<1x16xi32> to vector<16xi32>
    %add3A_1392 = arith.constant 100000 : i32
    %add3A_1393 = vector.broadcast %add3A_1392 : i32 to vector<16xi32>
    %add3A_1394 = arith.addi %get3A_1391, %add3A_1393 : vector<16xi32>
    %swap3A_1395 = arith.constant 5 : i32
    %swap3A_1396 = arith.index_cast %swap3A_1395 : i32 to index
    %swap3A_1397 = arith.constant 0 : index
    %swap3A_1398 = tpu.vector_load %arg5[%swap3A_1396, %swap3A_1397] {strides = array<i32>} : memref<104x128xi32, #tpu.memory_space<vmem>>, vector<1x16xi32>,
    %swap3A_1399 = vector.shape_cast %swap3A_1398 : vector<1x16xi32> to vector<16xi32>
    %swap3A_1400 = vector.shape_cast %add3A_1394 : vector<16xi32> to vector<1x16xi32>
    tpu.vector_store %arg5[%swap3A_1396, %swap3A_1397], %swap3A_1400 {strides = array<i32>} : memref<104x128xi32, #tpu.memory_space<vmem>>, vector<1x16xi32>,
    %get3A_1401 = arith.constant 5 : i32
    %get3A_1402 = arith.index_cast %get3A_1401 : i32 to index
    %get3A_1403 = arith.constant 16 : index
    %get3A_1404 = tpu.vector_load %arg5[%get3A_1402, %get3A_1403] {strides = array<i32>} : memref<104x128xi32, #tpu.memory_space<vmem>>, vector<1x16xi32>,
    %get3A_1405 = vector.shape_cast %get3A_1404 : vector<1x16xi32> to vector<16xi32>
    %add3A_1406 = arith.constant 100000 : i32
    %add3A_1407 = vector.broadcast %add3A_1406 : i32 to vector<16xi32>
    %add3A_1408 = arith.addi %get3A_1405, %add3A_1407 : vector<16xi32>
    %swap3A_1409 = arith.constant 5 : i32
    %swap3A_1410 = arith.index_cast %swap3A_1409 : i32 to index
    %swap3A_1411 = arith.constant 16 : index
    %swap3A_1412 = tpu.vector_load %arg5[%swap3A_1410, %swap3A_1411] {strides = array<i32>} : memref<104x128xi32, #tpu.memory_space<vmem>>, vector<1x16xi32>,
    %swap3A_1413 = vector.shape_cast %swap3A_1412 : vector<1x16xi32> to vector<16xi32>
    %swap3A_1414 = vector.shape_cast %add3A_1408 : vector<16xi32> to vector<1x16xi32>
    tpu.vector_store %arg5[%swap3A_1410, %swap3A_1411], %swap3A_1414 {strides = array<i32>} : memref<104x128xi32, #tpu.memory_space<vmem>>, vector<1x16xi32>,
    %get3A_1415 = arith.constant 5 : i32
    %get3A_1416 = arith.index_cast %get3A_1415 : i32 to index
    %get3A_1417 = arith.constant 32 : index
    %get3A_1418 = tpu.vector_load %arg5[%get3A_1416, %get3A_1417] {strides = array<i32>} : memref<104x128xi32, #tpu.memory_space<vmem>>, vector<1x16xi32>,
    %get3A_1419 = vector.shape_cast %get3A_1418 : vector<1x16xi32> to vector<16xi32>
    %add3A_1420 = arith.constant 100000 : i32
    %add3A_1421 = vector.broadcast %add3A_1420 : i32 to vector<16xi32>
    %add3A_1422 = arith.addi %get3A_1419, %add3A_1421 : vector<16xi32>
    %swap3A_1423 = arith.constant 5 : i32
    %swap3A_1424 = arith.index_cast %swap3A_1423 : i32 to index
    %swap3A_1425 = arith.constant 32 : index
    %swap3A_1426 = tpu.vector_load %arg5[%swap3A_1424, %swap3A_1425] {strides = array<i32>} : memref<104x128xi32, #tpu.memory_space<vmem>>, vector<1x16xi32>,
    %swap3A_1427 = vector.shape_cast %swap3A_1426 : vector<1x16xi32> to vector<16xi32>
    %swap3A_1428 = vector.shape_cast %add3A_1422 : vector<16xi32> to vector<1x16xi32>
    tpu.vector_store %arg5[%swap3A_1424, %swap3A_1425], %swap3A_1428 {strides = array<i32>} : memref<104x128xi32, #tpu.memory_space<vmem>>, vector<1x16xi32>,
    %get3A_1429 = arith.constant 5 : i32
    %get3A_1430 = arith.index_cast %get3A_1429 : i32 to index
    %get3A_1431 = arith.constant 48 : index
    %get3A_1432 = tpu.vector_load %arg5[%get3A_1430, %get3A_1431] {strides = array<i32>} : memref<104x128xi32, #tpu.memory_space<vmem>>, vector<1x16xi32>,
    %get3A_1433 = vector.shape_cast %get3A_1432 : vector<1x16xi32> to vector<16xi32>
    %add3A_1434 = arith.constant 100000 : i32
    %add3A_1435 = vector.broadcast %add3A_1434 : i32 to vector<16xi32>
    %add3A_1436 = arith.addi %get3A_1433, %add3A_1435 : vector<16xi32>
    %swap3A_1437 = arith.constant 5 : i32
    %swap3A_1438 = arith.index_cast %swap3A_1437 : i32 to index
    %swap3A_1439 = arith.constant 48 : index
    %swap3A_1440 = tpu.vector_load %arg5[%swap3A_1438, %swap3A_1439] {strides = array<i32>} : memref<104x128xi32, #tpu.memory_space<vmem>>, vector<1x16xi32>,
    %swap3A_1441 = vector.shape_cast %swap3A_1440 : vector<1x16xi32> to vector<16xi32>
    %swap3A_1442 = vector.shape_cast %add3A_1436 : vector<16xi32> to vector<1x16xi32>
    tpu.vector_store %arg5[%swap3A_1438, %swap3A_1439], %swap3A_1442 {strides = array<i32>} : memref<104x128xi32, #tpu.memory_space<vmem>>, vector<1x16xi32>,
    %get3A_1443 = arith.constant 5 : i32
    %get3A_1444 = arith.index_cast %get3A_1443 : i32 to index
    %get3A_1445 = arith.constant 64 : index
    %get3A_1446 = tpu.vector_load %arg5[%get3A_1444, %get3A_1445] {strides = array<i32>} : memref<104x128xi32, #tpu.memory_space<vmem>>, vector<1x16xi32>,
    %get3A_1447 = vector.shape_cast %get3A_1446 : vector<1x16xi32> to vector<16xi32>
    %add3A_1448 = arith.constant 100000 : i32
    %add3A_1449 = vector.broadcast %add3A_1448 : i32 to vector<16xi32>
    %add3A_1450 = arith.addi %get3A_1447, %add3A_1449 : vector<16xi32>
    %swap3A_1451 = arith.constant 5 : i32
    %swap3A_1452 = arith.index_cast %swap3A_1451 : i32 to index
    %swap3A_1453 = arith.constant 64 : index
    %swap3A_1454 = tpu.vector_load %arg5[%swap3A_1452, %swap3A_1453] {strides = array<i32>} : memref<104x128xi32, #tpu.memory_space<vmem>>, vector<1x16xi32>,
    %swap3A_1455 = vector.shape_cast %swap3A_1454 : vector<1x16xi32> to vector<16xi32>
    %swap3A_1456 = vector.shape_cast %add3A_1450 : vector<16xi32> to vector<1x16xi32>
    tpu.vector_store %arg5[%swap3A_1452, %swap3A_1453], %swap3A_1456 {strides = array<i32>} : memref<104x128xi32, #tpu.memory_space<vmem>>, vector<1x16xi32>,
    %get3A_1457 = arith.constant 5 : i32
    %get3A_1458 = arith.index_cast %get3A_1457 : i32 to index
    %get3A_1459 = arith.constant 80 : index
    %get3A_1460 = tpu.vector_load %arg5[%get3A_1458, %get3A_1459] {strides = array<i32>} : memref<104x128xi32, #tpu.memory_space<vmem>>, vector<1x16xi32>,
    %get3A_1461 = vector.shape_cast %get3A_1460 : vector<1x16xi32> to vector<16xi32>
    %add3A_1462 = arith.constant 100000 : i32
    %add3A_1463 = vector.broadcast %add3A_1462 : i32 to vector<16xi32>
    %add3A_1464 = arith.addi %get3A_1461, %add3A_1463 : vector<16xi32>
    %swap3A_1465 = arith.constant 5 : i32
    %swap3A_1466 = arith.index_cast %swap3A_1465 : i32 to index
    %swap3A_1467 = arith.constant 80 : index
    %swap3A_1468 = tpu.vector_load %arg5[%swap3A_1466, %swap3A_1467] {strides = array<i32>} : memref<104x128xi32, #tpu.memory_space<vmem>>, vector<1x16xi32>,
    %swap3A_1469 = vector.shape_cast %swap3A_1468 : vector<1x16xi32> to vector<16xi32>
    %swap3A_1470 = vector.shape_cast %add3A_1464 : vector<16xi32> to vector<1x16xi32>
    tpu.vector_store %arg5[%swap3A_1466, %swap3A_1467], %swap3A_1470 {strides = array<i32>} : memref<104x128xi32, #tpu.memory_space<vmem>>, vector<1x16xi32>,
    %get3A_1471 = arith.constant 5 : i32
    %get3A_1472 = arith.index_cast %get3A_1471 : i32 to index
    %get3A_1473 = arith.constant 96 : index
    %get3A_1474 = tpu.vector_load %arg5[%get3A_1472, %get3A_1473] {strides = array<i32>} : memref<104x128xi32, #tpu.memory_space<vmem>>, vector<1x16xi32>,
    %get3A_1475 = vector.shape_cast %get3A_1474 : vector<1x16xi32> to vector<16xi32>
    %add3A_1476 = arith.constant 100000 : i32
    %add3A_1477 = vector.broadcast %add3A_1476 : i32 to vector<16xi32>
    %add3A_1478 = arith.addi %get3A_1475, %add3A_1477 : vector<16xi32>
    %swap3A_1479 = arith.constant 5 : i32
    %swap3A_1480 = arith.index_cast %swap3A_1479 : i32 to index
    %swap3A_1481 = arith.constant 96 : index
    %swap3A_1482 = tpu.vector_load %arg5[%swap3A_1480, %swap3A_1481] {strides = array<i32>} : memref<104x128xi32, #tpu.memory_space<vmem>>, vector<1x16xi32>,
    %swap3A_1483 = vector.shape_cast %swap3A_1482 : vector<1x16xi32> to vector<16xi32>
    %swap3A_1484 = vector.shape_cast %add3A_1478 : vector<16xi32> to vector<1x16xi32>
    tpu.vector_store %arg5[%swap3A_1480, %swap3A_1481], %swap3A_1484 {strides = array<i32>} : memref<104x128xi32, #tpu.memory_space<vmem>>, vector<1x16xi32>,
    %get3A_1485 = arith.constant 5 : i32
    %get3A_1486 = arith.index_cast %get3A_1485 : i32 to index
    %get3A_1487 = arith.constant 112 : index
    %get3A_1488 = tpu.vector_load %arg5[%get3A_1486, %get3A_1487] {strides = array<i32>} : memref<104x128xi32, #tpu.memory_space<vmem>>, vector<1x16xi32>,
    %get3A_1489 = vector.shape_cast %get3A_1488 : vector<1x16xi32> to vector<16xi32>
    %add3A_1490 = arith.constant 100000 : i32
    %add3A_1491 = vector.broadcast %add3A_1490 : i32 to vector<16xi32>
    %add3A_1492 = arith.addi %get3A_1489, %add3A_1491 : vector<16xi32>
    %swap3A_1493 = arith.constant 5 : i32
    %swap3A_1494 = arith.index_cast %swap3A_1493 : i32 to index
    %swap3A_1495 = arith.constant 112 : index
    %swap3A_1496 = tpu.vector_load %arg5[%swap3A_1494, %swap3A_1495] {strides = array<i32>} : memref<104x128xi32, #tpu.memory_space<vmem>>, vector<1x16xi32>,
    %swap3A_1497 = vector.shape_cast %swap3A_1496 : vector<1x16xi32> to vector<16xi32>
    %swap3A_1498 = vector.shape_cast %add3A_1492 : vector<16xi32> to vector<1x16xi32>
    tpu.vector_store %arg5[%swap3A_1494, %swap3A_1495], %swap3A_1498 {strides = array<i32>} : memref<104x128xi32, #tpu.memory_space<vmem>>, vector<1x16xi32>,
    %get3A_1499 = arith.constant 6 : i32
    %get3A_1500 = arith.index_cast %get3A_1499 : i32 to index
    %get3A_1501 = arith.constant 0 : index
    %get3A_1502 = tpu.vector_load %arg5[%get3A_1500, %get3A_1501] {strides = array<i32>} : memref<104x128xi32, #tpu.memory_space<vmem>>, vector<1x16xi32>,
    %get3A_1503 = vector.shape_cast %get3A_1502 : vector<1x16xi32> to vector<16xi32>
    %add3A_1504 = arith.constant 100000 : i32
    %add3A_1505 = vector.broadcast %add3A_1504 : i32 to vector<16xi32>
    %add3A_1506 = arith.addi %get3A_1503, %add3A_1505 : vector<16xi32>
    %swap3A_1507 = arith.constant 6 : i32
    %swap3A_1508 = arith.index_cast %swap3A_1507 : i32 to index
    %swap3A_1509 = arith.constant 0 : index
    %swap3A_1510 = tpu.vector_load %arg5[%swap3A_1508, %swap3A_1509] {strides = array<i32>} : memref<104x128xi32, #tpu.memory_space<vmem>>, vector<1x16xi32>,
    %swap3A_1511 = vector.shape_cast %swap3A_1510 : vector<1x16xi32> to vector<16xi32>
    %swap3A_1512 = vector.shape_cast %add3A_1506 : vector<16xi32> to vector<1x16xi32>
    tpu.vector_store %arg5[%swap3A_1508, %swap3A_1509], %swap3A_1512 {strides = array<i32>} : memref<104x128xi32, #tpu.memory_space<vmem>>, vector<1x16xi32>,
    %get3A_1513 = arith.constant 6 : i32
    %get3A_1514 = arith.index_cast %get3A_1513 : i32 to index
    %get3A_1515 = arith.constant 16 : index
    %get3A_1516 = tpu.vector_load %arg5[%get3A_1514, %get3A_1515] {strides = array<i32>} : memref<104x128xi32, #tpu.memory_space<vmem>>, vector<1x16xi32>,
    %get3A_1517 = vector.shape_cast %get3A_1516 : vector<1x16xi32> to vector<16xi32>
    %add3A_1518 = arith.constant 100000 : i32
    %add3A_1519 = vector.broadcast %add3A_1518 : i32 to vector<16xi32>
    %add3A_1520 = arith.addi %get3A_1517, %add3A_1519 : vector<16xi32>
    %swap3A_1521 = arith.constant 6 : i32
    %swap3A_1522 = arith.index_cast %swap3A_1521 : i32 to index
    %swap3A_1523 = arith.constant 16 : index
    %swap3A_1524 = tpu.vector_load %arg5[%swap3A_1522, %swap3A_1523] {strides = array<i32>} : memref<104x128xi32, #tpu.memory_space<vmem>>, vector<1x16xi32>,
    %swap3A_1525 = vector.shape_cast %swap3A_1524 : vector<1x16xi32> to vector<16xi32>
    %swap3A_1526 = vector.shape_cast %add3A_1520 : vector<16xi32> to vector<1x16xi32>
    tpu.vector_store %arg5[%swap3A_1522, %swap3A_1523], %swap3A_1526 {strides = array<i32>} : memref<104x128xi32, #tpu.memory_space<vmem>>, vector<1x16xi32>,
    %get3A_1527 = arith.constant 6 : i32
    %get3A_1528 = arith.index_cast %get3A_1527 : i32 to index
    %get3A_1529 = arith.constant 32 : index
    %get3A_1530 = tpu.vector_load %arg5[%get3A_1528, %get3A_1529] {strides = array<i32>} : memref<104x128xi32, #tpu.memory_space<vmem>>, vector<1x16xi32>,
    %get3A_1531 = vector.shape_cast %get3A_1530 : vector<1x16xi32> to vector<16xi32>
    %add3A_1532 = arith.constant 100000 : i32
    %add3A_1533 = vector.broadcast %add3A_1532 : i32 to vector<16xi32>
    %add3A_1534 = arith.addi %get3A_1531, %add3A_1533 : vector<16xi32>
    %swap3A_1535 = arith.constant 6 : i32
    %swap3A_1536 = arith.index_cast %swap3A_1535 : i32 to index
    %swap3A_1537 = arith.constant 32 : index
    %swap3A_1538 = tpu.vector_load %arg5[%swap3A_1536, %swap3A_1537] {strides = array<i32>} : memref<104x128xi32, #tpu.memory_space<vmem>>, vector<1x16xi32>,
    %swap3A_1539 = vector.shape_cast %swap3A_1538 : vector<1x16xi32> to vector<16xi32>
    %swap3A_1540 = vector.shape_cast %add3A_1534 : vector<16xi32> to vector<1x16xi32>
    tpu.vector_store %arg5[%swap3A_1536, %swap3A_1537], %swap3A_1540 {strides = array<i32>} : memref<104x128xi32, #tpu.memory_space<vmem>>, vector<1x16xi32>,
    %get3A_1541 = arith.constant 6 : i32
    %get3A_1542 = arith.index_cast %get3A_1541 : i32 to index
    %get3A_1543 = arith.constant 48 : index
    %get3A_1544 = tpu.vector_load %arg5[%get3A_1542, %get3A_1543] {strides = array<i32>} : memref<104x128xi32, #tpu.memory_space<vmem>>, vector<1x16xi32>,
    %get3A_1545 = vector.shape_cast %get3A_1544 : vector<1x16xi32> to vector<16xi32>
    %add3A_1546 = arith.constant 100000 : i32
    %add3A_1547 = vector.broadcast %add3A_1546 : i32 to vector<16xi32>
    %add3A_1548 = arith.addi %get3A_1545, %add3A_1547 : vector<16xi32>
    %swap3A_1549 = arith.constant 6 : i32
    %swap3A_1550 = arith.index_cast %swap3A_1549 : i32 to index
    %swap3A_1551 = arith.constant 48 : index
    %swap3A_1552 = tpu.vector_load %arg5[%swap3A_1550, %swap3A_1551] {strides = array<i32>} : memref<104x128xi32, #tpu.memory_space<vmem>>, vector<1x16xi32>,
    %swap3A_1553 = vector.shape_cast %swap3A_1552 : vector<1x16xi32> to vector<16xi32>
    %swap3A_1554 = vector.shape_cast %add3A_1548 : vector<16xi32> to vector<1x16xi32>
    tpu.vector_store %arg5[%swap3A_1550, %swap3A_1551], %swap3A_1554 {strides = array<i32>} : memref<104x128xi32, #tpu.memory_space<vmem>>, vector<1x16xi32>,
    %get3A_1555 = arith.constant 6 : i32
    %get3A_1556 = arith.index_cast %get3A_1555 : i32 to index
    %get3A_1557 = arith.constant 64 : index
    %get3A_1558 = tpu.vector_load %arg5[%get3A_1556, %get3A_1557] {strides = array<i32>} : memref<104x128xi32, #tpu.memory_space<vmem>>, vector<1x16xi32>,
    %get3A_1559 = vector.shape_cast %get3A_1558 : vector<1x16xi32> to vector<16xi32>
    %add3A_1560 = arith.constant 100000 : i32
    %add3A_1561 = vector.broadcast %add3A_1560 : i32 to vector<16xi32>
    %add3A_1562 = arith.addi %get3A_1559, %add3A_1561 : vector<16xi32>
    %swap3A_1563 = arith.constant 6 : i32
    %swap3A_1564 = arith.index_cast %swap3A_1563 : i32 to index
    %swap3A_1565 = arith.constant 64 : index
    %swap3A_1566 = tpu.vector_load %arg5[%swap3A_1564, %swap3A_1565] {strides = array<i32>} : memref<104x128xi32, #tpu.memory_space<vmem>>, vector<1x16xi32>,
    %swap3A_1567 = vector.shape_cast %swap3A_1566 : vector<1x16xi32> to vector<16xi32>
    %swap3A_1568 = vector.shape_cast %add3A_1562 : vector<16xi32> to vector<1x16xi32>
    tpu.vector_store %arg5[%swap3A_1564, %swap3A_1565], %swap3A_1568 {strides = array<i32>} : memref<104x128xi32, #tpu.memory_space<vmem>>, vector<1x16xi32>,
    %get3A_1569 = arith.constant 6 : i32
    %get3A_1570 = arith.index_cast %get3A_1569 : i32 to index
    %get3A_1571 = arith.constant 80 : index
    %get3A_1572 = tpu.vector_load %arg5[%get3A_1570, %get3A_1571] {strides = array<i32>} : memref<104x128xi32, #tpu.memory_space<vmem>>, vector<1x16xi32>,
    %get3A_1573 = vector.shape_cast %get3A_1572 : vector<1x16xi32> to vector<16xi32>
    %add3A_1574 = arith.constant 100000 : i32
    %add3A_1575 = vector.broadcast %add3A_1574 : i32 to vector<16xi32>
    %add3A_1576 = arith.addi %get3A_1573, %add3A_1575 : vector<16xi32>
    %swap3A_1577 = arith.constant 6 : i32
    %swap3A_1578 = arith.index_cast %swap3A_1577 : i32 to index
    %swap3A_1579 = arith.constant 80 : index
    %swap3A_1580 = tpu.vector_load %arg5[%swap3A_1578, %swap3A_1579] {strides = array<i32>} : memref<104x128xi32, #tpu.memory_space<vmem>>, vector<1x16xi32>,
    %swap3A_1581 = vector.shape_cast %swap3A_1580 : vector<1x16xi32> to vector<16xi32>
    %swap3A_1582 = vector.shape_cast %add3A_1576 : vector<16xi32> to vector<1x16xi32>
    tpu.vector_store %arg5[%swap3A_1578, %swap3A_1579], %swap3A_1582 {strides = array<i32>} : memref<104x128xi32, #tpu.memory_space<vmem>>, vector<1x16xi32>,
    %get3A_1583 = arith.constant 6 : i32
    %get3A_1584 = arith.index_cast %get3A_1583 : i32 to index
    %get3A_1585 = arith.constant 96 : index
    %get3A_1586 = tpu.vector_load %arg5[%get3A_1584, %get3A_1585] {strides = array<i32>} : memref<104x128xi32, #tpu.memory_space<vmem>>, vector<1x16xi32>,
    %get3A_1587 = vector.shape_cast %get3A_1586 : vector<1x16xi32> to vector<16xi32>
    %add3A_1588 = arith.constant 100000 : i32
    %add3A_1589 = vector.broadcast %add3A_1588 : i32 to vector<16xi32>
    %add3A_1590 = arith.addi %get3A_1587, %add3A_1589 : vector<16xi32>
    %swap3A_1591 = arith.constant 6 : i32
    %swap3A_1592 = arith.index_cast %swap3A_1591 : i32 to index
    %swap3A_1593 = arith.constant 96 : index
    %swap3A_1594 = tpu.vector_load %arg5[%swap3A_1592, %swap3A_1593] {strides = array<i32>} : memref<104x128xi32, #tpu.memory_space<vmem>>, vector<1x16xi32>,
    %swap3A_1595 = vector.shape_cast %swap3A_1594 : vector<1x16xi32> to vector<16xi32>
    %swap3A_1596 = vector.shape_cast %add3A_1590 : vector<16xi32> to vector<1x16xi32>
    tpu.vector_store %arg5[%swap3A_1592, %swap3A_1593], %swap3A_1596 {strides = array<i32>} : memref<104x128xi32, #tpu.memory_space<vmem>>, vector<1x16xi32>,
    %get3A_1597 = arith.constant 6 : i32
    %get3A_1598 = arith.index_cast %get3A_1597 : i32 to index
    %get3A_1599 = arith.constant 112 : index
    %get3A_1600 = tpu.vector_load %arg5[%get3A_1598, %get3A_1599] {strides = array<i32>} : memref<104x128xi32, #tpu.memory_space<vmem>>, vector<1x16xi32>,
    %get3A_1601 = vector.shape_cast %get3A_1600 : vector<1x16xi32> to vector<16xi32>
    %add3A_1602 = arith.constant 100000 : i32
    %add3A_1603 = vector.broadcast %add3A_1602 : i32 to vector<16xi32>
    %add3A_1604 = arith.addi %get3A_1601, %add3A_1603 : vector<16xi32>
    %swap3A_1605 = arith.constant 6 : i32
    %swap3A_1606 = arith.index_cast %swap3A_1605 : i32 to index
    %swap3A_1607 = arith.constant 112 : index
    %swap3A_1608 = tpu.vector_load %arg5[%swap3A_1606, %swap3A_1607] {strides = array<i32>} : memref<104x128xi32, #tpu.memory_space<vmem>>, vector<1x16xi32>,
    %swap3A_1609 = vector.shape_cast %swap3A_1608 : vector<1x16xi32> to vector<16xi32>
    %swap3A_1610 = vector.shape_cast %add3A_1604 : vector<16xi32> to vector<1x16xi32>
    tpu.vector_store %arg5[%swap3A_1606, %swap3A_1607], %swap3A_1610 {strides = array<i32>} : memref<104x128xi32, #tpu.memory_space<vmem>>, vector<1x16xi32>,
    %get3A_1611 = arith.constant 7 : i32
    %get3A_1612 = arith.index_cast %get3A_1611 : i32 to index
    %get3A_1613 = arith.constant 0 : index
    %get3A_1614 = tpu.vector_load %arg5[%get3A_1612, %get3A_1613] {strides = array<i32>} : memref<104x128xi32, #tpu.memory_space<vmem>>, vector<1x16xi32>,
    %get3A_1615 = vector.shape_cast %get3A_1614 : vector<1x16xi32> to vector<16xi32>
    %add3A_1616 = arith.constant 100000 : i32
    %add3A_1617 = vector.broadcast %add3A_1616 : i32 to vector<16xi32>
    %add3A_1618 = arith.addi %get3A_1615, %add3A_1617 : vector<16xi32>
    %swap3A_1619 = arith.constant 7 : i32
    %swap3A_1620 = arith.index_cast %swap3A_1619 : i32 to index
    %swap3A_1621 = arith.constant 0 : index
    %swap3A_1622 = tpu.vector_load %arg5[%swap3A_1620, %swap3A_1621] {strides = array<i32>} : memref<104x128xi32, #tpu.memory_space<vmem>>, vector<1x16xi32>,
    %swap3A_1623 = vector.shape_cast %swap3A_1622 : vector<1x16xi32> to vector<16xi32>
    %swap3A_1624 = vector.shape_cast %add3A_1618 : vector<16xi32> to vector<1x16xi32>
    tpu.vector_store %arg5[%swap3A_1620, %swap3A_1621], %swap3A_1624 {strides = array<i32>} : memref<104x128xi32, #tpu.memory_space<vmem>>, vector<1x16xi32>,
    %get3A_1625 = arith.constant 7 : i32
    %get3A_1626 = arith.index_cast %get3A_1625 : i32 to index
    %get3A_1627 = arith.constant 16 : index
    %get3A_1628 = tpu.vector_load %arg5[%get3A_1626, %get3A_1627] {strides = array<i32>} : memref<104x128xi32, #tpu.memory_space<vmem>>, vector<1x16xi32>,
    %get3A_1629 = vector.shape_cast %get3A_1628 : vector<1x16xi32> to vector<16xi32>
    %add3A_1630 = arith.constant 100000 : i32
    %add3A_1631 = vector.broadcast %add3A_1630 : i32 to vector<16xi32>
    %add3A_1632 = arith.addi %get3A_1629, %add3A_1631 : vector<16xi32>
    %swap3A_1633 = arith.constant 7 : i32
    %swap3A_1634 = arith.index_cast %swap3A_1633 : i32 to index
    %swap3A_1635 = arith.constant 16 : index
    %swap3A_1636 = tpu.vector_load %arg5[%swap3A_1634, %swap3A_1635] {strides = array<i32>} : memref<104x128xi32, #tpu.memory_space<vmem>>, vector<1x16xi32>,
    %swap3A_1637 = vector.shape_cast %swap3A_1636 : vector<1x16xi32> to vector<16xi32>
    %swap3A_1638 = vector.shape_cast %add3A_1632 : vector<16xi32> to vector<1x16xi32>
    tpu.vector_store %arg5[%swap3A_1634, %swap3A_1635], %swap3A_1638 {strides = array<i32>} : memref<104x128xi32, #tpu.memory_space<vmem>>, vector<1x16xi32>,
    %get3A_1639 = arith.constant 7 : i32
    %get3A_1640 = arith.index_cast %get3A_1639 : i32 to index
    %get3A_1641 = arith.constant 32 : index
    %get3A_1642 = tpu.vector_load %arg5[%get3A_1640, %get3A_1641] {strides = array<i32>} : memref<104x128xi32, #tpu.memory_space<vmem>>, vector<1x16xi32>,
    %get3A_1643 = vector.shape_cast %get3A_1642 : vector<1x16xi32> to vector<16xi32>
    %add3A_1644 = arith.constant 100000 : i32
    %add3A_1645 = vector.broadcast %add3A_1644 : i32 to vector<16xi32>
    %add3A_1646 = arith.addi %get3A_1643, %add3A_1645 : vector<16xi32>
    %swap3A_1647 = arith.constant 7 : i32
    %swap3A_1648 = arith.index_cast %swap3A_1647 : i32 to index
    %swap3A_1649 = arith.constant 32 : index
    %swap3A_1650 = tpu.vector_load %arg5[%swap3A_1648, %swap3A_1649] {strides = array<i32>} : memref<104x128xi32, #tpu.memory_space<vmem>>, vector<1x16xi32>,
    %swap3A_1651 = vector.shape_cast %swap3A_1650 : vector<1x16xi32> to vector<16xi32>
    %swap3A_1652 = vector.shape_cast %add3A_1646 : vector<16xi32> to vector<1x16xi32>
    tpu.vector_store %arg5[%swap3A_1648, %swap3A_1649], %swap3A_1652 {strides = array<i32>} : memref<104x128xi32, #tpu.memory_space<vmem>>, vector<1x16xi32>,
    %get3A_1653 = arith.constant 7 : i32
    %get3A_1654 = arith.index_cast %get3A_1653 : i32 to index
    %get3A_1655 = arith.constant 48 : index
    %get3A_1656 = tpu.vector_load %arg5[%get3A_1654, %get3A_1655] {strides = array<i32>} : memref<104x128xi32, #tpu.memory_space<vmem>>, vector<1x16xi32>,
    %get3A_1657 = vector.shape_cast %get3A_1656 : vector<1x16xi32> to vector<16xi32>
    %add3A_1658 = arith.constant 100000 : i32
    %add3A_1659 = vector.broadcast %add3A_1658 : i32 to vector<16xi32>
    %add3A_1660 = arith.addi %get3A_1657, %add3A_1659 : vector<16xi32>
    %swap3A_1661 = arith.constant 7 : i32
    %swap3A_1662 = arith.index_cast %swap3A_1661 : i32 to index
    %swap3A_1663 = arith.constant 48 : index
    %swap3A_1664 = tpu.vector_load %arg5[%swap3A_1662, %swap3A_1663] {strides = array<i32>} : memref<104x128xi32, #tpu.memory_space<vmem>>, vector<1x16xi32>,
    %swap3A_1665 = vector.shape_cast %swap3A_1664 : vector<1x16xi32> to vector<16xi32>
    %swap3A_1666 = vector.shape_cast %add3A_1660 : vector<16xi32> to vector<1x16xi32>
    tpu.vector_store %arg5[%swap3A_1662, %swap3A_1663], %swap3A_1666 {strides = array<i32>} : memref<104x128xi32, #tpu.memory_space<vmem>>, vector<1x16xi32>,
    %get3A_1667 = arith.constant 7 : i32
    %get3A_1668 = arith.index_cast %get3A_1667 : i32 to index
    %get3A_1669 = arith.constant 64 : index
    %get3A_1670 = tpu.vector_load %arg5[%get3A_1668, %get3A_1669] {strides = array<i32>} : memref<104x128xi32, #tpu.memory_space<vmem>>, vector<1x16xi32>,
    %get3A_1671 = vector.shape_cast %get3A_1670 : vector<1x16xi32> to vector<16xi32>
    %add3A_1672 = arith.constant 100000 : i32
    %add3A_1673 = vector.broadcast %add3A_1672 : i32 to vector<16xi32>
    %add3A_1674 = arith.addi %get3A_1671, %add3A_1673 : vector<16xi32>
    %swap3A_1675 = arith.constant 7 : i32
    %swap3A_1676 = arith.index_cast %swap3A_1675 : i32 to index
    %swap3A_1677 = arith.constant 64 : index
    %swap3A_1678 = tpu.vector_load %arg5[%swap3A_1676, %swap3A_1677] {strides = array<i32>} : memref<104x128xi32, #tpu.memory_space<vmem>>, vector<1x16xi32>,
    %swap3A_1679 = vector.shape_cast %swap3A_1678 : vector<1x16xi32> to vector<16xi32>
    %swap3A_1680 = vector.shape_cast %add3A_1674 : vector<16xi32> to vector<1x16xi32>
    tpu.vector_store %arg5[%swap3A_1676, %swap3A_1677], %swap3A_1680 {strides = array<i32>} : memref<104x128xi32, #tpu.memory_space<vmem>>, vector<1x16xi32>,
    %get3A_1681 = arith.constant 7 : i32
    %get3A_1682 = arith.index_cast %get3A_1681 : i32 to index
    %get3A_1683 = arith.constant 80 : index
    %get3A_1684 = tpu.vector_load %arg5[%get3A_1682, %get3A_1683] {strides = array<i32>} : memref<104x128xi32, #tpu.memory_space<vmem>>, vector<1x16xi32>,
    %get3A_1685 = vector.shape_cast %get3A_1684 : vector<1x16xi32> to vector<16xi32>
    %add3A_1686 = arith.constant 100000 : i32
    %add3A_1687 = vector.broadcast %add3A_1686 : i32 to vector<16xi32>
    %add3A_1688 = arith.addi %get3A_1685, %add3A_1687 : vector<16xi32>
    %swap3A_1689 = arith.constant 7 : i32
    %swap3A_1690 = arith.index_cast %swap3A_1689 : i32 to index
    %swap3A_1691 = arith.constant 80 : index
    %swap3A_1692 = tpu.vector_load %arg5[%swap3A_1690, %swap3A_1691] {strides = array<i32>} : memref<104x128xi32, #tpu.memory_space<vmem>>, vector<1x16xi32>,
    %swap3A_1693 = vector.shape_cast %swap3A_1692 : vector<1x16xi32> to vector<16xi32>
    %swap3A_1694 = vector.shape_cast %add3A_1688 : vector<16xi32> to vector<1x16xi32>
    tpu.vector_store %arg5[%swap3A_1690, %swap3A_1691], %swap3A_1694 {strides = array<i32>} : memref<104x128xi32, #tpu.memory_space<vmem>>, vector<1x16xi32>,
    %get3A_1695 = arith.constant 7 : i32
    %get3A_1696 = arith.index_cast %get3A_1695 : i32 to index
    %get3A_1697 = arith.constant 96 : index
    %get3A_1698 = tpu.vector_load %arg5[%get3A_1696, %get3A_1697] {strides = array<i32>} : memref<104x128xi32, #tpu.memory_space<vmem>>, vector<1x16xi32>,
    %get3A_1699 = vector.shape_cast %get3A_1698 : vector<1x16xi32> to vector<16xi32>
    %add3A_1700 = arith.constant 100000 : i32
    %add3A_1701 = vector.broadcast %add3A_1700 : i32 to vector<16xi32>
    %add3A_1702 = arith.addi %get3A_1699, %add3A_1701 : vector<16xi32>
    %swap3A_1703 = arith.constant 7 : i32
    %swap3A_1704 = arith.index_cast %swap3A_1703 : i32 to index
    %swap3A_1705 = arith.constant 96 : index
    %swap3A_1706 = tpu.vector_load %arg5[%swap3A_1704, %swap3A_1705] {strides = array<i32>} : memref<104x128xi32, #tpu.memory_space<vmem>>, vector<1x16xi32>,
    %swap3A_1707 = vector.shape_cast %swap3A_1706 : vector<1x16xi32> to vector<16xi32>
    %swap3A_1708 = vector.shape_cast %add3A_1702 : vector<16xi32> to vector<1x16xi32>
    tpu.vector_store %arg5[%swap3A_1704, %swap3A_1705], %swap3A_1708 {strides = array<i32>} : memref<104x128xi32, #tpu.memory_space<vmem>>, vector<1x16xi32>,
    %get3A_1709 = arith.constant 7 : i32
    %get3A_1710 = arith.index_cast %get3A_1709 : i32 to index
    %get3A_1711 = arith.constant 112 : index
    %get3A_1712 = tpu.vector_load %arg5[%get3A_1710, %get3A_1711] {strides = array<i32>} : memref<104x128xi32, #tpu.memory_space<vmem>>, vector<1x16xi32>,
    %get3A_1713 = vector.shape_cast %get3A_1712 : vector<1x16xi32> to vector<16xi32>
    %add3A_1714 = arith.constant 100000 : i32
    %add3A_1715 = vector.broadcast %add3A_1714 : i32 to vector<16xi32>
    %add3A_1716 = arith.addi %get3A_1713, %add3A_1715 : vector<16xi32>
    %swap3A_1717 = arith.constant 7 : i32
    %swap3A_1718 = arith.index_cast %swap3A_1717 : i32 to index
    %swap3A_1719 = arith.constant 112 : index
    %swap3A_1720 = tpu.vector_load %arg5[%swap3A_1718, %swap3A_1719] {strides = array<i32>} : memref<104x128xi32, #tpu.memory_space<vmem>>, vector<1x16xi32>,
    %swap3A_1721 = vector.shape_cast %swap3A_1720 : vector<1x16xi32> to vector<16xi32>
    %swap3A_1722 = vector.shape_cast %add3A_1716 : vector<16xi32> to vector<1x16xi32>
    tpu.vector_store %arg5[%swap3A_1718, %swap3A_1719], %swap3A_1722 {strides = array<i32>} : memref<104x128xi32, #tpu.memory_space<vmem>>, vector<1x16xi32>,
    %dma_start3A_1723 = arith.constant 4 : i32
    %dma_start3A_1724 = arith.constant 1 : i32
    %dma_start3A_1725 = arith.constant 0 : i32
    %dma_start3A_1726 = arith.constant 0 : i32
    %dma_start3A_1727 = tpu.memref_slice %arg6[%dma_start3A_1724, %dma_start3A_1725, %dma_start3A_1726] : memref<4x512x16xf32, #tpu.memory_space<vmem>> -> memref<1x128x16xf32, #tpu.memory_space<vmem>>
    %dma_start3A_1728 = tpu.memref_squeeze %dma_start3A_1727 : memref<1x128x16xf32, #tpu.memory_space<vmem>> -> memref<128x16xf32, #tpu.memory_space<vmem>>
    %dma_start3A_1729 = arith.constant 0 : i32
    %dma_start3A_1730 = tpu.memref_slice %arg5[%dma_start3A_1723, %dma_start3A_1729] : memref<104x128xi32, #tpu.memory_space<vmem>> -> memref<1x128xi32, #tpu.memory_space<vmem>>
    %dma_start3A_1731 = tpu.memref_squeeze %dma_start3A_1730 : memref<1x128xi32, #tpu.memory_space<vmem>> -> memref<128xi32, #tpu.memory_space<vmem>>
    %dma_start3A_1732 = arith.constant 0 : i32
    %dma_start3A_1733 = arith.constant 0 : i32
    %dma_start3A_1734 = tpu.memref_slice %arg3[%dma_start3A_1732, %dma_start3A_1733] : memref<2600000x16xf32, #tpu.memory_space<hbm>> -> memref<2600000x16xf32, #tpu.memory_space<hbm>>
    tpu.enqueue_indirect_dma source(%dma_start3A_1734 : memref<2600000x16xf32, #tpu.memory_space<hbm>>) target(%dma_start3A_1728 : memref<128x16xf32, #tpu.memory_space<vmem>>) offsets(%dma_start3A_1731 : memref<128xi32, #tpu.memory_space<vmem>>) semaphore(%arg8 : memref<!tpu.dma_semaphore, #tpu.memory_space<semaphore_mem>>)
    %dma_start3A_1735 = arith.constant 5 : i32
    %dma_start3A_1736 = arith.constant 1 : i32
    %dma_start3A_1737 = arith.constant 128 : i32
    %dma_start3A_1738 = arith.constant 0 : i32
    %dma_start3A_1739 = tpu.memref_slice %arg6[%dma_start3A_1736, %dma_start3A_1737, %dma_start3A_1738] : memref<4x512x16xf32, #tpu.memory_space<vmem>> -> memref<1x128x16xf32, #tpu.memory_space<vmem>>
    %dma_start3A_1740 = tpu.memref_squeeze %dma_start3A_1739 : memref<1x128x16xf32, #tpu.memory_space<vmem>> -> memref<128x16xf32, #tpu.memory_space<vmem>>
    %dma_start3A_1741 = arith.constant 0 : i32
    %dma_start3A_1742 = tpu.memref_slice %arg5[%dma_start3A_1735, %dma_start3A_1741] : memref<104x128xi32, #tpu.memory_space<vmem>> -> memref<1x128xi32, #tpu.memory_space<vmem>>
    %dma_start3A_1743 = tpu.memref_squeeze %dma_start3A_1742 : memref<1x128xi32, #tpu.memory_space<vmem>> -> memref<128xi32, #tpu.memory_space<vmem>>
    %dma_start3A_1744 = arith.constant 0 : i32
    %dma_start3A_1745 = arith.constant 0 : i32
    %dma_start3A_1746 = tpu.memref_slice %arg3[%dma_start3A_1744, %dma_start3A_1745] : memref<2600000x16xf32, #tpu.memory_space<hbm>> -> memref<2600000x16xf32, #tpu.memory_space<hbm>>
    tpu.enqueue_indirect_dma source(%dma_start3A_1746 : memref<2600000x16xf32, #tpu.memory_space<hbm>>) target(%dma_start3A_1740 : memref<128x16xf32, #tpu.memory_space<vmem>>) offsets(%dma_start3A_1743 : memref<128xi32, #tpu.memory_space<vmem>>) semaphore(%arg8 : memref<!tpu.dma_semaphore, #tpu.memory_space<semaphore_mem>>)
    %dma_start3A_1747 = arith.constant 6 : i32
    %dma_start3A_1748 = arith.constant 1 : i32
    %dma_start3A_1749 = arith.constant 256 : i32
    %dma_start3A_1750 = arith.constant 0 : i32
    %dma_start3A_1751 = tpu.memref_slice %arg6[%dma_start3A_1748, %dma_start3A_1749, %dma_start3A_1750] : memref<4x512x16xf32, #tpu.memory_space<vmem>> -> memref<1x128x16xf32, #tpu.memory_space<vmem>>
    %dma_start3A_1752 = tpu.memref_squeeze %dma_start3A_1751 : memref<1x128x16xf32, #tpu.memory_space<vmem>> -> memref<128x16xf32, #tpu.memory_space<vmem>>
    %dma_start3A_1753 = arith.constant 0 : i32
    %dma_start3A_1754 = tpu.memref_slice %arg5[%dma_start3A_1747, %dma_start3A_1753] : memref<104x128xi32, #tpu.memory_space<vmem>> -> memref<1x128xi32, #tpu.memory_space<vmem>>
    %dma_start3A_1755 = tpu.memref_squeeze %dma_start3A_1754 : memref<1x128xi32, #tpu.memory_space<vmem>> -> memref<128xi32, #tpu.memory_space<vmem>>
    %dma_start3A_1756 = arith.constant 0 : i32
    %dma_start3A_1757 = arith.constant 0 : i32
    %dma_start3A_1758 = tpu.memref_slice %arg3[%dma_start3A_1756, %dma_start3A_1757] : memref<2600000x16xf32, #tpu.memory_space<hbm>> -> memref<2600000x16xf32, #tpu.memory_space<hbm>>
    tpu.enqueue_indirect_dma source(%dma_start3A_1758 : memref<2600000x16xf32, #tpu.memory_space<hbm>>) target(%dma_start3A_1752 : memref<128x16xf32, #tpu.memory_space<vmem>>) offsets(%dma_start3A_1755 : memref<128xi32, #tpu.memory_space<vmem>>) semaphore(%arg8 : memref<!tpu.dma_semaphore, #tpu.memory_space<semaphore_mem>>)
    %dma_start3A_1759 = arith.constant 7 : i32
    %dma_start3A_1760 = arith.constant 1 : i32
    %dma_start3A_1761 = arith.constant 384 : i32
    %dma_start3A_1762 = arith.constant 0 : i32
    %dma_start3A_1763 = tpu.memref_slice %arg6[%dma_start3A_1760, %dma_start3A_1761, %dma_start3A_1762] : memref<4x512x16xf32, #tpu.memory_space<vmem>> -> memref<1x128x16xf32, #tpu.memory_space<vmem>>
    %dma_start3A_1764 = tpu.memref_squeeze %dma_start3A_1763 : memref<1x128x16xf32, #tpu.memory_space<vmem>> -> memref<128x16xf32, #tpu.memory_space<vmem>>
    %dma_start3A_1765 = arith.constant 0 : i32
    %dma_start3A_1766 = tpu.memref_slice %arg5[%dma_start3A_1759, %dma_start3A_1765] : memref<104x128xi32, #tpu.memory_space<vmem>> -> memref<1x128xi32, #tpu.memory_space<vmem>>
    %dma_start3A_1767 = tpu.memref_squeeze %dma_start3A_1766 : memref<1x128xi32, #tpu.memory_space<vmem>> -> memref<128xi32, #tpu.memory_space<vmem>>
    %dma_start3A_1768 = arith.constant 0 : i32
    %dma_start3A_1769 = arith.constant 0 : i32
    %dma_start3A_1770 = tpu.memref_slice %arg3[%dma_start3A_1768, %dma_start3A_1769] : memref<2600000x16xf32, #tpu.memory_space<hbm>> -> memref<2600000x16xf32, #tpu.memory_space<hbm>>
    tpu.enqueue_indirect_dma source(%dma_start3A_1770 : memref<2600000x16xf32, #tpu.memory_space<hbm>>) target(%dma_start3A_1764 : memref<128x16xf32, #tpu.memory_space<vmem>>) offsets(%dma_start3A_1767 : memref<128xi32, #tpu.memory_space<vmem>>) semaphore(%arg8 : memref<!tpu.dma_semaphore, #tpu.memory_space<semaphore_mem>>)
    %scan3A = arith.constant 0 : i32
    %scan3A_1771 = arith.constant 0 : i32
    %scan3A_1772 = arith.constant 26 : i32
    %scan3A_1773 = arith.addi %scan3A_1771, %scan3A_1772 : i32
    %scan3A_1774 = arith.constant 1 : i32
    %scan3A_1775 = scf.for %scan3A_1803 = %scan3A_1771 to %scan3A_1773 step %scan3A_1774 iter_args(%scan3A_1804 = %scan3A) -> (i32)  : i32 {
      %rem3A = arith.constant 4 : i32
      %rem3A_1805 = arith.remsi %scan3A_1803, %rem3A : i32
      %ge3A = arith.constant 2 : i32
      %ge3A_1806 = arith.cmpi sge, %scan3A_1803, %ge3A : i32
      %convert_element_type3A = arith.extui %ge3A_1806 : i1 to i32
      %cond3A = arith.constant 0 : i32
      %cond3A_1807 = arith.cmpi ne, %convert_element_type3A, %cond3A : i32
      scf.if %cond3A_1807 {
        %sub3A = arith.constant 2 : i32
        %sub3A_1883 = arith.subi %scan3A_1803, %sub3A : i32
        %rem3A_1884 = arith.constant 4 : i32
        %rem3A_1885 = arith.remsi %sub3A_1883, %rem3A_1884 : i32
        %sub3A_1886 = arith.constant 2 : i32
        %sub3A_1887 = arith.subi %scan3A_1803, %sub3A_1886 : i32
        %mul3A_1888 = arith.constant 16 : i32
        %mul3A_1889 = arith.muli %sub3A_1887, %mul3A_1888 : i32
        %dma_wait3A_1890 = arith.constant 0 : i32
        %dma_wait3A_1891 = arith.constant 0 : i32
        %dma_wait3A_1892 = tpu.memref_slice %arg6[%rem3A_1885, %dma_wait3A_1890, %dma_wait3A_1891] : memref<4x512x16xf32, #tpu.memory_space<vmem>> -> memref<1x512x16xf32, #tpu.memory_space<vmem>>
        %dma_wait3A_1893 = tpu.memref_squeeze %dma_wait3A_1892 : memref<1x512x16xf32, #tpu.memory_space<vmem>> -> memref<512x16xf32, #tpu.memory_space<vmem>>
        %dma_wait3A_1894 = tpu.memref_slice %arg4[%mul3A_2, %mul3A_1889] : memref<16384x416xf32, #tpu.memory_space<hbm>> -> memref<512x16xf32, #tpu.memory_space<hbm>>
        %dma_wait3A_1895 = tpu.memref_slice %arg4[%mul3A_2, %mul3A_1889] : memref<16384x416xf32, #tpu.memory_space<hbm>> -> memref<512x16xf32, #tpu.memory_space<hbm>>
        %dma_wait3A_1896 = arith.constant 0 : i32
        %dma_wait3A_1897 = arith.constant 0 : i32
        %dma_wait3A_1898 = tpu.memref_slice %arg6[%rem3A_1885, %dma_wait3A_1896, %dma_wait3A_1897] : memref<4x512x16xf32, #tpu.memory_space<vmem>> -> memref<1x512x16xf32, #tpu.memory_space<vmem>>
        %dma_wait3A_1899 = tpu.memref_squeeze %dma_wait3A_1898 : memref<1x512x16xf32, #tpu.memory_space<vmem>> -> memref<512x16xf32, #tpu.memory_space<vmem>>
        tpu.wait_dma2 semaphore(%arg9 : memref<!tpu.dma_semaphore, #tpu.memory_space<semaphore_mem>>) src(%dma_wait3A_1899 : memref<512x16xf32, #tpu.memory_space<vmem>>) dst(%dma_wait3A_1895 : memref<512x16xf32, #tpu.memory_space<hbm>>)
      } else {
      }
      %add3A_1808 = arith.constant 2 : i32
      %add3A_1809 = arith.addi %scan3A_1803, %add3A_1808 : i32
      %lt3A = arith.constant 26 : i32
      %lt3A_1810 = arith.cmpi slt, %add3A_1809, %lt3A : i32
      %convert_element_type3A_1811 = arith.extui %lt3A_1810 : i1 to i32
      %cond3A_1812 = arith.constant 0 : i32
      %cond3A_1813 = arith.cmpi ne, %convert_element_type3A_1811, %cond3A_1812 : i32
      scf.if %cond3A_1813 {
        %add3A_1883 = arith.constant 2 : i32
        %add3A_1884 = arith.addi %scan3A_1803, %add3A_1883 : i32
        %mul3A_1885 = arith.constant 100000 : i32
        %mul3A_1886 = arith.muli %add3A_1884, %mul3A_1885 : i32
        %mul3A_1887 = arith.constant 4 : i32
        %mul3A_1888 = arith.muli %add3A_1884, %mul3A_1887 : i32
        %add3A_1889 = arith.constant 0 : i32
        %add3A_1890 = arith.addi %mul3A_1888, %add3A_1889 : i32
        %get3A_1891 = arith.index_cast %add3A_1890 : i32 to index
        %get3A_1892 = arith.constant 0 : index
        %get3A_1893 = tpu.vector_load %arg5[%get3A_1891, %get3A_1892] {strides = array<i32>} : memref<104x128xi32, #tpu.memory_space<vmem>>, vector<1x16xi32>,
        %get3A_1894 = vector.shape_cast %get3A_1893 : vector<1x16xi32> to vector<16xi32>
        %add3A_1895 = vector.broadcast %mul3A_1886 : i32 to vector<16xi32>
        %add3A_1896 = arith.addi %get3A_1894, %add3A_1895 : vector<16xi32>
        %swap3A_1897 = arith.index_cast %add3A_1890 : i32 to index
        %swap3A_1898 = arith.constant 0 : index
        %swap3A_1899 = tpu.vector_load %arg5[%swap3A_1897, %swap3A_1898] {strides = array<i32>} : memref<104x128xi32, #tpu.memory_space<vmem>>, vector<1x16xi32>,
        %swap3A_1900 = vector.shape_cast %swap3A_1899 : vector<1x16xi32> to vector<16xi32>
        %swap3A_1901 = vector.shape_cast %add3A_1896 : vector<16xi32> to vector<1x16xi32>
        tpu.vector_store %arg5[%swap3A_1897, %swap3A_1898], %swap3A_1901 {strides = array<i32>} : memref<104x128xi32, #tpu.memory_space<vmem>>, vector<1x16xi32>,
        %mul3A_1902 = arith.constant 4 : i32
        %mul3A_1903 = arith.muli %add3A_1884, %mul3A_1902 : i32
        %add3A_1904 = arith.constant 0 : i32
        %add3A_1905 = arith.addi %mul3A_1903, %add3A_1904 : i32
        %get3A_1906 = arith.index_cast %add3A_1905 : i32 to index
        %get3A_1907 = arith.constant 16 : index
        %get3A_1908 = tpu.vector_load %arg5[%get3A_1906, %get3A_1907] {strides = array<i32>} : memref<104x128xi32, #tpu.memory_space<vmem>>, vector<1x16xi32>,
        %get3A_1909 = vector.shape_cast %get3A_1908 : vector<1x16xi32> to vector<16xi32>
        %add3A_1910 = vector.broadcast %mul3A_1886 : i32 to vector<16xi32>
        %add3A_1911 = arith.addi %get3A_1909, %add3A_1910 : vector<16xi32>
        %swap3A_1912 = arith.index_cast %add3A_1905 : i32 to index
        %swap3A_1913 = arith.constant 16 : index
        %swap3A_1914 = tpu.vector_load %arg5[%swap3A_1912, %swap3A_1913] {strides = array<i32>} : memref<104x128xi32, #tpu.memory_space<vmem>>, vector<1x16xi32>,
        %swap3A_1915 = vector.shape_cast %swap3A_1914 : vector<1x16xi32> to vector<16xi32>
        %swap3A_1916 = vector.shape_cast %add3A_1911 : vector<16xi32> to vector<1x16xi32>
        tpu.vector_store %arg5[%swap3A_1912, %swap3A_1913], %swap3A_1916 {strides = array<i32>} : memref<104x128xi32, #tpu.memory_space<vmem>>, vector<1x16xi32>,
        %mul3A_1917 = arith.constant 4 : i32
        %mul3A_1918 = arith.muli %add3A_1884, %mul3A_1917 : i32
        %add3A_1919 = arith.constant 0 : i32
        %add3A_1920 = arith.addi %mul3A_1918, %add3A_1919 : i32
        %get3A_1921 = arith.index_cast %add3A_1920 : i32 to index
        %get3A_1922 = arith.constant 32 : index
        %get3A_1923 = tpu.vector_load %arg5[%get3A_1921, %get3A_1922] {strides = array<i32>} : memref<104x128xi32, #tpu.memory_space<vmem>>, vector<1x16xi32>,
        %get3A_1924 = vector.shape_cast %get3A_1923 : vector<1x16xi32> to vector<16xi32>
        %add3A_1925 = vector.broadcast %mul3A_1886 : i32 to vector<16xi32>
        %add3A_1926 = arith.addi %get3A_1924, %add3A_1925 : vector<16xi32>
        %swap3A_1927 = arith.index_cast %add3A_1920 : i32 to index
        %swap3A_1928 = arith.constant 32 : index
        %swap3A_1929 = tpu.vector_load %arg5[%swap3A_1927, %swap3A_1928] {strides = array<i32>} : memref<104x128xi32, #tpu.memory_space<vmem>>, vector<1x16xi32>,
        %swap3A_1930 = vector.shape_cast %swap3A_1929 : vector<1x16xi32> to vector<16xi32>
        %swap3A_1931 = vector.shape_cast %add3A_1926 : vector<16xi32> to vector<1x16xi32>
        tpu.vector_store %arg5[%swap3A_1927, %swap3A_1928], %swap3A_1931 {strides = array<i32>} : memref<104x128xi32, #tpu.memory_space<vmem>>, vector<1x16xi32>,
        %mul3A_1932 = arith.constant 4 : i32
        %mul3A_1933 = arith.muli %add3A_1884, %mul3A_1932 : i32
        %add3A_1934 = arith.constant 0 : i32
        %add3A_1935 = arith.addi %mul3A_1933, %add3A_1934 : i32
        %get3A_1936 = arith.index_cast %add3A_1935 : i32 to index
        %get3A_1937 = arith.constant 48 : index
        %get3A_1938 = tpu.vector_load %arg5[%get3A_1936, %get3A_1937] {strides = array<i32>} : memref<104x128xi32, #tpu.memory_space<vmem>>, vector<1x16xi32>,
        %get3A_1939 = vector.shape_cast %get3A_1938 : vector<1x16xi32> to vector<16xi32>
        %add3A_1940 = vector.broadcast %mul3A_1886 : i32 to vector<16xi32>
        %add3A_1941 = arith.addi %get3A_1939, %add3A_1940 : vector<16xi32>
        %swap3A_1942 = arith.index_cast %add3A_1935 : i32 to index
        %swap3A_1943 = arith.constant 48 : index
        %swap3A_1944 = tpu.vector_load %arg5[%swap3A_1942, %swap3A_1943] {strides = array<i32>} : memref<104x128xi32, #tpu.memory_space<vmem>>, vector<1x16xi32>,
        %swap3A_1945 = vector.shape_cast %swap3A_1944 : vector<1x16xi32> to vector<16xi32>
        %swap3A_1946 = vector.shape_cast %add3A_1941 : vector<16xi32> to vector<1x16xi32>
        tpu.vector_store %arg5[%swap3A_1942, %swap3A_1943], %swap3A_1946 {strides = array<i32>} : memref<104x128xi32, #tpu.memory_space<vmem>>, vector<1x16xi32>,
        %mul3A_1947 = arith.constant 4 : i32
        %mul3A_1948 = arith.muli %add3A_1884, %mul3A_1947 : i32
        %add3A_1949 = arith.constant 0 : i32
        %add3A_1950 = arith.addi %mul3A_1948, %add3A_1949 : i32
        %get3A_1951 = arith.index_cast %add3A_1950 : i32 to index
        %get3A_1952 = arith.constant 64 : index
        %get3A_1953 = tpu.vector_load %arg5[%get3A_1951, %get3A_1952] {strides = array<i32>} : memref<104x128xi32, #tpu.memory_space<vmem>>, vector<1x16xi32>,
        %get3A_1954 = vector.shape_cast %get3A_1953 : vector<1x16xi32> to vector<16xi32>
        %add3A_1955 = vector.broadcast %mul3A_1886 : i32 to vector<16xi32>
        %add3A_1956 = arith.addi %get3A_1954, %add3A_1955 : vector<16xi32>
        %swap3A_1957 = arith.index_cast %add3A_1950 : i32 to index
        %swap3A_1958 = arith.constant 64 : index
        %swap3A_1959 = tpu.vector_load %arg5[%swap3A_1957, %swap3A_1958] {strides = array<i32>} : memref<104x128xi32, #tpu.memory_space<vmem>>, vector<1x16xi32>,
        %swap3A_1960 = vector.shape_cast %swap3A_1959 : vector<1x16xi32> to vector<16xi32>
        %swap3A_1961 = vector.shape_cast %add3A_1956 : vector<16xi32> to vector<1x16xi32>
        tpu.vector_store %arg5[%swap3A_1957, %swap3A_1958], %swap3A_1961 {strides = array<i32>} : memref<104x128xi32, #tpu.memory_space<vmem>>, vector<1x16xi32>,
        %mul3A_1962 = arith.constant 4 : i32
        %mul3A_1963 = arith.muli %add3A_1884, %mul3A_1962 : i32
        %add3A_1964 = arith.constant 0 : i32
        %add3A_1965 = arith.addi %mul3A_1963, %add3A_1964 : i32
        %get3A_1966 = arith.index_cast %add3A_1965 : i32 to index
        %get3A_1967 = arith.constant 80 : index
        %get3A_1968 = tpu.vector_load %arg5[%get3A_1966, %get3A_1967] {strides = array<i32>} : memref<104x128xi32, #tpu.memory_space<vmem>>, vector<1x16xi32>,
        %get3A_1969 = vector.shape_cast %get3A_1968 : vector<1x16xi32> to vector<16xi32>
        %add3A_1970 = vector.broadcast %mul3A_1886 : i32 to vector<16xi32>
        %add3A_1971 = arith.addi %get3A_1969, %add3A_1970 : vector<16xi32>
        %swap3A_1972 = arith.index_cast %add3A_1965 : i32 to index
        %swap3A_1973 = arith.constant 80 : index
        %swap3A_1974 = tpu.vector_load %arg5[%swap3A_1972, %swap3A_1973] {strides = array<i32>} : memref<104x128xi32, #tpu.memory_space<vmem>>, vector<1x16xi32>,
        %swap3A_1975 = vector.shape_cast %swap3A_1974 : vector<1x16xi32> to vector<16xi32>
        %swap3A_1976 = vector.shape_cast %add3A_1971 : vector<16xi32> to vector<1x16xi32>
        tpu.vector_store %arg5[%swap3A_1972, %swap3A_1973], %swap3A_1976 {strides = array<i32>} : memref<104x128xi32, #tpu.memory_space<vmem>>, vector<1x16xi32>,
        %mul3A_1977 = arith.constant 4 : i32
        %mul3A_1978 = arith.muli %add3A_1884, %mul3A_1977 : i32
        %add3A_1979 = arith.constant 0 : i32
        %add3A_1980 = arith.addi %mul3A_1978, %add3A_1979 : i32
        %get3A_1981 = arith.index_cast %add3A_1980 : i32 to index
        %get3A_1982 = arith.constant 96 : index
        %get3A_1983 = tpu.vector_load %arg5[%get3A_1981, %get3A_1982] {strides = array<i32>} : memref<104x128xi32, #tpu.memory_space<vmem>>, vector<1x16xi32>,
        %get3A_1984 = vector.shape_cast %get3A_1983 : vector<1x16xi32> to vector<16xi32>
        %add3A_1985 = vector.broadcast %mul3A_1886 : i32 to vector<16xi32>
        %add3A_1986 = arith.addi %get3A_1984, %add3A_1985 : vector<16xi32>
        %swap3A_1987 = arith.index_cast %add3A_1980 : i32 to index
        %swap3A_1988 = arith.constant 96 : index
        %swap3A_1989 = tpu.vector_load %arg5[%swap3A_1987, %swap3A_1988] {strides = array<i32>} : memref<104x128xi32, #tpu.memory_space<vmem>>, vector<1x16xi32>,
        %swap3A_1990 = vector.shape_cast %swap3A_1989 : vector<1x16xi32> to vector<16xi32>
        %swap3A_1991 = vector.shape_cast %add3A_1986 : vector<16xi32> to vector<1x16xi32>
        tpu.vector_store %arg5[%swap3A_1987, %swap3A_1988], %swap3A_1991 {strides = array<i32>} : memref<104x128xi32, #tpu.memory_space<vmem>>, vector<1x16xi32>,
        %mul3A_1992 = arith.constant 4 : i32
        %mul3A_1993 = arith.muli %add3A_1884, %mul3A_1992 : i32
        %add3A_1994 = arith.constant 0 : i32
        %add3A_1995 = arith.addi %mul3A_1993, %add3A_1994 : i32
        %get3A_1996 = arith.index_cast %add3A_1995 : i32 to index
        %get3A_1997 = arith.constant 112 : index
        %get3A_1998 = tpu.vector_load %arg5[%get3A_1996, %get3A_1997] {strides = array<i32>} : memref<104x128xi32, #tpu.memory_space<vmem>>, vector<1x16xi32>,
        %get3A_1999 = vector.shape_cast %get3A_1998 : vector<1x16xi32> to vector<16xi32>
        %add3A_2000 = vector.broadcast %mul3A_1886 : i32 to vector<16xi32>
        %add3A_2001 = arith.addi %get3A_1999, %add3A_2000 : vector<16xi32>
        %swap3A_2002 = arith.index_cast %add3A_1995 : i32 to index
        %swap3A_2003 = arith.constant 112 : index
        %swap3A_2004 = tpu.vector_load %arg5[%swap3A_2002, %swap3A_2003] {strides = array<i32>} : memref<104x128xi32, #tpu.memory_space<vmem>>, vector<1x16xi32>,
        %swap3A_2005 = vector.shape_cast %swap3A_2004 : vector<1x16xi32> to vector<16xi32>
        %swap3A_2006 = vector.shape_cast %add3A_2001 : vector<16xi32> to vector<1x16xi32>
        tpu.vector_store %arg5[%swap3A_2002, %swap3A_2003], %swap3A_2006 {strides = array<i32>} : memref<104x128xi32, #tpu.memory_space<vmem>>, vector<1x16xi32>,
        %mul3A_2007 = arith.constant 4 : i32
        %mul3A_2008 = arith.muli %add3A_1884, %mul3A_2007 : i32
        %add3A_2009 = arith.constant 1 : i32
        %add3A_2010 = arith.addi %mul3A_2008, %add3A_2009 : i32
        %get3A_2011 = arith.index_cast %add3A_2010 : i32 to index
        %get3A_2012 = arith.constant 0 : index
        %get3A_2013 = tpu.vector_load %arg5[%get3A_2011, %get3A_2012] {strides = array<i32>} : memref<104x128xi32, #tpu.memory_space<vmem>>, vector<1x16xi32>,
        %get3A_2014 = vector.shape_cast %get3A_2013 : vector<1x16xi32> to vector<16xi32>
        %add3A_2015 = vector.broadcast %mul3A_1886 : i32 to vector<16xi32>
        %add3A_2016 = arith.addi %get3A_2014, %add3A_2015 : vector<16xi32>
        %swap3A_2017 = arith.index_cast %add3A_2010 : i32 to index
        %swap3A_2018 = arith.constant 0 : index
        %swap3A_2019 = tpu.vector_load %arg5[%swap3A_2017, %swap3A_2018] {strides = array<i32>} : memref<104x128xi32, #tpu.memory_space<vmem>>, vector<1x16xi32>,
        %swap3A_2020 = vector.shape_cast %swap3A_2019 : vector<1x16xi32> to vector<16xi32>
        %swap3A_2021 = vector.shape_cast %add3A_2016 : vector<16xi32> to vector<1x16xi32>
        tpu.vector_store %arg5[%swap3A_2017, %swap3A_2018], %swap3A_2021 {strides = array<i32>} : memref<104x128xi32, #tpu.memory_space<vmem>>, vector<1x16xi32>,
        %mul3A_2022 = arith.constant 4 : i32
        %mul3A_2023 = arith.muli %add3A_1884, %mul3A_2022 : i32
        %add3A_2024 = arith.constant 1 : i32
        %add3A_2025 = arith.addi %mul3A_2023, %add3A_2024 : i32
        %get3A_2026 = arith.index_cast %add3A_2025 : i32 to index
        %get3A_2027 = arith.constant 16 : index
        %get3A_2028 = tpu.vector_load %arg5[%get3A_2026, %get3A_2027] {strides = array<i32>} : memref<104x128xi32, #tpu.memory_space<vmem>>, vector<1x16xi32>,
        %get3A_2029 = vector.shape_cast %get3A_2028 : vector<1x16xi32> to vector<16xi32>
        %add3A_2030 = vector.broadcast %mul3A_1886 : i32 to vector<16xi32>
        %add3A_2031 = arith.addi %get3A_2029, %add3A_2030 : vector<16xi32>
        %swap3A_2032 = arith.index_cast %add3A_2025 : i32 to index
        %swap3A_2033 = arith.constant 16 : index
        %swap3A_2034 = tpu.vector_load %arg5[%swap3A_2032, %swap3A_2033] {strides = array<i32>} : memref<104x128xi32, #tpu.memory_space<vmem>>, vector<1x16xi32>,
        %swap3A_2035 = vector.shape_cast %swap3A_2034 : vector<1x16xi32> to vector<16xi32>
        %swap3A_2036 = vector.shape_cast %add3A_2031 : vector<16xi32> to vector<1x16xi32>
        tpu.vector_store %arg5[%swap3A_2032, %swap3A_2033], %swap3A_2036 {strides = array<i32>} : memref<104x128xi32, #tpu.memory_space<vmem>>, vector<1x16xi32>,
        %mul3A_2037 = arith.constant 4 : i32
        %mul3A_2038 = arith.muli %add3A_1884, %mul3A_2037 : i32
        %add3A_2039 = arith.constant 1 : i32
        %add3A_2040 = arith.addi %mul3A_2038, %add3A_2039 : i32
        %get3A_2041 = arith.index_cast %add3A_2040 : i32 to index
        %get3A_2042 = arith.constant 32 : index
        %get3A_2043 = tpu.vector_load %arg5[%get3A_2041, %get3A_2042] {strides = array<i32>} : memref<104x128xi32, #tpu.memory_space<vmem>>, vector<1x16xi32>,
        %get3A_2044 = vector.shape_cast %get3A_2043 : vector<1x16xi32> to vector<16xi32>
        %add3A_2045 = vector.broadcast %mul3A_1886 : i32 to vector<16xi32>
        %add3A_2046 = arith.addi %get3A_2044, %add3A_2045 : vector<16xi32>
        %swap3A_2047 = arith.index_cast %add3A_2040 : i32 to index
        %swap3A_2048 = arith.constant 32 : index
        %swap3A_2049 = tpu.vector_load %arg5[%swap3A_2047, %swap3A_2048] {strides = array<i32>} : memref<104x128xi32, #tpu.memory_space<vmem>>, vector<1x16xi32>,
        %swap3A_2050 = vector.shape_cast %swap3A_2049 : vector<1x16xi32> to vector<16xi32>
        %swap3A_2051 = vector.shape_cast %add3A_2046 : vector<16xi32> to vector<1x16xi32>
        tpu.vector_store %arg5[%swap3A_2047, %swap3A_2048], %swap3A_2051 {strides = array<i32>} : memref<104x128xi32, #tpu.memory_space<vmem>>, vector<1x16xi32>,
        %mul3A_2052 = arith.constant 4 : i32
        %mul3A_2053 = arith.muli %add3A_1884, %mul3A_2052 : i32
        %add3A_2054 = arith.constant 1 : i32
        %add3A_2055 = arith.addi %mul3A_2053, %add3A_2054 : i32
        %get3A_2056 = arith.index_cast %add3A_2055 : i32 to index
        %get3A_2057 = arith.constant 48 : index
        %get3A_2058 = tpu.vector_load %arg5[%get3A_2056, %get3A_2057] {strides = array<i32>} : memref<104x128xi32, #tpu.memory_space<vmem>>, vector<1x16xi32>,
        %get3A_2059 = vector.shape_cast %get3A_2058 : vector<1x16xi32> to vector<16xi32>
        %add3A_2060 = vector.broadcast %mul3A_1886 : i32 to vector<16xi32>
        %add3A_2061 = arith.addi %get3A_2059, %add3A_2060 : vector<16xi32>
        %swap3A_2062 = arith.index_cast %add3A_2055 : i32 to index
        %swap3A_2063 = arith.constant 48 : index
        %swap3A_2064 = tpu.vector_load %arg5[%swap3A_2062, %swap3A_2063] {strides = array<i32>} : memref<104x128xi32, #tpu.memory_space<vmem>>, vector<1x16xi32>,
        %swap3A_2065 = vector.shape_cast %swap3A_2064 : vector<1x16xi32> to vector<16xi32>
        %swap3A_2066 = vector.shape_cast %add3A_2061 : vector<16xi32> to vector<1x16xi32>
        tpu.vector_store %arg5[%swap3A_2062, %swap3A_2063], %swap3A_2066 {strides = array<i32>} : memref<104x128xi32, #tpu.memory_space<vmem>>, vector<1x16xi32>,
        %mul3A_2067 = arith.constant 4 : i32
        %mul3A_2068 = arith.muli %add3A_1884, %mul3A_2067 : i32
        %add3A_2069 = arith.constant 1 : i32
        %add3A_2070 = arith.addi %mul3A_2068, %add3A_2069 : i32
        %get3A_2071 = arith.index_cast %add3A_2070 : i32 to index
        %get3A_2072 = arith.constant 64 : index
        %get3A_2073 = tpu.vector_load %arg5[%get3A_2071, %get3A_2072] {strides = array<i32>} : memref<104x128xi32, #tpu.memory_space<vmem>>, vector<1x16xi32>,
        %get3A_2074 = vector.shape_cast %get3A_2073 : vector<1x16xi32> to vector<16xi32>
        %add3A_2075 = vector.broadcast %mul3A_1886 : i32 to vector<16xi32>
        %add3A_2076 = arith.addi %get3A_2074, %add3A_2075 : vector<16xi32>
        %swap3A_2077 = arith.index_cast %add3A_2070 : i32 to index
        %swap3A_2078 = arith.constant 64 : index
        %swap3A_2079 = tpu.vector_load %arg5[%swap3A_2077, %swap3A_2078] {strides = array<i32>} : memref<104x128xi32, #tpu.memory_space<vmem>>, vector<1x16xi32>,
        %swap3A_2080 = vector.shape_cast %swap3A_2079 : vector<1x16xi32> to vector<16xi32>
        %swap3A_2081 = vector.shape_cast %add3A_2076 : vector<16xi32> to vector<1x16xi32>
        tpu.vector_store %arg5[%swap3A_2077, %swap3A_2078], %swap3A_2081 {strides = array<i32>} : memref<104x128xi32, #tpu.memory_space<vmem>>, vector<1x16xi32>,
        %mul3A_2082 = arith.constant 4 : i32
        %mul3A_2083 = arith.muli %add3A_1884, %mul3A_2082 : i32
        %add3A_2084 = arith.constant 1 : i32
        %add3A_2085 = arith.addi %mul3A_2083, %add3A_2084 : i32
        %get3A_2086 = arith.index_cast %add3A_2085 : i32 to index
        %get3A_2087 = arith.constant 80 : index
        %get3A_2088 = tpu.vector_load %arg5[%get3A_2086, %get3A_2087] {strides = array<i32>} : memref<104x128xi32, #tpu.memory_space<vmem>>, vector<1x16xi32>,
        %get3A_2089 = vector.shape_cast %get3A_2088 : vector<1x16xi32> to vector<16xi32>
        %add3A_2090 = vector.broadcast %mul3A_1886 : i32 to vector<16xi32>
        %add3A_2091 = arith.addi %get3A_2089, %add3A_2090 : vector<16xi32>
        %swap3A_2092 = arith.index_cast %add3A_2085 : i32 to index
        %swap3A_2093 = arith.constant 80 : index
        %swap3A_2094 = tpu.vector_load %arg5[%swap3A_2092, %swap3A_2093] {strides = array<i32>} : memref<104x128xi32, #tpu.memory_space<vmem>>, vector<1x16xi32>,
        %swap3A_2095 = vector.shape_cast %swap3A_2094 : vector<1x16xi32> to vector<16xi32>
        %swap3A_2096 = vector.shape_cast %add3A_2091 : vector<16xi32> to vector<1x16xi32>
        tpu.vector_store %arg5[%swap3A_2092, %swap3A_2093], %swap3A_2096 {strides = array<i32>} : memref<104x128xi32, #tpu.memory_space<vmem>>, vector<1x16xi32>,
        %mul3A_2097 = arith.constant 4 : i32
        %mul3A_2098 = arith.muli %add3A_1884, %mul3A_2097 : i32
        %add3A_2099 = arith.constant 1 : i32
        %add3A_2100 = arith.addi %mul3A_2098, %add3A_2099 : i32
        %get3A_2101 = arith.index_cast %add3A_2100 : i32 to index
        %get3A_2102 = arith.constant 96 : index
        %get3A_2103 = tpu.vector_load %arg5[%get3A_2101, %get3A_2102] {strides = array<i32>} : memref<104x128xi32, #tpu.memory_space<vmem>>, vector<1x16xi32>,
        %get3A_2104 = vector.shape_cast %get3A_2103 : vector<1x16xi32> to vector<16xi32>
        %add3A_2105 = vector.broadcast %mul3A_1886 : i32 to vector<16xi32>
        %add3A_2106 = arith.addi %get3A_2104, %add3A_2105 : vector<16xi32>
        %swap3A_2107 = arith.index_cast %add3A_2100 : i32 to index
        %swap3A_2108 = arith.constant 96 : index
        %swap3A_2109 = tpu.vector_load %arg5[%swap3A_2107, %swap3A_2108] {strides = array<i32>} : memref<104x128xi32, #tpu.memory_space<vmem>>, vector<1x16xi32>,
        %swap3A_2110 = vector.shape_cast %swap3A_2109 : vector<1x16xi32> to vector<16xi32>
        %swap3A_2111 = vector.shape_cast %add3A_2106 : vector<16xi32> to vector<1x16xi32>
        tpu.vector_store %arg5[%swap3A_2107, %swap3A_2108], %swap3A_2111 {strides = array<i32>} : memref<104x128xi32, #tpu.memory_space<vmem>>, vector<1x16xi32>,
        %mul3A_2112 = arith.constant 4 : i32
        %mul3A_2113 = arith.muli %add3A_1884, %mul3A_2112 : i32
        %add3A_2114 = arith.constant 1 : i32
        %add3A_2115 = arith.addi %mul3A_2113, %add3A_2114 : i32
        %get3A_2116 = arith.index_cast %add3A_2115 : i32 to index
        %get3A_2117 = arith.constant 112 : index
        %get3A_2118 = tpu.vector_load %arg5[%get3A_2116, %get3A_2117] {strides = array<i32>} : memref<104x128xi32, #tpu.memory_space<vmem>>, vector<1x16xi32>,
        %get3A_2119 = vector.shape_cast %get3A_2118 : vector<1x16xi32> to vector<16xi32>
        %add3A_2120 = vector.broadcast %mul3A_1886 : i32 to vector<16xi32>
        %add3A_2121 = arith.addi %get3A_2119, %add3A_2120 : vector<16xi32>
        %swap3A_2122 = arith.index_cast %add3A_2115 : i32 to index
        %swap3A_2123 = arith.constant 112 : index
        %swap3A_2124 = tpu.vector_load %arg5[%swap3A_2122, %swap3A_2123] {strides = array<i32>} : memref<104x128xi32, #tpu.memory_space<vmem>>, vector<1x16xi32>,
        %swap3A_2125 = vector.shape_cast %swap3A_2124 : vector<1x16xi32> to vector<16xi32>
        %swap3A_2126 = vector.shape_cast %add3A_2121 : vector<16xi32> to vector<1x16xi32>
        tpu.vector_store %arg5[%swap3A_2122, %swap3A_2123], %swap3A_2126 {strides = array<i32>} : memref<104x128xi32, #tpu.memory_space<vmem>>, vector<1x16xi32>,
        %mul3A_2127 = arith.constant 4 : i32
        %mul3A_2128 = arith.muli %add3A_1884, %mul3A_2127 : i32
        %add3A_2129 = arith.constant 2 : i32
        %add3A_2130 = arith.addi %mul3A_2128, %add3A_2129 : i32
        %get3A_2131 = arith.index_cast %add3A_2130 : i32 to index
        %get3A_2132 = arith.constant 0 : index
        %get3A_2133 = tpu.vector_load %arg5[%get3A_2131, %get3A_2132] {strides = array<i32>} : memref<104x128xi32, #tpu.memory_space<vmem>>, vector<1x16xi32>,
        %get3A_2134 = vector.shape_cast %get3A_2133 : vector<1x16xi32> to vector<16xi32>
        %add3A_2135 = vector.broadcast %mul3A_1886 : i32 to vector<16xi32>
        %add3A_2136 = arith.addi %get3A_2134, %add3A_2135 : vector<16xi32>
        %swap3A_2137 = arith.index_cast %add3A_2130 : i32 to index
        %swap3A_2138 = arith.constant 0 : index
        %swap3A_2139 = tpu.vector_load %arg5[%swap3A_2137, %swap3A_2138] {strides = array<i32>} : memref<104x128xi32, #tpu.memory_space<vmem>>, vector<1x16xi32>,
        %swap3A_2140 = vector.shape_cast %swap3A_2139 : vector<1x16xi32> to vector<16xi32>
        %swap3A_2141 = vector.shape_cast %add3A_2136 : vector<16xi32> to vector<1x16xi32>
        tpu.vector_store %arg5[%swap3A_2137, %swap3A_2138], %swap3A_2141 {strides = array<i32>} : memref<104x128xi32, #tpu.memory_space<vmem>>, vector<1x16xi32>,
        %mul3A_2142 = arith.constant 4 : i32
        %mul3A_2143 = arith.muli %add3A_1884, %mul3A_2142 : i32
        %add3A_2144 = arith.constant 2 : i32
        %add3A_2145 = arith.addi %mul3A_2143, %add3A_2144 : i32
        %get3A_2146 = arith.index_cast %add3A_2145 : i32 to index
        %get3A_2147 = arith.constant 16 : index
        %get3A_2148 = tpu.vector_load %arg5[%get3A_2146, %get3A_2147] {strides = array<i32>} : memref<104x128xi32, #tpu.memory_space<vmem>>, vector<1x16xi32>,
        %get3A_2149 = vector.shape_cast %get3A_2148 : vector<1x16xi32> to vector<16xi32>
        %add3A_2150 = vector.broadcast %mul3A_1886 : i32 to vector<16xi32>
        %add3A_2151 = arith.addi %get3A_2149, %add3A_2150 : vector<16xi32>
        %swap3A_2152 = arith.index_cast %add3A_2145 : i32 to index
        %swap3A_2153 = arith.constant 16 : index
        %swap3A_2154 = tpu.vector_load %arg5[%swap3A_2152, %swap3A_2153] {strides = array<i32>} : memref<104x128xi32, #tpu.memory_space<vmem>>, vector<1x16xi32>,
        %swap3A_2155 = vector.shape_cast %swap3A_2154 : vector<1x16xi32> to vector<16xi32>
        %swap3A_2156 = vector.shape_cast %add3A_2151 : vector<16xi32> to vector<1x16xi32>
        tpu.vector_store %arg5[%swap3A_2152, %swap3A_2153], %swap3A_2156 {strides = array<i32>} : memref<104x128xi32, #tpu.memory_space<vmem>>, vector<1x16xi32>,
        %mul3A_2157 = arith.constant 4 : i32
        %mul3A_2158 = arith.muli %add3A_1884, %mul3A_2157 : i32
        %add3A_2159 = arith.constant 2 : i32
        %add3A_2160 = arith.addi %mul3A_2158, %add3A_2159 : i32
        %get3A_2161 = arith.index_cast %add3A_2160 : i32 to index
        %get3A_2162 = arith.constant 32 : index
        %get3A_2163 = tpu.vector_load %arg5[%get3A_2161, %get3A_2162] {strides = array<i32>} : memref<104x128xi32, #tpu.memory_space<vmem>>, vector<1x16xi32>,
        %get3A_2164 = vector.shape_cast %get3A_2163 : vector<1x16xi32> to vector<16xi32>
        %add3A_2165 = vector.broadcast %mul3A_1886 : i32 to vector<16xi32>
        %add3A_2166 = arith.addi %get3A_2164, %add3A_2165 : vector<16xi32>
        %swap3A_2167 = arith.index_cast %add3A_2160 : i32 to index
        %swap3A_2168 = arith.constant 32 : index
        %swap3A_2169 = tpu.vector_load %arg5[%swap3A_2167, %swap3A_2168] {strides = array<i32>} : memref<104x128xi32, #tpu.memory_space<vmem>>, vector<1x16xi32>,
        %swap3A_2170 = vector.shape_cast %swap3A_2169 : vector<1x16xi32> to vector<16xi32>
        %swap3A_2171 = vector.shape_cast %add3A_2166 : vector<16xi32> to vector<1x16xi32>
        tpu.vector_store %arg5[%swap3A_2167, %swap3A_2168], %swap3A_2171 {strides = array<i32>} : memref<104x128xi32, #tpu.memory_space<vmem>>, vector<1x16xi32>,
        %mul3A_2172 = arith.constant 4 : i32
        %mul3A_2173 = arith.muli %add3A_1884, %mul3A_2172 : i32
        %add3A_2174 = arith.constant 2 : i32
        %add3A_2175 = arith.addi %mul3A_2173, %add3A_2174 : i32
        %get3A_2176 = arith.index_cast %add3A_2175 : i32 to index
        %get3A_2177 = arith.constant 48 : index
        %get3A_2178 = tpu.vector_load %arg5[%get3A_2176, %get3A_2177] {strides = array<i32>} : memref<104x128xi32, #tpu.memory_space<vmem>>, vector<1x16xi32>,
        %get3A_2179 = vector.shape_cast %get3A_2178 : vector<1x16xi32> to vector<16xi32>
        %add3A_2180 = vector.broadcast %mul3A_1886 : i32 to vector<16xi32>
        %add3A_2181 = arith.addi %get3A_2179, %add3A_2180 : vector<16xi32>
        %swap3A_2182 = arith.index_cast %add3A_2175 : i32 to index
        %swap3A_2183 = arith.constant 48 : index
        %swap3A_2184 = tpu.vector_load %arg5[%swap3A_2182, %swap3A_2183] {strides = array<i32>} : memref<104x128xi32, #tpu.memory_space<vmem>>, vector<1x16xi32>,
        %swap3A_2185 = vector.shape_cast %swap3A_2184 : vector<1x16xi32> to vector<16xi32>
        %swap3A_2186 = vector.shape_cast %add3A_2181 : vector<16xi32> to vector<1x16xi32>
        tpu.vector_store %arg5[%swap3A_2182, %swap3A_2183], %swap3A_2186 {strides = array<i32>} : memref<104x128xi32, #tpu.memory_space<vmem>>, vector<1x16xi32>,
        %mul3A_2187 = arith.constant 4 : i32
        %mul3A_2188 = arith.muli %add3A_1884, %mul3A_2187 : i32
        %add3A_2189 = arith.constant 2 : i32
        %add3A_2190 = arith.addi %mul3A_2188, %add3A_2189 : i32
        %get3A_2191 = arith.index_cast %add3A_2190 : i32 to index
        %get3A_2192 = arith.constant 64 : index
        %get3A_2193 = tpu.vector_load %arg5[%get3A_2191, %get3A_2192] {strides = array<i32>} : memref<104x128xi32, #tpu.memory_space<vmem>>, vector<1x16xi32>,
        %get3A_2194 = vector.shape_cast %get3A_2193 : vector<1x16xi32> to vector<16xi32>
        %add3A_2195 = vector.broadcast %mul3A_1886 : i32 to vector<16xi32>
        %add3A_2196 = arith.addi %get3A_2194, %add3A_2195 : vector<16xi32>
        %swap3A_2197 = arith.index_cast %add3A_2190 : i32 to index
        %swap3A_2198 = arith.constant 64 : index
        %swap3A_2199 = tpu.vector_load %arg5[%swap3A_2197, %swap3A_2198] {strides = array<i32>} : memref<104x128xi32, #tpu.memory_space<vmem>>, vector<1x16xi32>,
        %swap3A_2200 = vector.shape_cast %swap3A_2199 : vector<1x16xi32> to vector<16xi32>
        %swap3A_2201 = vector.shape_cast %add3A_2196 : vector<16xi32> to vector<1x16xi32>
        tpu.vector_store %arg5[%swap3A_2197, %swap3A_2198], %swap3A_2201 {strides = array<i32>} : memref<104x128xi32, #tpu.memory_space<vmem>>, vector<1x16xi32>,
        %mul3A_2202 = arith.constant 4 : i32
        %mul3A_2203 = arith.muli %add3A_1884, %mul3A_2202 : i32
        %add3A_2204 = arith.constant 2 : i32
        %add3A_2205 = arith.addi %mul3A_2203, %add3A_2204 : i32
        %get3A_2206 = arith.index_cast %add3A_2205 : i32 to index
        %get3A_2207 = arith.constant 80 : index
        %get3A_2208 = tpu.vector_load %arg5[%get3A_2206, %get3A_2207] {strides = array<i32>} : memref<104x128xi32, #tpu.memory_space<vmem>>, vector<1x16xi32>,
        %get3A_2209 = vector.shape_cast %get3A_2208 : vector<1x16xi32> to vector<16xi32>
        %add3A_2210 = vector.broadcast %mul3A_1886 : i32 to vector<16xi32>
        %add3A_2211 = arith.addi %get3A_2209, %add3A_2210 : vector<16xi32>
        %swap3A_2212 = arith.index_cast %add3A_2205 : i32 to index
        %swap3A_2213 = arith.constant 80 : index
        %swap3A_2214 = tpu.vector_load %arg5[%swap3A_2212, %swap3A_2213] {strides = array<i32>} : memref<104x128xi32, #tpu.memory_space<vmem>>, vector<1x16xi32>,
        %swap3A_2215 = vector.shape_cast %swap3A_2214 : vector<1x16xi32> to vector<16xi32>
        %swap3A_2216 = vector.shape_cast %add3A_2211 : vector<16xi32> to vector<1x16xi32>
        tpu.vector_store %arg5[%swap3A_2212, %swap3A_2213], %swap3A_2216 {strides = array<i32>} : memref<104x128xi32, #tpu.memory_space<vmem>>, vector<1x16xi32>,
        %mul3A_2217 = arith.constant 4 : i32
        %mul3A_2218 = arith.muli %add3A_1884, %mul3A_2217 : i32
        %add3A_2219 = arith.constant 2 : i32
        %add3A_2220 = arith.addi %mul3A_2218, %add3A_2219 : i32
        %get3A_2221 = arith.index_cast %add3A_2220 : i32 to index
        %get3A_2222 = arith.constant 96 : index
        %get3A_2223 = tpu.vector_load %arg5[%get3A_2221, %get3A_2222] {strides = array<i32>} : memref<104x128xi32, #tpu.memory_space<vmem>>, vector<1x16xi32>,
        %get3A_2224 = vector.shape_cast %get3A_2223 : vector<1x16xi32> to vector<16xi32>
        %add3A_2225 = vector.broadcast %mul3A_1886 : i32 to vector<16xi32>
        %add3A_2226 = arith.addi %get3A_2224, %add3A_2225 : vector<16xi32>
        %swap3A_2227 = arith.index_cast %add3A_2220 : i32 to index
        %swap3A_2228 = arith.constant 96 : index
        %swap3A_2229 = tpu.vector_load %arg5[%swap3A_2227, %swap3A_2228] {strides = array<i32>} : memref<104x128xi32, #tpu.memory_space<vmem>>, vector<1x16xi32>,
        %swap3A_2230 = vector.shape_cast %swap3A_2229 : vector<1x16xi32> to vector<16xi32>
        %swap3A_2231 = vector.shape_cast %add3A_2226 : vector<16xi32> to vector<1x16xi32>
        tpu.vector_store %arg5[%swap3A_2227, %swap3A_2228], %swap3A_2231 {strides = array<i32>} : memref<104x128xi32, #tpu.memory_space<vmem>>, vector<1x16xi32>,
        %mul3A_2232 = arith.constant 4 : i32
        %mul3A_2233 = arith.muli %add3A_1884, %mul3A_2232 : i32
        %add3A_2234 = arith.constant 2 : i32
        %add3A_2235 = arith.addi %mul3A_2233, %add3A_2234 : i32
        %get3A_2236 = arith.index_cast %add3A_2235 : i32 to index
        %get3A_2237 = arith.constant 112 : index
        %get3A_2238 = tpu.vector_load %arg5[%get3A_2236, %get3A_2237] {strides = array<i32>} : memref<104x128xi32, #tpu.memory_space<vmem>>, vector<1x16xi32>,
        %get3A_2239 = vector.shape_cast %get3A_2238 : vector<1x16xi32> to vector<16xi32>
        %add3A_2240 = vector.broadcast %mul3A_1886 : i32 to vector<16xi32>
        %add3A_2241 = arith.addi %get3A_2239, %add3A_2240 : vector<16xi32>
        %swap3A_2242 = arith.index_cast %add3A_2235 : i32 to index
        %swap3A_2243 = arith.constant 112 : index
        %swap3A_2244 = tpu.vector_load %arg5[%swap3A_2242, %swap3A_2243] {strides = array<i32>} : memref<104x128xi32, #tpu.memory_space<vmem>>, vector<1x16xi32>,
        %swap3A_2245 = vector.shape_cast %swap3A_2244 : vector<1x16xi32> to vector<16xi32>
        %swap3A_2246 = vector.shape_cast %add3A_2241 : vector<16xi32> to vector<1x16xi32>
        tpu.vector_store %arg5[%swap3A_2242, %swap3A_2243], %swap3A_2246 {strides = array<i32>} : memref<104x128xi32, #tpu.memory_space<vmem>>, vector<1x16xi32>,
        %mul3A_2247 = arith.constant 4 : i32
        %mul3A_2248 = arith.muli %add3A_1884, %mul3A_2247 : i32
        %add3A_2249 = arith.constant 3 : i32
        %add3A_2250 = arith.addi %mul3A_2248, %add3A_2249 : i32
        %get3A_2251 = arith.index_cast %add3A_2250 : i32 to index
        %get3A_2252 = arith.constant 0 : index
        %get3A_2253 = tpu.vector_load %arg5[%get3A_2251, %get3A_2252] {strides = array<i32>} : memref<104x128xi32, #tpu.memory_space<vmem>>, vector<1x16xi32>,
        %get3A_2254 = vector.shape_cast %get3A_2253 : vector<1x16xi32> to vector<16xi32>
        %add3A_2255 = vector.broadcast %mul3A_1886 : i32 to vector<16xi32>
        %add3A_2256 = arith.addi %get3A_2254, %add3A_2255 : vector<16xi32>
        %swap3A_2257 = arith.index_cast %add3A_2250 : i32 to index
        %swap3A_2258 = arith.constant 0 : index
        %swap3A_2259 = tpu.vector_load %arg5[%swap3A_2257, %swap3A_2258] {strides = array<i32>} : memref<104x128xi32, #tpu.memory_space<vmem>>, vector<1x16xi32>,
        %swap3A_2260 = vector.shape_cast %swap3A_2259 : vector<1x16xi32> to vector<16xi32>
        %swap3A_2261 = vector.shape_cast %add3A_2256 : vector<16xi32> to vector<1x16xi32>
        tpu.vector_store %arg5[%swap3A_2257, %swap3A_2258], %swap3A_2261 {strides = array<i32>} : memref<104x128xi32, #tpu.memory_space<vmem>>, vector<1x16xi32>,
        %mul3A_2262 = arith.constant 4 : i32
        %mul3A_2263 = arith.muli %add3A_1884, %mul3A_2262 : i32
        %add3A_2264 = arith.constant 3 : i32
        %add3A_2265 = arith.addi %mul3A_2263, %add3A_2264 : i32
        %get3A_2266 = arith.index_cast %add3A_2265 : i32 to index
        %get3A_2267 = arith.constant 16 : index
        %get3A_2268 = tpu.vector_load %arg5[%get3A_2266, %get3A_2267] {strides = array<i32>} : memref<104x128xi32, #tpu.memory_space<vmem>>, vector<1x16xi32>,
        %get3A_2269 = vector.shape_cast %get3A_2268 : vector<1x16xi32> to vector<16xi32>
        %add3A_2270 = vector.broadcast %mul3A_1886 : i32 to vector<16xi32>
        %add3A_2271 = arith.addi %get3A_2269, %add3A_2270 : vector<16xi32>
        %swap3A_2272 = arith.index_cast %add3A_2265 : i32 to index
        %swap3A_2273 = arith.constant 16 : index
        %swap3A_2274 = tpu.vector_load %arg5[%swap3A_2272, %swap3A_2273] {strides = array<i32>} : memref<104x128xi32, #tpu.memory_space<vmem>>, vector<1x16xi32>,
        %swap3A_2275 = vector.shape_cast %swap3A_2274 : vector<1x16xi32> to vector<16xi32>
        %swap3A_2276 = vector.shape_cast %add3A_2271 : vector<16xi32> to vector<1x16xi32>
        tpu.vector_store %arg5[%swap3A_2272, %swap3A_2273], %swap3A_2276 {strides = array<i32>} : memref<104x128xi32, #tpu.memory_space<vmem>>, vector<1x16xi32>,
        %mul3A_2277 = arith.constant 4 : i32
        %mul3A_2278 = arith.muli %add3A_1884, %mul3A_2277 : i32
        %add3A_2279 = arith.constant 3 : i32
        %add3A_2280 = arith.addi %mul3A_2278, %add3A_2279 : i32
        %get3A_2281 = arith.index_cast %add3A_2280 : i32 to index
        %get3A_2282 = arith.constant 32 : index
        %get3A_2283 = tpu.vector_load %arg5[%get3A_2281, %get3A_2282] {strides = array<i32>} : memref<104x128xi32, #tpu.memory_space<vmem>>, vector<1x16xi32>,
        %get3A_2284 = vector.shape_cast %get3A_2283 : vector<1x16xi32> to vector<16xi32>
        %add3A_2285 = vector.broadcast %mul3A_1886 : i32 to vector<16xi32>
        %add3A_2286 = arith.addi %get3A_2284, %add3A_2285 : vector<16xi32>
        %swap3A_2287 = arith.index_cast %add3A_2280 : i32 to index
        %swap3A_2288 = arith.constant 32 : index
        %swap3A_2289 = tpu.vector_load %arg5[%swap3A_2287, %swap3A_2288] {strides = array<i32>} : memref<104x128xi32, #tpu.memory_space<vmem>>, vector<1x16xi32>,
        %swap3A_2290 = vector.shape_cast %swap3A_2289 : vector<1x16xi32> to vector<16xi32>
        %swap3A_2291 = vector.shape_cast %add3A_2286 : vector<16xi32> to vector<1x16xi32>
        tpu.vector_store %arg5[%swap3A_2287, %swap3A_2288], %swap3A_2291 {strides = array<i32>} : memref<104x128xi32, #tpu.memory_space<vmem>>, vector<1x16xi32>,
        %mul3A_2292 = arith.constant 4 : i32
        %mul3A_2293 = arith.muli %add3A_1884, %mul3A_2292 : i32
        %add3A_2294 = arith.constant 3 : i32
        %add3A_2295 = arith.addi %mul3A_2293, %add3A_2294 : i32
        %get3A_2296 = arith.index_cast %add3A_2295 : i32 to index
        %get3A_2297 = arith.constant 48 : index
        %get3A_2298 = tpu.vector_load %arg5[%get3A_2296, %get3A_2297] {strides = array<i32>} : memref<104x128xi32, #tpu.memory_space<vmem>>, vector<1x16xi32>,
        %get3A_2299 = vector.shape_cast %get3A_2298 : vector<1x16xi32> to vector<16xi32>
        %add3A_2300 = vector.broadcast %mul3A_1886 : i32 to vector<16xi32>
        %add3A_2301 = arith.addi %get3A_2299, %add3A_2300 : vector<16xi32>
        %swap3A_2302 = arith.index_cast %add3A_2295 : i32 to index
        %swap3A_2303 = arith.constant 48 : index
        %swap3A_2304 = tpu.vector_load %arg5[%swap3A_2302, %swap3A_2303] {strides = array<i32>} : memref<104x128xi32, #tpu.memory_space<vmem>>, vector<1x16xi32>,
        %swap3A_2305 = vector.shape_cast %swap3A_2304 : vector<1x16xi32> to vector<16xi32>
        %swap3A_2306 = vector.shape_cast %add3A_2301 : vector<16xi32> to vector<1x16xi32>
        tpu.vector_store %arg5[%swap3A_2302, %swap3A_2303], %swap3A_2306 {strides = array<i32>} : memref<104x128xi32, #tpu.memory_space<vmem>>, vector<1x16xi32>,
        %mul3A_2307 = arith.constant 4 : i32
        %mul3A_2308 = arith.muli %add3A_1884, %mul3A_2307 : i32
        %add3A_2309 = arith.constant 3 : i32
        %add3A_2310 = arith.addi %mul3A_2308, %add3A_2309 : i32
        %get3A_2311 = arith.index_cast %add3A_2310 : i32 to index
        %get3A_2312 = arith.constant 64 : index
        %get3A_2313 = tpu.vector_load %arg5[%get3A_2311, %get3A_2312] {strides = array<i32>} : memref<104x128xi32, #tpu.memory_space<vmem>>, vector<1x16xi32>,
        %get3A_2314 = vector.shape_cast %get3A_2313 : vector<1x16xi32> to vector<16xi32>
        %add3A_2315 = vector.broadcast %mul3A_1886 : i32 to vector<16xi32>
        %add3A_2316 = arith.addi %get3A_2314, %add3A_2315 : vector<16xi32>
        %swap3A_2317 = arith.index_cast %add3A_2310 : i32 to index
        %swap3A_2318 = arith.constant 64 : index
        %swap3A_2319 = tpu.vector_load %arg5[%swap3A_2317, %swap3A_2318] {strides = array<i32>} : memref<104x128xi32, #tpu.memory_space<vmem>>, vector<1x16xi32>,
        %swap3A_2320 = vector.shape_cast %swap3A_2319 : vector<1x16xi32> to vector<16xi32>
        %swap3A_2321 = vector.shape_cast %add3A_2316 : vector<16xi32> to vector<1x16xi32>
        tpu.vector_store %arg5[%swap3A_2317, %swap3A_2318], %swap3A_2321 {strides = array<i32>} : memref<104x128xi32, #tpu.memory_space<vmem>>, vector<1x16xi32>,
        %mul3A_2322 = arith.constant 4 : i32
        %mul3A_2323 = arith.muli %add3A_1884, %mul3A_2322 : i32
        %add3A_2324 = arith.constant 3 : i32
        %add3A_2325 = arith.addi %mul3A_2323, %add3A_2324 : i32
        %get3A_2326 = arith.index_cast %add3A_2325 : i32 to index
        %get3A_2327 = arith.constant 80 : index
        %get3A_2328 = tpu.vector_load %arg5[%get3A_2326, %get3A_2327] {strides = array<i32>} : memref<104x128xi32, #tpu.memory_space<vmem>>, vector<1x16xi32>,
        %get3A_2329 = vector.shape_cast %get3A_2328 : vector<1x16xi32> to vector<16xi32>
        %add3A_2330 = vector.broadcast %mul3A_1886 : i32 to vector<16xi32>
        %add3A_2331 = arith.addi %get3A_2329, %add3A_2330 : vector<16xi32>
        %swap3A_2332 = arith.index_cast %add3A_2325 : i32 to index
        %swap3A_2333 = arith.constant 80 : index
        %swap3A_2334 = tpu.vector_load %arg5[%swap3A_2332, %swap3A_2333] {strides = array<i32>} : memref<104x128xi32, #tpu.memory_space<vmem>>, vector<1x16xi32>,
        %swap3A_2335 = vector.shape_cast %swap3A_2334 : vector<1x16xi32> to vector<16xi32>
        %swap3A_2336 = vector.shape_cast %add3A_2331 : vector<16xi32> to vector<1x16xi32>
        tpu.vector_store %arg5[%swap3A_2332, %swap3A_2333], %swap3A_2336 {strides = array<i32>} : memref<104x128xi32, #tpu.memory_space<vmem>>, vector<1x16xi32>,
        %mul3A_2337 = arith.constant 4 : i32
        %mul3A_2338 = arith.muli %add3A_1884, %mul3A_2337 : i32
        %add3A_2339 = arith.constant 3 : i32
        %add3A_2340 = arith.addi %mul3A_2338, %add3A_2339 : i32
        %get3A_2341 = arith.index_cast %add3A_2340 : i32 to index
        %get3A_2342 = arith.constant 96 : index
        %get3A_2343 = tpu.vector_load %arg5[%get3A_2341, %get3A_2342] {strides = array<i32>} : memref<104x128xi32, #tpu.memory_space<vmem>>, vector<1x16xi32>,
        %get3A_2344 = vector.shape_cast %get3A_2343 : vector<1x16xi32> to vector<16xi32>
        %add3A_2345 = vector.broadcast %mul3A_1886 : i32 to vector<16xi32>
        %add3A_2346 = arith.addi %get3A_2344, %add3A_2345 : vector<16xi32>
        %swap3A_2347 = arith.index_cast %add3A_2340 : i32 to index
        %swap3A_2348 = arith.constant 96 : index
        %swap3A_2349 = tpu.vector_load %arg5[%swap3A_2347, %swap3A_2348] {strides = array<i32>} : memref<104x128xi32, #tpu.memory_space<vmem>>, vector<1x16xi32>,
        %swap3A_2350 = vector.shape_cast %swap3A_2349 : vector<1x16xi32> to vector<16xi32>
        %swap3A_2351 = vector.shape_cast %add3A_2346 : vector<16xi32> to vector<1x16xi32>
        tpu.vector_store %arg5[%swap3A_2347, %swap3A_2348], %swap3A_2351 {strides = array<i32>} : memref<104x128xi32, #tpu.memory_space<vmem>>, vector<1x16xi32>,
        %mul3A_2352 = arith.constant 4 : i32
        %mul3A_2353 = arith.muli %add3A_1884, %mul3A_2352 : i32
        %add3A_2354 = arith.constant 3 : i32
        %add3A_2355 = arith.addi %mul3A_2353, %add3A_2354 : i32
        %get3A_2356 = arith.index_cast %add3A_2355 : i32 to index
        %get3A_2357 = arith.constant 112 : index
        %get3A_2358 = tpu.vector_load %arg5[%get3A_2356, %get3A_2357] {strides = array<i32>} : memref<104x128xi32, #tpu.memory_space<vmem>>, vector<1x16xi32>,
        %get3A_2359 = vector.shape_cast %get3A_2358 : vector<1x16xi32> to vector<16xi32>
        %add3A_2360 = vector.broadcast %mul3A_1886 : i32 to vector<16xi32>
        %add3A_2361 = arith.addi %get3A_2359, %add3A_2360 : vector<16xi32>
        %swap3A_2362 = arith.index_cast %add3A_2355 : i32 to index
        %swap3A_2363 = arith.constant 112 : index
        %swap3A_2364 = tpu.vector_load %arg5[%swap3A_2362, %swap3A_2363] {strides = array<i32>} : memref<104x128xi32, #tpu.memory_space<vmem>>, vector<1x16xi32>,
        %swap3A_2365 = vector.shape_cast %swap3A_2364 : vector<1x16xi32> to vector<16xi32>
        %swap3A_2366 = vector.shape_cast %add3A_2361 : vector<16xi32> to vector<1x16xi32>
        tpu.vector_store %arg5[%swap3A_2362, %swap3A_2363], %swap3A_2366 {strides = array<i32>} : memref<104x128xi32, #tpu.memory_space<vmem>>, vector<1x16xi32>,
        %mul3A_2367 = arith.constant 4 : i32
        %mul3A_2368 = arith.muli %add3A_1884, %mul3A_2367 : i32
        %add3A_2369 = arith.constant 0 : i32
        %add3A_2370 = arith.addi %mul3A_2368, %add3A_2369 : i32
        %rem3A_2371 = arith.constant 4 : i32
        %rem3A_2372 = arith.remsi %add3A_1884, %rem3A_2371 : i32
        %dma_start3A_2373 = arith.constant 0 : i32
        %dma_start3A_2374 = arith.constant 0 : i32
        %dma_start3A_2375 = tpu.memref_slice %arg6[%rem3A_2372, %dma_start3A_2373, %dma_start3A_2374] : memref<4x512x16xf32, #tpu.memory_space<vmem>> -> memref<1x128x16xf32, #tpu.memory_space<vmem>>
        %dma_start3A_2376 = tpu.memref_squeeze %dma_start3A_2375 : memref<1x128x16xf32, #tpu.memory_space<vmem>> -> memref<128x16xf32, #tpu.memory_space<vmem>>
        %dma_start3A_2377 = arith.constant 0 : i32
        %dma_start3A_2378 = tpu.memref_slice %arg5[%add3A_2370, %dma_start3A_2377] : memref<104x128xi32, #tpu.memory_space<vmem>> -> memref<1x128xi32, #tpu.memory_space<vmem>>
        %dma_start3A_2379 = tpu.memref_squeeze %dma_start3A_2378 : memref<1x128xi32, #tpu.memory_space<vmem>> -> memref<128xi32, #tpu.memory_space<vmem>>
        %dma_start3A_2380 = arith.constant 0 : i32
        %dma_start3A_2381 = arith.constant 0 : i32
        %dma_start3A_2382 = tpu.memref_slice %arg3[%dma_start3A_2380, %dma_start3A_2381] : memref<2600000x16xf32, #tpu.memory_space<hbm>> -> memref<2600000x16xf32, #tpu.memory_space<hbm>>
        tpu.enqueue_indirect_dma source(%dma_start3A_2382 : memref<2600000x16xf32, #tpu.memory_space<hbm>>) target(%dma_start3A_2376 : memref<128x16xf32, #tpu.memory_space<vmem>>) offsets(%dma_start3A_2379 : memref<128xi32, #tpu.memory_space<vmem>>) semaphore(%arg8 : memref<!tpu.dma_semaphore, #tpu.memory_space<semaphore_mem>>)
        %mul3A_2383 = arith.constant 4 : i32
        %mul3A_2384 = arith.muli %add3A_1884, %mul3A_2383 : i32
        %add3A_2385 = arith.constant 1 : i32
        %add3A_2386 = arith.addi %mul3A_2384, %add3A_2385 : i32
        %rem3A_2387 = arith.constant 4 : i32
        %rem3A_2388 = arith.remsi %add3A_1884, %rem3A_2387 : i32
        %dma_start3A_2389 = arith.constant 128 : i32
        %dma_start3A_2390 = arith.constant 0 : i32
        %dma_start3A_2391 = tpu.memref_slice %arg6[%rem3A_2388, %dma_start3A_2389, %dma_start3A_2390] : memref<4x512x16xf32, #tpu.memory_space<vmem>> -> memref<1x128x16xf32, #tpu.memory_space<vmem>>
        %dma_start3A_2392 = tpu.memref_squeeze %dma_start3A_2391 : memref<1x128x16xf32, #tpu.memory_space<vmem>> -> memref<128x16xf32, #tpu.memory_space<vmem>>
        %dma_start3A_2393 = arith.constant 0 : i32
        %dma_start3A_2394 = tpu.memref_slice %arg5[%add3A_2386, %dma_start3A_2393] : memref<104x128xi32, #tpu.memory_space<vmem>> -> memref<1x128xi32, #tpu.memory_space<vmem>>
        %dma_start3A_2395 = tpu.memref_squeeze %dma_start3A_2394 : memref<1x128xi32, #tpu.memory_space<vmem>> -> memref<128xi32, #tpu.memory_space<vmem>>
        %dma_start3A_2396 = arith.constant 0 : i32
        %dma_start3A_2397 = arith.constant 0 : i32
        %dma_start3A_2398 = tpu.memref_slice %arg3[%dma_start3A_2396, %dma_start3A_2397] : memref<2600000x16xf32, #tpu.memory_space<hbm>> -> memref<2600000x16xf32, #tpu.memory_space<hbm>>
        tpu.enqueue_indirect_dma source(%dma_start3A_2398 : memref<2600000x16xf32, #tpu.memory_space<hbm>>) target(%dma_start3A_2392 : memref<128x16xf32, #tpu.memory_space<vmem>>) offsets(%dma_start3A_2395 : memref<128xi32, #tpu.memory_space<vmem>>) semaphore(%arg8 : memref<!tpu.dma_semaphore, #tpu.memory_space<semaphore_mem>>)
        %mul3A_2399 = arith.constant 4 : i32
        %mul3A_2400 = arith.muli %add3A_1884, %mul3A_2399 : i32
        %add3A_2401 = arith.constant 2 : i32
        %add3A_2402 = arith.addi %mul3A_2400, %add3A_2401 : i32
        %rem3A_2403 = arith.constant 4 : i32
        %rem3A_2404 = arith.remsi %add3A_1884, %rem3A_2403 : i32
        %dma_start3A_2405 = arith.constant 256 : i32
        %dma_start3A_2406 = arith.constant 0 : i32
        %dma_start3A_2407 = tpu.memref_slice %arg6[%rem3A_2404, %dma_start3A_2405, %dma_start3A_2406] : memref<4x512x16xf32, #tpu.memory_space<vmem>> -> memref<1x128x16xf32, #tpu.memory_space<vmem>>
        %dma_start3A_2408 = tpu.memref_squeeze %dma_start3A_2407 : memref<1x128x16xf32, #tpu.memory_space<vmem>> -> memref<128x16xf32, #tpu.memory_space<vmem>>
        %dma_start3A_2409 = arith.constant 0 : i32
        %dma_start3A_2410 = tpu.memref_slice %arg5[%add3A_2402, %dma_start3A_2409] : memref<104x128xi32, #tpu.memory_space<vmem>> -> memref<1x128xi32, #tpu.memory_space<vmem>>
        %dma_start3A_2411 = tpu.memref_squeeze %dma_start3A_2410 : memref<1x128xi32, #tpu.memory_space<vmem>> -> memref<128xi32, #tpu.memory_space<vmem>>
        %dma_start3A_2412 = arith.constant 0 : i32
        %dma_start3A_2413 = arith.constant 0 : i32
        %dma_start3A_2414 = tpu.memref_slice %arg3[%dma_start3A_2412, %dma_start3A_2413] : memref<2600000x16xf32, #tpu.memory_space<hbm>> -> memref<2600000x16xf32, #tpu.memory_space<hbm>>
        tpu.enqueue_indirect_dma source(%dma_start3A_2414 : memref<2600000x16xf32, #tpu.memory_space<hbm>>) target(%dma_start3A_2408 : memref<128x16xf32, #tpu.memory_space<vmem>>) offsets(%dma_start3A_2411 : memref<128xi32, #tpu.memory_space<vmem>>) semaphore(%arg8 : memref<!tpu.dma_semaphore, #tpu.memory_space<semaphore_mem>>)
        %mul3A_2415 = arith.constant 4 : i32
        %mul3A_2416 = arith.muli %add3A_1884, %mul3A_2415 : i32
        %add3A_2417 = arith.constant 3 : i32
        %add3A_2418 = arith.addi %mul3A_2416, %add3A_2417 : i32
        %rem3A_2419 = arith.constant 4 : i32
        %rem3A_2420 = arith.remsi %add3A_1884, %rem3A_2419 : i32
        %dma_start3A_2421 = arith.constant 384 : i32
        %dma_start3A_2422 = arith.constant 0 : i32
        %dma_start3A_2423 = tpu.memref_slice %arg6[%rem3A_2420, %dma_start3A_2421, %dma_start3A_2422] : memref<4x512x16xf32, #tpu.memory_space<vmem>> -> memref<1x128x16xf32, #tpu.memory_space<vmem>>
        %dma_start3A_2424 = tpu.memref_squeeze %dma_start3A_2423 : memref<1x128x16xf32, #tpu.memory_space<vmem>> -> memref<128x16xf32, #tpu.memory_space<vmem>>
        %dma_start3A_2425 = arith.constant 0 : i32
        %dma_start3A_2426 = tpu.memref_slice %arg5[%add3A_2418, %dma_start3A_2425] : memref<104x128xi32, #tpu.memory_space<vmem>> -> memref<1x128xi32, #tpu.memory_space<vmem>>
        %dma_start3A_2427 = tpu.memref_squeeze %dma_start3A_2426 : memref<1x128xi32, #tpu.memory_space<vmem>> -> memref<128xi32, #tpu.memory_space<vmem>>
        %dma_start3A_2428 = arith.constant 0 : i32
        %dma_start3A_2429 = arith.constant 0 : i32
        %dma_start3A_2430 = tpu.memref_slice %arg3[%dma_start3A_2428, %dma_start3A_2429] : memref<2600000x16xf32, #tpu.memory_space<hbm>> -> memref<2600000x16xf32, #tpu.memory_space<hbm>>
        tpu.enqueue_indirect_dma source(%dma_start3A_2430 : memref<2600000x16xf32, #tpu.memory_space<hbm>>) target(%dma_start3A_2424 : memref<128x16xf32, #tpu.memory_space<vmem>>) offsets(%dma_start3A_2427 : memref<128xi32, #tpu.memory_space<vmem>>) semaphore(%arg8 : memref<!tpu.dma_semaphore, #tpu.memory_space<semaphore_mem>>)
      } else {
      }
      %mul3A_1814 = arith.constant 4 : i32
      %mul3A_1815 = arith.muli %scan3A_1803, %mul3A_1814 : i32
      %add3A_1816 = arith.constant 0 : i32
      %add3A_1817 = arith.addi %mul3A_1815, %add3A_1816 : i32
      %dma_wait3A_1818 = arith.constant 0 : i32
      %dma_wait3A_1819 = arith.constant 0 : i32
      %dma_wait3A_1820 = tpu.memref_slice %arg6[%rem3A_1805, %dma_wait3A_1818, %dma_wait3A_1819] : memref<4x512x16xf32, #tpu.memory_space<vmem>> -> memref<1x128x16xf32, #tpu.memory_space<vmem>>
      %dma_wait3A_1821 = tpu.memref_squeeze %dma_wait3A_1820 : memref<1x128x16xf32, #tpu.memory_space<vmem>> -> memref<128x16xf32, #tpu.memory_space<vmem>>
      %dma_wait3A_1822 = arith.constant 0 : i32
      %dma_wait3A_1823 = tpu.memref_slice %arg5[%add3A_1817, %dma_wait3A_1822] : memref<104x128xi32, #tpu.memory_space<vmem>> -> memref<1x128xi32, #tpu.memory_space<vmem>>
      %dma_wait3A_1824 = tpu.memref_squeeze %dma_wait3A_1823 : memref<1x128xi32, #tpu.memory_space<vmem>> -> memref<128xi32, #tpu.memory_space<vmem>>
      %dma_wait3A_1825 = arith.constant 0 : i32
      %dma_wait3A_1826 = arith.constant 0 : i32
      %dma_wait3A_1827 = tpu.memref_slice %arg3[%dma_wait3A_1825, %dma_wait3A_1826] : memref<2600000x16xf32, #tpu.memory_space<hbm>> -> memref<2600000x16xf32, #tpu.memory_space<hbm>>
      tpu.wait_indirect_dma semaphore(%arg8 : memref<!tpu.dma_semaphore, #tpu.memory_space<semaphore_mem>>) src(%dma_wait3A_1827 : memref<2600000x16xf32, #tpu.memory_space<hbm>>) dst(%dma_wait3A_1821 : memref<128x16xf32, #tpu.memory_space<vmem>>)
      %mul3A_1828 = arith.constant 4 : i32
      %mul3A_1829 = arith.muli %scan3A_1803, %mul3A_1828 : i32
      %add3A_1830 = arith.constant 1 : i32
      %add3A_1831 = arith.addi %mul3A_1829, %add3A_1830 : i32
      %dma_wait3A_1832 = arith.constant 128 : i32
      %dma_wait3A_1833 = arith.constant 0 : i32
      %dma_wait3A_1834 = tpu.memref_slice %arg6[%rem3A_1805, %dma_wait3A_1832, %dma_wait3A_1833] : memref<4x512x16xf32, #tpu.memory_space<vmem>> -> memref<1x128x16xf32, #tpu.memory_space<vmem>>
      %dma_wait3A_1835 = tpu.memref_squeeze %dma_wait3A_1834 : memref<1x128x16xf32, #tpu.memory_space<vmem>> -> memref<128x16xf32, #tpu.memory_space<vmem>>
      %dma_wait3A_1836 = arith.constant 0 : i32
      %dma_wait3A_1837 = tpu.memref_slice %arg5[%add3A_1831, %dma_wait3A_1836] : memref<104x128xi32, #tpu.memory_space<vmem>> -> memref<1x128xi32, #tpu.memory_space<vmem>>
      %dma_wait3A_1838 = tpu.memref_squeeze %dma_wait3A_1837 : memref<1x128xi32, #tpu.memory_space<vmem>> -> memref<128xi32, #tpu.memory_space<vmem>>
      %dma_wait3A_1839 = arith.constant 0 : i32
      %dma_wait3A_1840 = arith.constant 0 : i32
      %dma_wait3A_1841 = tpu.memref_slice %arg3[%dma_wait3A_1839, %dma_wait3A_1840] : memref<2600000x16xf32, #tpu.memory_space<hbm>> -> memref<2600000x16xf32, #tpu.memory_space<hbm>>
      tpu.wait_indirect_dma semaphore(%arg8 : memref<!tpu.dma_semaphore, #tpu.memory_space<semaphore_mem>>) src(%dma_wait3A_1841 : memref<2600000x16xf32, #tpu.memory_space<hbm>>) dst(%dma_wait3A_1835 : memref<128x16xf32, #tpu.memory_space<vmem>>)
      %mul3A_1842 = arith.constant 4 : i32
      %mul3A_1843 = arith.muli %scan3A_1803, %mul3A_1842 : i32
      %add3A_1844 = arith.constant 2 : i32
      %add3A_1845 = arith.addi %mul3A_1843, %add3A_1844 : i32
      %dma_wait3A_1846 = arith.constant 256 : i32
      %dma_wait3A_1847 = arith.constant 0 : i32
      %dma_wait3A_1848 = tpu.memref_slice %arg6[%rem3A_1805, %dma_wait3A_1846, %dma_wait3A_1847] : memref<4x512x16xf32, #tpu.memory_space<vmem>> -> memref<1x128x16xf32, #tpu.memory_space<vmem>>
      %dma_wait3A_1849 = tpu.memref_squeeze %dma_wait3A_1848 : memref<1x128x16xf32, #tpu.memory_space<vmem>> -> memref<128x16xf32, #tpu.memory_space<vmem>>
      %dma_wait3A_1850 = arith.constant 0 : i32
      %dma_wait3A_1851 = tpu.memref_slice %arg5[%add3A_1845, %dma_wait3A_1850] : memref<104x128xi32, #tpu.memory_space<vmem>> -> memref<1x128xi32, #tpu.memory_space<vmem>>
      %dma_wait3A_1852 = tpu.memref_squeeze %dma_wait3A_1851 : memref<1x128xi32, #tpu.memory_space<vmem>> -> memref<128xi32, #tpu.memory_space<vmem>>
      %dma_wait3A_1853 = arith.constant 0 : i32
      %dma_wait3A_1854 = arith.constant 0 : i32
      %dma_wait3A_1855 = tpu.memref_slice %arg3[%dma_wait3A_1853, %dma_wait3A_1854] : memref<2600000x16xf32, #tpu.memory_space<hbm>> -> memref<2600000x16xf32, #tpu.memory_space<hbm>>
      tpu.wait_indirect_dma semaphore(%arg8 : memref<!tpu.dma_semaphore, #tpu.memory_space<semaphore_mem>>) src(%dma_wait3A_1855 : memref<2600000x16xf32, #tpu.memory_space<hbm>>) dst(%dma_wait3A_1849 : memref<128x16xf32, #tpu.memory_space<vmem>>)
      %mul3A_1856 = arith.constant 4 : i32
      %mul3A_1857 = arith.muli %scan3A_1803, %mul3A_1856 : i32
      %add3A_1858 = arith.constant 3 : i32
      %add3A_1859 = arith.addi %mul3A_1857, %add3A_1858 : i32
      %dma_wait3A_1860 = arith.constant 384 : i32
      %dma_wait3A_1861 = arith.constant 0 : i32
      %dma_wait3A_1862 = tpu.memref_slice %arg6[%rem3A_1805, %dma_wait3A_1860, %dma_wait3A_1861] : memref<4x512x16xf32, #tpu.memory_space<vmem>> -> memref<1x128x16xf32, #tpu.memory_space<vmem>>
      %dma_wait3A_1863 = tpu.memref_squeeze %dma_wait3A_1862 : memref<1x128x16xf32, #tpu.memory_space<vmem>> -> memref<128x16xf32, #tpu.memory_space<vmem>>
      %dma_wait3A_1864 = arith.constant 0 : i32
      %dma_wait3A_1865 = tpu.memref_slice %arg5[%add3A_1859, %dma_wait3A_1864] : memref<104x128xi32, #tpu.memory_space<vmem>> -> memref<1x128xi32, #tpu.memory_space<vmem>>
      %dma_wait3A_1866 = tpu.memref_squeeze %dma_wait3A_1865 : memref<1x128xi32, #tpu.memory_space<vmem>> -> memref<128xi32, #tpu.memory_space<vmem>>
      %dma_wait3A_1867 = arith.constant 0 : i32
      %dma_wait3A_1868 = arith.constant 0 : i32
      %dma_wait3A_1869 = tpu.memref_slice %arg3[%dma_wait3A_1867, %dma_wait3A_1868] : memref<2600000x16xf32, #tpu.memory_space<hbm>> -> memref<2600000x16xf32, #tpu.memory_space<hbm>>
      tpu.wait_indirect_dma semaphore(%arg8 : memref<!tpu.dma_semaphore, #tpu.memory_space<semaphore_mem>>) src(%dma_wait3A_1869 : memref<2600000x16xf32, #tpu.memory_space<hbm>>) dst(%dma_wait3A_1863 : memref<128x16xf32, #tpu.memory_space<vmem>>)
      %mul3A_1870 = arith.constant 16 : i32
      %mul3A_1871 = arith.muli %scan3A_1803, %mul3A_1870 : i32
      %dma_start3A_1872 = arith.constant 0 : i32
      %dma_start3A_1873 = arith.constant 0 : i32
      %dma_start3A_1874 = tpu.memref_slice %arg6[%rem3A_1805, %dma_start3A_1872, %dma_start3A_1873] : memref<4x512x16xf32, #tpu.memory_space<vmem>> -> memref<1x512x16xf32, #tpu.memory_space<vmem>>
      %dma_start3A_1875 = tpu.memref_squeeze %dma_start3A_1874 : memref<1x512x16xf32, #tpu.memory_space<vmem>> -> memref<512x16xf32, #tpu.memory_space<vmem>>
      %dma_start3A_1876 = tpu.memref_slice %arg4[%mul3A_2, %mul3A_1871] : memref<16384x416xf32, #tpu.memory_space<hbm>> -> memref<512x16xf32, #tpu.memory_space<hbm>>
      %dma_start3A_1877 = tpu.memref_slice %arg4[%mul3A_2, %mul3A_1871] : memref<16384x416xf32, #tpu.memory_space<hbm>> -> memref<512x16xf32, #tpu.memory_space<hbm>>
      %dma_start3A_1878 = arith.constant 0 : i32
      %dma_start3A_1879 = arith.constant 0 : i32
      %dma_start3A_1880 = tpu.memref_slice %arg6[%rem3A_1805, %dma_start3A_1878, %dma_start3A_1879] : memref<4x512x16xf32, #tpu.memory_space<vmem>> -> memref<1x512x16xf32, #tpu.memory_space<vmem>>
      %dma_start3A_1881 = tpu.memref_squeeze %dma_start3A_1880 : memref<1x512x16xf32, #tpu.memory_space<vmem>> -> memref<512x16xf32, #tpu.memory_space<vmem>>
      tpu.enqueue_dma source(%dma_start3A_1881 : memref<512x16xf32, #tpu.memory_space<vmem>>) target(%dma_start3A_1877 : memref<512x16xf32, #tpu.memory_space<hbm>>) target_semaphore(%arg9 : memref<!tpu.dma_semaphore, #tpu.memory_space<semaphore_mem>>)
      %scan3A_1882 = arith.constant 0 : i32
      scf.yield %scan3A_1882 : i32
    }
    %scan3A_1776 = arith.constant 26 : i32
    %dma_wait3A_1777 = arith.constant 0 : i32
    %dma_wait3A_1778 = arith.constant 0 : i32
    %dma_wait3A_1779 = arith.constant 0 : i32
    %dma_wait3A_1780 = tpu.memref_slice %arg6[%dma_wait3A_1777, %dma_wait3A_1778, %dma_wait3A_1779] : memref<4x512x16xf32, #tpu.memory_space<vmem>> -> memref<1x512x16xf32, #tpu.memory_space<vmem>>
    %dma_wait3A_1781 = tpu.memref_squeeze %dma_wait3A_1780 : memref<1x512x16xf32, #tpu.memory_space<vmem>> -> memref<512x16xf32, #tpu.memory_space<vmem>>
    %dma_wait3A_1782 = arith.constant 384 : i32
    %dma_wait3A_1783 = tpu.memref_slice %arg4[%mul3A_2, %dma_wait3A_1782] : memref<16384x416xf32, #tpu.memory_space<hbm>> -> memref<512x16xf32, #tpu.memory_space<hbm>>
    %dma_wait3A_1784 = arith.constant 384 : i32
    %dma_wait3A_1785 = tpu.memref_slice %arg4[%mul3A_2, %dma_wait3A_1784] : memref<16384x416xf32, #tpu.memory_space<hbm>> -> memref<512x16xf32, #tpu.memory_space<hbm>>
    %dma_wait3A_1786 = arith.constant 0 : i32
    %dma_wait3A_1787 = arith.constant 0 : i32
    %dma_wait3A_1788 = tpu.memref_slice %arg6[%dma_wait3A_1777, %dma_wait3A_1786, %dma_wait3A_1787] : memref<4x512x16xf32, #tpu.memory_space<vmem>> -> memref<1x512x16xf32, #tpu.memory_space<vmem>>
    %dma_wait3A_1789 = tpu.memref_squeeze %dma_wait3A_1788 : memref<1x512x16xf32, #tpu.memory_space<vmem>> -> memref<512x16xf32, #tpu.memory_space<vmem>>
    tpu.wait_dma2 semaphore(%arg9 : memref<!tpu.dma_semaphore, #tpu.memory_space<semaphore_mem>>) src(%dma_wait3A_1789 : memref<512x16xf32, #tpu.memory_space<vmem>>) dst(%dma_wait3A_1785 : memref<512x16xf32, #tpu.memory_space<hbm>>)
    %dma_wait3A_1790 = arith.constant 1 : i32
    %dma_wait3A_1791 = arith.constant 0 : i32
    %dma_wait3A_1792 = arith.constant 0 : i32
    %dma_wait3A_1793 = tpu.memref_slice %arg6[%dma_wait3A_1790, %dma_wait3A_1791, %dma_wait3A_1792] : memref<4x512x16xf32, #tpu.memory_space<vmem>> -> memref<1x512x16xf32, #tpu.memory_space<vmem>>
    %dma_wait3A_1794 = tpu.memref_squeeze %dma_wait3A_1793 : memref<1x512x16xf32, #tpu.memory_space<vmem>> -> memref<512x16xf32, #tpu.memory_space<vmem>>
    %dma_wait3A_1795 = arith.constant 400 : i32
    %dma_wait3A_1796 = tpu.memref_slice %arg4[%mul3A_2, %dma_wait3A_1795] : memref<16384x416xf32, #tpu.memory_space<hbm>> -> memref<512x16xf32, #tpu.memory_space<hbm>>
    %dma_wait3A_1797 = arith.constant 400 : i32
    %dma_wait3A_1798 = tpu.memref_slice %arg4[%mul3A_2, %dma_wait3A_1797] : memref<16384x416xf32, #tpu.memory_space<hbm>> -> memref<512x16xf32, #tpu.memory_space<hbm>>
    %dma_wait3A_1799 = arith.constant 0 : i32
    %dma_wait3A_1800 = arith.constant 0 : i32
    %dma_wait3A_1801 = tpu.memref_slice %arg6[%dma_wait3A_1790, %dma_wait3A_1799, %dma_wait3A_1800] : memref<4x512x16xf32, #tpu.memory_space<vmem>> -> memref<1x512x16xf32, #tpu.memory_space<vmem>>
    %dma_wait3A_1802 = tpu.memref_squeeze %dma_wait3A_1801 : memref<1x512x16xf32, #tpu.memory_space<vmem>> -> memref<512x16xf32, #tpu.memory_space<vmem>>
    tpu.wait_dma2 semaphore(%arg9 : memref<!tpu.dma_semaphore, #tpu.memory_space<semaphore_mem>>) src(%dma_wait3A_1802 : memref<512x16xf32, #tpu.memory_space<vmem>>) dst(%dma_wait3A_1798 : memref<512x16xf32, #tpu.memory_space<hbm>>)
    return
  }
}

</mosaic_0001>

<sc_bundles>
// kernel: kernel.3.cloned.1.call-start
scs
__scs_entry_jumppad:
0x0: {  	(pc) =	sbr.rel $0x88, $3  }
0x1: {  	(tag) =	ssettag $0x0;
	lr =	simm.s32 $0x1  }
0x2: {  	[smem:$0x3F9F] =	sst lr;
	_ =	strace $0xD0000000  }
0x3: {  	_ = 	snop  }
0x4: {  	_ = 	snop  }
0x5: {  	_ = 	snop  }
0x6: {  	_ = 	snop  }
0x7: {  	_ = 	snop  }
__scs_overlays_trampoline_lowered:
0x8: {  	[smem:$0x3FAE] =	sst s0  }
0x9: {  	[smem:$0x3FAF] =	sst s1  }
0xa: {  	[smem:$0x3FB0] =	sst s2  }
0xb: {  	[smem:$0x3FB1] =	sst s3  }
0xc: {  	[smem:$0x3FB2] =	sst s4  }
0xd: {  	[smem:$0x3FB3] =	sst s5  }
0xe: {  	[smem:$0x3FB4] =	sst s6  }
0xf: {  	[smem:$0x3FB5] =	sst s7  }
0x10: {  	[smem:$0x3FB6] =	sst s8  }
0x11: {  	[smem:$0x3FB7] =	sst s9;
	s0 =	simm.s32 @!p0 $0x0  }
0x12: {  	s1 =	sld [smem:$0x3F9D];
	s0 =	simm.s32 @p0 $0x1  }
0x13: {  	[smem:$0x3FB8] =	sst s0;
	s0 =	simm.s32 @!p1 $0x0  }
0x14: {  	s2 =	sld [smem:$0x3F9C];
	s0 =	simm.s32 @p1 $0x1  }
0x15: {  	[smem:$0x3FB9] =	sst s0;
	s0 =	simm.s32 @!p2 $0x0  }
0x16: {  	s3 =	sld [smem:$0x3FDB];
	s0 =	simm.s32 @p2 $0x1  }
0x17: {  	s4 =	simm.s32 $0x1BF5;
	[smem:$0x3FBB] =	sst s0  }
0x18: {  	s0 =	sld [smem:$0x3F9E];
	_ =	swait.ge [sflag:s4], $0x0  }
0x19: {  	s7 =	sld [smem:$0x3F9F]  }
0x1a: {  	s8 =	sadd.s32 $0xFFFFE003, lr  }
0x1b: {  	s9 =	sadd.s32 $0xFFFFFEF7, lr;
	s5 =	simm.s32 $0xFFFFFFFF;
	p2 =	slt.u32 s8, $0xFFFFF086  }
0x1c: {  	p1 =	slt.u32 s9, $0xF7A;
	s5 =	simm.s32 @!p2 $0x0  }
0x1d: {  	s5 =	simm.s32 @p1 $0x1;
	p0 =	seq.s32 s7, s2  }
0x1e: {  	s7 =	smul.u32 @!p0 $0xF7A, s2;
	p2 =	seq.s32 @!p0 s5, $0x0  }
0x1f: {  	s9 =	smul.u32 $0xF7A, s1;
	s8 =	simm.s32 @!p0 $0x1BF5;
	p2 =	por !p2, p0  }
0x20: {  	[sflag:s8] =	ssyncset.s32 @!p0 $0xFFFFF086;
	s6 =	sadd.s32 @!p0 s3, s7;
	s7 =	simm.s32 @!p0 $0x108  }
0x21: {  	s3 =	sadd.s32 s3, s9;
	s6 =	sadd.s32 @!p0 $0x88, s6;
	s7 =	simm.s32 @p2 $0x1082  }
0x22: {  	[simem:s7], [sflag:s8] =	dma.local @!p0 [hbm:s6], $0xF7A  }
0x23: {  	s9 =	sor.u32 $0xD0000000, s2;
	s6 =	simm.s32 $0x108;
	_ =	swait.ge @!p0 [sflag:s8], $0x0  }
0x24: {  	s3 =	sadd.s32 $0x88, s3;
	s6 =	simm.s32 @!p1 $0x1082;
	[sflag:s4] =	ssyncset.s32 $0xFFFFF086  }
0x25: {  	[simem:s6], [sflag:s4] =	dma.local [hbm:s3], $0xF7A  }
0x26: {  	[smem:$0x3F9F] =	sst s1;
	(tag) =	ssettag s2;
	_ =	strace s9  }
0x27: {  	s1 =	sld [smem:$0x3FAF]  }
0x28: {  	s2 =	sld [smem:$0x3FB0]  }
0x29: {  	s4 =	sld [smem:$0x3FB2]  }
0x2a: {  	p0 =	seq.s32 s5, $0x0;
	s5 =	sld [smem:$0x3FB3]  }
0x2b: {  	s6 =	sld [smem:$0x3FB4]  }
0x2c: {  	s7 =	sld [smem:$0x3FB5]  }
0x2d: {  	s3 =	simm.s32 $0x108;
	s8 =	sld [smem:$0x3FB6]  }
0x2e: {  	s3 =	simm.s32 @!p0 $0x1082;
	s9 =	sld [smem:$0x3FB7]  }
0x2f: {  	lr =	sadd.s32 s0, s3;
	s0 =	sld [smem:$0x3FAE]  }
0x30: {  	s3 =	sld [smem:$0x3FB1]  }
0x31: {  	[smem:$0x3FBA] =	sst s10  }
0x32: {  	s10 =	sld [smem:$0x3FB8];
	_ =	sdelay $0x3  }
0x33: {  	p0 =	seq.s32 s10, $0x1;
	s10 =	sld [smem:$0x3FBA];
	_ =	sdelay $0x3  }
0x34: {  	[smem:$0x3FBA] =	sst s10  }
0x35: {  	s10 =	sld [smem:$0x3FB9];
	_ =	sdelay $0x3  }
0x36: {  	p1 =	seq.s32 s10, $0x1;
	s10 =	sld [smem:$0x3FBA];
	_ =	sdelay $0x3  }
0x37: {  	[smem:$0x3FBA] =	sst s10  }
0x38: {  	s10 =	sld [smem:$0x3FBB]  }
0x39: {  	_ = 	snop;
	(pc) =	sbr.ind lr, $3  }
0x3a: {  	_ = 	snop  }
0x3b: {  	_ = 	snop  }
0x3c: {  	p2 =	seq.s32 s10, $0x1;
	s10 =	sld [smem:$0x3FBA]  }
0x3d: {  	_ =	shalt  }
0x3e: {  	_ =	shalt  }
0x3f: {  	_ =	shalt  }
0x40: {  	_ =	shalt  }
0x41: {  	_ =	shalt  }
0x42: {  	_ =	shalt  }
0x43: {  	_ =	shalt  }
0x44: {  	_ =	shalt  }
0x45: {  	_ =	shalt  }
0x46: {  	_ =	shalt  }
0x47: {  	_ =	shalt  }
0x48: {  	_ =	shalt  }
0x49: {  	_ =	shalt  }
0x4a: {  	_ =	shalt  }
0x4b: {  	_ =	shalt  }
0x4c: {  	_ =	shalt  }
0x4d: {  	_ =	shalt  }
0x4e: {  	_ =	shalt  }
0x4f: {  	_ =	shalt  }
0x50: {  	_ =	shalt  }
0x51: {  	_ =	shalt  }
0x52: {  	_ =	shalt  }
0x53: {  	_ =	shalt  }
0x54: {  	_ =	shalt  }
0x55: {  	_ =	shalt  }
0x56: {  	_ =	shalt  }
0x57: {  	_ =	shalt  }
0x58: {  	_ =	shalt  }
0x59: {  	_ =	shalt  }
0x5a: {  	_ =	shalt  }
0x5b: {  	_ =	shalt  }
0x5c: {  	_ =	shalt  }
0x5d: {  	_ =	shalt  }
0x5e: {  	_ =	shalt  }
0x5f: {  	_ =	shalt  }
0x60: {  	_ =	shalt  }
0x61: {  	_ =	shalt  }
0x62: {  	_ =	shalt  }
0x63: {  	_ =	shalt  }
0x64: {  	_ =	shalt  }
0x65: {  	_ =	shalt  }
0x66: {  	_ =	shalt  }
0x67: {  	_ =	shalt  }
0x68: {  	_ =	shalt  }
0x69: {  	_ =	shalt  }
0x6a: {  	_ =	shalt  }
0x6b: {  	_ =	shalt  }
0x6c: {  	_ =	shalt  }
0x6d: {  	_ =	shalt  }
0x6e: {  	_ =	shalt  }
0x6f: {  	_ =	shalt  }
0x70: {  	_ =	shalt  }
0x71: {  	_ =	shalt  }
0x72: {  	_ =	shalt  }
0x73: {  	_ =	shalt  }
0x74: {  	_ =	shalt  }
0x75: {  	_ =	shalt  }
0x76: {  	_ =	shalt  }
0x77: {  	_ =	shalt  }
0x78: {  	_ =	shalt  }
0x79: {  	_ =	shalt  }
0x7a: {  	_ =	shalt  }
0x7b: {  	_ =	shalt  }
0x7c: {  	_ =	shalt  }
0x7d: {  	_ =	shalt  }
0x7e: {  	_ =	shalt  }
0x7f: {  	_ =	shalt  }
0x80: {  	_ =	shalt  }
0x81: {  	_ =	shalt  }
0x82: {  	_ =	shalt  }
0x83: {  	_ =	shalt  }
0x84: {  	_ =	shalt  }
0x85: {  	_ =	shalt  }
0x86: {  	_ =	shalt  }
0x87: {  	_ =	shalt  }
.Lfunc_end0:
.L_simem_size_0:
called_computation_lowered:
.L_overlay_start_0:
0x88: {  	s2 =	sld [smem:$0x3FD9]  }
0x89: {  	s3 =	sld [smem:$0x3FFE];
	_ =	sdelay $0x1  }
0x8a: {  	s1 =	srdreg.scid  }
0x8b: {  	s0 =	sand.u32 $0x1, s1  }
0x8c: {  	s17 =	sshll.u32 s0, $0xA;
	s2 =	sadd.s32 s3, s2  }
0x8d: {  	s2 =	sadd.s32 s2, s17  }
0x8e: {  	[smem:$0x3FC6] =	sst s2  }
0x8f: {  	_ = 	snop  }
0x90: {  	s2 =	sld [smem:$0x3FD0];
	(tm) =	ssettm $0x1  }
0x91: {  	s18 =	sld [smem:$0x3FFB];
	_ =	sdelay $0x3  }
0x92: {  	_ =	strace s18  }
0x93: {  	s3 =	sld [smem:$0x3FFC];
	_ =	sdelay $0x3  }
0x94: {  	_ =	strace s3  }
0x95: {  	s3 =	sld [smem:$0x3FFD];
	_ =	sdelay $0x3  }
0x96: {  	_ =	strace s3  }
0x97: {  	_ =	strace $0x8FFFFFFF  }
0x98: {  	s19 =	sld [smem:$0x3FDB];
	_ =	sdelay $0x1  }
0x99: {  	s4 =	simm.s32 $_scs_section_size  }
0x9a: {  	s5 =	simm.s32 $_size__tile_overlayer_lowered;
	s6 =	simm.s32 $_tile_overlayer_lowered  }
0x9b: {  	s22 =	simm.s32 $0x1BFF;
	s21 =	sshll.u32 s6, $0x1;
	s3 =	sadd.s32 s4, s19  }
0x9c: {  	s7 =	simm.s32 $0x0;
	s20 =	sshll.u32 s5, $0x1;
	s5 =	sadd.s32 s21, s3  }
0x9d: {  	[timem:s7], [sflag:s22] =	dma.local [hbm:s5], s20  }
0x9e: {  	_ =	swait.ge [sflag:s22], s20  }
0x9f: {  	s4 =	ssub.s32 $0x0, s20;
	[sflag:s22] =	ssyncset.done $0x0  }
0xa0: {  	[sflag:s22] =	ssyncadd.s32 s4;
	_ =	sdelay $0x1  }
0xa1: {  	s23 =	simm.s32 $0x1B8B  }
0xa2: {  	_ =	swait.ge [sflag:s23], $0x1  }
0xa3: {  	[sflag:s23] =	ssyncset.done $0x0  }
0xa4: {  	s25 =	simm.s32 $0x1B8E;
	s24 =	sld [smem:$0x3FFE];
	[sflag:s23] =	ssyncadd.s32 $0xFFFFFFFF  }
0xa5: {  	s26 =	simm.s32 $execute0_lowered;
	[smem:$0x3FD2] =	sst s25  }
0xa6: {  	s5 =	sshll.u32 s26, $0x1;
	_ =	strace $0x80000046;
	[dreg:$0x1] =	wrdreg $0xFFFFFFFF  }
0xa7: {  	s28 =	simm.s32 $_size_execute0_lowered;
	s3 =	sadd.s32 s3, s5;
	[dreg:$0x0] =	wrdreg $0x0  }
0xa8: {  	s5 =	sshll.u32 s28, $0x1;
	[dreg:$0x2] =	wrdreg s3  }
0xa9: {  	[dreg:$0x3] =	wrdreg s5  }
0xaa: {  	[dreg:$0x4] =	wrdreg $0xC0  }
0xab: {  	_ =	task [dreg:s7], $0x5FFFF  }
0xac: {  	[dreg:$0x1] =	wrdreg $0xFFFFFFFF  }
0xad: {  	[dreg:$0x0] =	wrdreg $0x60  }
0xae: {  	[dreg:$0x2] =	wrdreg s24  }
0xaf: {  	[dreg:$0x3] =	wrdreg s2  }
0xb0: {  	[dreg:$0x4] =	wrdreg $0x9  }
0xb1: {  	_ =	task.clear_ibuf [dreg:s7], $0x5FFFF;
	_ =	strace $0x90000046  }
0xb2: {  	s29 =	simm.s32 $0x9;
	_ =	strace $0x80000048  }
0xb3: {  	_ =	swait.ge [sflag:s29], $0x1  }
0xb4: {  	[sflag:s29] =	ssyncadd.s32 $0xFFFFFFFF  }
0xb5: {  	_ =	strace $0x90000048  }
0xb6: {  	_ =	sfence  }
0xb7: {  	s30 =	sld [smem:$0x0];
	_ =	sdelay $0x2  }
0xb8: {  	s31 =	sshll.u32 s1, $0xD;
	s1 =	sshrl.u32 s1, $0x2  }
0xb9: {  	s3 =	sand.u32 $0x4000, s31;
	s1 =	sadd.s32 s1, s30  }
0xba: {  	s0 =	sor.u32 s3, s0;
	s1 =	sshll.u32 s1, $0x11  }
0xbb: {  	s0 =	sor.u32 s1, s0  }
0xbc: {  	s0 =	sadd.s32 $0x8F2B, s0  }
0xbd: {  	[sflag:s0] =	ssyncadd.remote.s32 $0x1  }
0xbe: {  	_ =	sfence.sel $0xFFFF  }
0xbf: {  	[dreg:$0x0] =	wrdreg $0xFFFFFFFF;
	(pc) =	sbr.abs _section_cstart, $3  }
0xc0: {  	[dreg:$0x1] =	wrdreg $0xFFFFFFFF  }
0xc1: {  	_ =	task.clear_ibuf [dreg:s7], $0x2FFFF;
	_ =	strace $0x9FFFFFFF  }
0xc2: {  	(tm) =	ssettm $0x7FFFFFFF  }
0xc3: {  	_ =	shalt  }
tec
execute0_lowered:
.L_overlay_start_1:
0x0: {  	(tag) =	ssettag $0x1  }
0x1: {  	s3 =	srdreg.scid  }
0x2: {  	s7 =	stileid.u32;
	s4 =	sand.u32 $0x1, s3  }
0x3: {  	s0 =	rddreg [dreg:$0x0];
	s25 =	sshll.u32 s7, $0x7;
	s5 =	sshll.u32 s4, $0x6  }
0x4: {  	s1 =	rddreg [dreg:$0x1];
	s2 =	simm.s32 $0x0;
	s3 =	sor.u32 s5, s25  }
0x5: {  	[smem:$0x7FF] =	sst s2;
	s6 =	sadd.s32 s3, s0  }
0x6: {  	s16 =	smul.u32 $0x68000, s7;
	s7 =	simm.s32 $0x10;
	s9 =	sadd.s32 $0x600, s6  }
0x7: {  	_ =	strace $0x80000047;
	s10 =	sadd.s32 $0xE00, s6;
	[dreg:$0x3] =	wrdreg s9  }
0x8: {  	s26 =	ssub.s32 $0x2, s4;
	s11 =	sadd.s32 $0x1600, s6;
	[dreg:$0x4] =	wrdreg s10  }
0x9: {  	s4 =	smul.u32 $0x34000, s4;
	s12 =	sadd.s32 $0x1E00, s6;
	[dreg:$0x5] =	wrdreg s11  }
0xa: {  	s8 =	sshrl.u32 s26, $0x1;
	s13 =	sadd.s32 $0x2600, s6;
	[dreg:$0x6] =	wrdreg s12  }
0xb: {  	s5 =	simm.s32 $0x80;
	s14 =	sadd.s32 $0x2E00, s6;
	[dreg:$0x7] =	wrdreg s13  }
0xc: {  	s3 =	sadd.s32 $0x27ACA00, s0;
	s15 =	sadd.s32 $0x3600, s6;
	[dreg:$0x8] =	wrdreg s14  }
0xd: {  	s0 =	ssub.s32 s26, s8;
	s17 =	sadd.s32 $0x3E00, s6;
	[dreg:$0x9] =	wrdreg s15  }
0xe: {  	s4 =	sadd.s32 s4, s16;
	s18 =	sadd.s32 $0x4600, s6;
	[dreg:$0xa] =	wrdreg s17  }
0xf: {  	s8 =	simm.s32 $0x1A0;
	s19 =	sadd.s32 $0x4E00, s6;
	[dreg:$0xb] =	wrdreg s18  }
0x10: {  	s20 =	sadd.s32 $0x5600, s6;
	s21 =	sadd.s32 $0x5E00, s6;
	[dreg:$0xc] =	wrdreg s19  }
0x11: {  	s22 =	sadd.s32 $0x6600, s6;
	s23 =	sadd.s32 $0x6E00, s6;
	[dreg:$0xd] =	wrdreg s20  }
0x12: {  	s24 =	sadd.s32 $0x7600, s6;
	s25 =	sadd.s32 $0x7E00, s6;
	[dreg:$0xe] =	wrdreg s21  }
0x13: {  	s4 =	sshrl.u32 s4, $0x3;
	s26 =	sadd.s32 $0x8600, s6;
	[dreg:$0xf] =	wrdreg s22  }
0x14: {  	s28 =	sadd.s32 $0xB600, s6;
	s29 =	sadd.s32 $0xBE00, s6;
	[dreg:$0x10] =	wrdreg s23  }
0x15: {  	s30 =	sadd.s32 $0xC600, s6;
	s31 =	sadd.s32 $0xCE00, s6;
	[dreg:$0x11] =	wrdreg s24  }
.Ltmp0:
0x16: {  	s0 =	smax.u32 s0, $0x1;
	[dreg:$0x12] =	wrdreg s25;
	(pc) =	sbr.rel .LBB2_1-.Ltmp0, $4  }
0x17: {  	[dreg:$0x13] =	wrdreg s26;
	s21 =	sadd.s32 $0x8E00, s6;
	s14 =	sadd.s32 s4, s1  }
0x18: {  	s23 =	sadd.s32 $0x9600, s6;
	s24 =	sadd.s32 $0x9E00, s6;
	s25 =	sadd.s32 $0xA600, s6  }
0x19: {  	s26 =	sadd.s32 $0xAE00, s6;
	s1 =	simm.s32 $0x200;
	s4 =	simm.s32 $0x1  }
0x1a: {  	s6 =	simm.s32 $0x2;
	s9 =	simm.s32 $0x3;
	s10 =	simm.s32 $0x0  }
.LBB2_5:
0x1b: {  	s10 =	sadd.s32 $0x1, s10  }
0x1c: {  	_ =	swait.ge [sflag:s9], $0x2000;
	p0 =	sne.s32 s10, s0  }
.Ltmp1:
0x1d: {  	[sflag:s9] =	ssyncset.done $0x0;
	(pc) =	sbr.rel @!p0 .LBB2_6-.Ltmp1, $4  }
0x1e: {  	[sflag:s9] =	ssyncadd.s32 $0xFFFFE000  }
0x1f: {  	_ =	swait.ge [sflag:s9], $0x2000  }
0x20: {  	[sflag:s9] =	ssyncset.done $0x0  }
0x21: {  	[sflag:s9] =	ssyncadd.s32 $0xFFFFE000  }
.LBB2_1:
0x22: {  	s11 =	rddreg [dreg:$0x3]  }
0x23: {  	[tilespmem:s2], [sflag:$0x1] =	stream.linear.gather [hbm4b:s11+s2], $0x200, $0x38;
	[tilespmem:$0xB400] =	vst v63  }
0x24: {  	s20 =	rddreg [dreg:$0x4]  }
0x25: {  	[tilespmem:s1], [sflag:$0x1] =	stream.linear.gather [hbm4b:s20+s2], $0x200, $0x38;
	[tilespmem:$0xB400] =	vst v63  }
0x26: {  	s22 =	rddreg [dreg:$0x5];
	s12 =	simm.s32 $0x400  }
0x27: {  	[tilespmem:s12], [sflag:$0x1] =	stream.linear.gather [hbm4b:s22+s2], $0x200, $0x38;
	[tilespmem:$0xB400] =	vst v63  }
0x28: {  	s13 =	rddreg [dreg:$0x6];
	s15 =	simm.s32 $0x600  }
0x29: {  	[tilespmem:s15], [sflag:$0x1] =	stream.linear.gather [hbm4b:s13+s2], $0x200, $0x38;
	[tilespmem:$0xB400] =	vst v63  }
0x2a: {  	s16 =	rddreg [dreg:$0x7];
	s17 =	simm.s32 $0x800  }
0x2b: {  	[tilespmem:s17], [sflag:$0x1] =	stream.linear.gather [hbm4b:s16+s2], $0x200, $0x38;
	[tilespmem:$0xB400] =	vst v63  }
0x2c: {  	s18 =	rddreg [dreg:$0x8];
	s19 =	simm.s32 $0xA00  }
0x2d: {  	[tilespmem:s19], [sflag:$0x1] =	stream.linear.gather [hbm4b:s18+s2], $0x200, $0x38;
	[tilespmem:$0xB400] =	vst v63  }
0x2e: {  	s20 =	rddreg [dreg:$0x9];
	s22 =	simm.s32 $0xC00  }
0x2f: {  	[tilespmem:s22], [sflag:$0x1] =	stream.linear.gather [hbm4b:s20+s2], $0x200, $0x38;
	[tilespmem:$0xB400] =	vst v63  }
0x30: {  	s13 =	rddreg [dreg:$0xa];
	s15 =	simm.s32 $0xE00  }
0x31: {  	[tilespmem:s15], [sflag:$0x1] =	stream.linear.gather [hbm4b:s13+s2], $0x200, $0x38;
	[tilespmem:$0xB400] =	vst v63  }
0x32: {  	s16 =	rddreg [dreg:$0xb];
	s17 =	simm.s32 $0x1000  }
0x33: {  	[tilespmem:s17], [sflag:$0x1] =	stream.linear.gather [hbm4b:s16+s2], $0x200, $0x38;
	[tilespmem:$0xB400] =	vst v63  }
0x34: {  	s18 =	rddreg [dreg:$0xc];
	s19 =	simm.s32 $0x1200  }
0x35: {  	[tilespmem:s19], [sflag:$0x1] =	stream.linear.gather [hbm4b:s18+s2], $0x200, $0x38;
	[tilespmem:$0xB400] =	vst v63  }
0x36: {  	s20 =	rddreg [dreg:$0xd];
	s22 =	simm.s32 $0x1400  }
0x37: {  	[tilespmem:s22], [sflag:$0x1] =	stream.linear.gather [hbm4b:s20+s2], $0x200, $0x38;
	[tilespmem:$0xB400] =	vst v63  }
0x38: {  	s13 =	rddreg [dreg:$0xe];
	s15 =	simm.s32 $0x1600  }
0x39: {  	[tilespmem:s15], [sflag:$0x1] =	stream.linear.gather [hbm4b:s13+s2], $0x200, $0x38;
	[tilespmem:$0xB400] =	vst v63  }
0x3a: {  	s16 =	rddreg [dreg:$0xf];
	s17 =	simm.s32 $0x1800  }
0x3b: {  	[tilespmem:s17], [sflag:$0x1] =	stream.linear.gather [hbm4b:s16+s2], $0x200, $0x38;
	[tilespmem:$0xB400] =	vst v63  }
0x3c: {  	s18 =	rddreg [dreg:$0x10];
	s19 =	simm.s32 $0x1A00  }
0x3d: {  	[tilespmem:s19], [sflag:$0x1] =	stream.linear.gather [hbm4b:s18+s2], $0x200, $0x38;
	[tilespmem:$0xB400] =	vst v63  }
0x3e: {  	s20 =	rddreg [dreg:$0x11];
	s22 =	simm.s32 $0x1C00  }
0x3f: {  	[tilespmem:s22], [sflag:$0x1] =	stream.linear.gather [hbm4b:s20+s2], $0x200, $0x38;
	[tilespmem:$0xB400] =	vst v63  }
0x40: {  	s13 =	rddreg [dreg:$0x12];
	s15 =	simm.s32 $0x1E00  }
0x41: {  	[tilespmem:s15], [sflag:$0x1] =	stream.linear.gather [hbm4b:s13+s2], $0x200, $0x38;
	[tilespmem:$0xB400] =	vst v63  }
0x42: {  	s16 =	rddreg [dreg:$0x13];
	s17 =	simm.s32 $0x2000  }
0x43: {  	[tilespmem:s17], [sflag:$0x1] =	stream.linear.gather [hbm4b:s16+s2], $0x200, $0x38;
	[tilespmem:$0xB400] =	vst v63  }
0x44: {  	s18 =	simm.s32 $0x2200  }
0x45: {  	[tilespmem:s18], [sflag:$0x1] =	stream.linear.gather [hbm4b:s21+s2], $0x200, $0x38;
	[tilespmem:$0xB400] =	vst v63  }
0x46: {  	s19 =	simm.s32 $0x2400  }
0x47: {  	[tilespmem:s19], [sflag:$0x1] =	stream.linear.gather [hbm4b:s23+s2], $0x200, $0x38;
	[tilespmem:$0xB400] =	vst v63  }
0x48: {  	s20 =	simm.s32 $0x2600  }
0x49: {  	[tilespmem:s20], [sflag:$0x1] =	stream.linear.gather [hbm4b:s24+s2], $0x200, $0x38;
	[tilespmem:$0xB400] =	vst v63  }
0x4a: {  	s22 =	simm.s32 $0x2800  }
0x4b: {  	[tilespmem:s22], [sflag:$0x1] =	stream.linear.gather [hbm4b:s25+s2], $0x200, $0x38;
	[tilespmem:$0xB400] =	vst v63  }
0x4c: {  	s12 =	simm.s32 $0x2A00  }
0x4d: {  	[tilespmem:s12], [sflag:$0x1] =	stream.linear.gather [hbm4b:s26+s2], $0x200, $0x38;
	[tilespmem:$0xB400] =	vst v63  }
0x4e: {  	s13 =	simm.s32 $0x2C00  }
0x4f: {  	[tilespmem:s13], [sflag:$0x1] =	stream.linear.gather [hbm4b:s28+s2], $0x200, $0x38;
	[tilespmem:$0xB400] =	vst v63  }
0x50: {  	s15 =	simm.s32 $0x2E00  }
0x51: {  	[tilespmem:s15], [sflag:$0x1] =	stream.linear.gather [hbm4b:s29+s2], $0x200, $0x38;
	[tilespmem:$0xB400] =	vst v63  }
0x52: {  	s16 =	simm.s32 $0x3000  }
0x53: {  	[tilespmem:s16], [sflag:$0x1] =	stream.linear.gather [hbm4b:s30+s2], $0x200, $0x38;
	[tilespmem:$0xB400] =	vst v63  }
0x54: {  	s17 =	simm.s32 $0x3200  }
0x55: {  	[tilespmem:s17], [sflag:$0x1] =	stream.linear.gather [hbm4b:s31+s2], $0x200, $0x38;
	[tilespmem:$0xB400] =	vst v63  }
0x56: {  	_ =	swait.ge [sflag:s4], $0x200  }
0x57: {  	[sflag:s4] =	ssyncset.done $0x0  }
0x58: {  	[sflag:s4] =	ssyncadd.s32 $0xFFFFFE00  }
0x59: {  	_ =	swait.ge [sflag:s4], $0x200  }
0x5a: {  	[sflag:s4] =	ssyncset.done $0x0  }
0x5b: {  	[sflag:s4] =	ssyncadd.s32 $0xFFFFFE00  }
0x5c: {  	_ =	swait.ge [sflag:s4], $0x200  }
0x5d: {  	[sflag:s4] =	ssyncset.done $0x0  }
0x5e: {  	[sflag:s4] =	ssyncadd.s32 $0xFFFFFE00  }
0x5f: {  	_ =	swait.ge [sflag:s4], $0x200  }
0x60: {  	[sflag:s4] =	ssyncset.done $0x0  }
0x61: {  	[sflag:s4] =	ssyncadd.s32 $0xFFFFFE00  }
0x62: {  	_ =	swait.ge [sflag:s4], $0x200  }
0x63: {  	[sflag:s4] =	ssyncset.done $0x0  }
0x64: {  	[sflag:s4] =	ssyncadd.s32 $0xFFFFFE00  }
0x65: {  	_ =	swait.ge [sflag:s4], $0x200  }
0x66: {  	[sflag:s4] =	ssyncset.done $0x0  }
0x67: {  	[sflag:s4] =	ssyncadd.s32 $0xFFFFFE00  }
0x68: {  	_ =	swait.ge [sflag:s4], $0x200  }
0x69: {  	[sflag:s4] =	ssyncset.done $0x0  }
0x6a: {  	[sflag:s4] =	ssyncadd.s32 $0xFFFFFE00  }
0x6b: {  	_ =	swait.ge [sflag:s4], $0x200  }
0x6c: {  	[sflag:s4] =	ssyncset.done $0x0  }
0x6d: {  	[sflag:s4] =	ssyncadd.s32 $0xFFFFFE00  }
0x6e: {  	_ =	swait.ge [sflag:s4], $0x200  }
0x6f: {  	[sflag:s4] =	ssyncset.done $0x0  }
0x70: {  	[sflag:s4] =	ssyncadd.s32 $0xFFFFFE00  }
0x71: {  	_ =	swait.ge [sflag:s4], $0x200  }
0x72: {  	[sflag:s4] =	ssyncset.done $0x0  }
0x73: {  	[sflag:s4] =	ssyncadd.s32 $0xFFFFFE00  }
0x74: {  	_ =	swait.ge [sflag:s4], $0x200  }
0x75: {  	[sflag:s4] =	ssyncset.done $0x0  }
0x76: {  	[sflag:s4] =	ssyncadd.s32 $0xFFFFFE00  }
0x77: {  	_ =	swait.ge [sflag:s4], $0x200  }
0x78: {  	[sflag:s4] =	ssyncset.done $0x0  }
0x79: {  	[sflag:s4] =	ssyncadd.s32 $0xFFFFFE00  }
0x7a: {  	_ =	swait.ge [sflag:s4], $0x200  }
0x7b: {  	[sflag:s4] =	ssyncset.done $0x0  }
0x7c: {  	[sflag:s4] =	ssyncadd.s32 $0xFFFFFE00  }
0x7d: {  	_ =	swait.ge [sflag:s4], $0x200  }
0x7e: {  	[sflag:s4] =	ssyncset.done $0x0  }
0x7f: {  	[sflag:s4] =	ssyncadd.s32 $0xFFFFFE00  }
0x80: {  	_ =	swait.ge [sflag:s4], $0x200  }
0x81: {  	[sflag:s4] =	ssyncset.done $0x0  }
0x82: {  	[sflag:s4] =	ssyncadd.s32 $0xFFFFFE00  }
0x83: {  	_ =	swait.ge [sflag:s4], $0x200  }
0x84: {  	[sflag:s4] =	ssyncset.done $0x0  }
0x85: {  	[sflag:s4] =	ssyncadd.s32 $0xFFFFFE00  }
0x86: {  	_ =	swait.ge [sflag:s4], $0x200  }
0x87: {  	[sflag:s4] =	ssyncset.done $0x0  }
0x88: {  	[sflag:s4] =	ssyncadd.s32 $0xFFFFFE00  }
0x89: {  	_ =	swait.ge [sflag:s4], $0x200  }
0x8a: {  	[sflag:s4] =	ssyncset.done $0x0  }
0x8b: {  	[sflag:s4] =	ssyncadd.s32 $0xFFFFFE00  }
0x8c: {  	_ =	swait.ge [sflag:s4], $0x200  }
0x8d: {  	[sflag:s4] =	ssyncset.done $0x0  }
0x8e: {  	[sflag:s4] =	ssyncadd.s32 $0xFFFFFE00  }
0x8f: {  	_ =	swait.ge [sflag:s4], $0x200  }
0x90: {  	[sflag:s4] =	ssyncset.done $0x0  }
0x91: {  	[sflag:s4] =	ssyncadd.s32 $0xFFFFFE00  }
0x92: {  	_ =	swait.ge [sflag:s4], $0x200  }
0x93: {  	[sflag:s4] =	ssyncset.done $0x0  }
0x94: {  	[sflag:s4] =	ssyncadd.s32 $0xFFFFFE00  }
0x95: {  	_ =	swait.ge [sflag:s4], $0x200  }
0x96: {  	[sflag:s4] =	ssyncset.done $0x0  }
0x97: {  	[sflag:s4] =	ssyncadd.s32 $0xFFFFFE00  }
0x98: {  	_ =	swait.ge [sflag:s4], $0x200  }
0x99: {  	[sflag:s4] =	ssyncset.done $0x0  }
0x9a: {  	[sflag:s4] =	ssyncadd.s32 $0xFFFFFE00  }
0x9b: {  	_ =	swait.ge [sflag:s4], $0x200  }
0x9c: {  	[sflag:s4] =	ssyncset.done $0x0  }
0x9d: {  	[sflag:s4] =	ssyncadd.s32 $0xFFFFFE00  }
0x9e: {  	_ =	swait.ge [sflag:s4], $0x200  }
0x9f: {  	[sflag:s4] =	ssyncset.done $0x0  }
0xa0: {  	[sflag:s4] =	ssyncadd.s32 $0xFFFFFE00  }
0xa1: {  	_ =	swait.ge [sflag:s4], $0x200  }
0xa2: {  	[sflag:s4] =	ssyncset.done $0x0  }
0xa3: {  	s18 =	simm.s32 $0x3400;
	[sflag:s4] =	ssyncadd.s32 $0xFFFFFE00  }
0xa4: {  	[tilespmem:s18], [sflag:$0x2] =	stream.indirect.gather [hbm4b:s3+s5], $0x10, s2, s5, $0xb8;
	[tilespmem:$0xB400] =	vst v63  }
0xa5: {  	s19 =	simm.s32 $0x3C00  }
0xa6: {  	[tilespmem:s19], [sflag:$0x2] =	stream.indirect.gather [hbm4b:s3+s5], $0x10, s5, s5, $0xb8;
	[tilespmem:$0xB400] =	vst v63  }
0xa7: {  	s20 =	simm.s32 $0x100;
	s22 =	simm.s32 $0x4400  }
0xa8: {  	[tilespmem:s22], [sflag:$0x2] =	stream.indirect.gather [hbm4b:s3+s5], $0x10, s20, s5, $0xb8;
	[tilespmem:$0xB400] =	vst v63  }
0xa9: {  	s12 =	simm.s32 $0x180;
	s13 =	simm.s32 $0x4C00  }
0xaa: {  	[tilespmem:s13], [sflag:$0x2] =	stream.indirect.gather [hbm4b:s3+s5], $0x10, s12, s5, $0xb8;
	[tilespmem:$0xB400] =	vst v63  }
0xab: {  	v0 =	vld [tilespmem:$0x200]  }
0xac: {  	v1 =	vld [tilespmem:$0x210]  }
0xad: {  	v2 =	vld [tilespmem:$0x220]  }
0xae: {  	v3 =	vld [tilespmem:$0x230]  }
0xaf: {  	v4 =	vld [tilespmem:$0x240]  }
0xb0: {  	v5 =	vld [tilespmem:$0x250];
	v0 =	vadd.s32 $0x186A0, v0  }
0xb1: {  	v8 =	vld [tilespmem:$0x260];
	v7 =	vadd.s32 $0x186A0, v1;
	[tilespmem:$0x200] =	vst v0  }
0xb2: {  	v10 =	vld [tilespmem:$0x270];
	v9 =	vadd.s32 $0x186A0, v2;
	[tilespmem:$0x210] =	vst v7  }
0xb3: {  	v12 =	vld [tilespmem:$0x280];
	v11 =	vadd.s32 $0x186A0, v3;
	[tilespmem:$0x220] =	vst v9  }
0xb4: {  	v14 =	vld [tilespmem:$0x290];
	v13 =	vadd.s32 $0x186A0, v4;
	[tilespmem:$0x230] =	vst v11  }
0xb5: {  	v16 =	vld [tilespmem:$0x2A0];
	v15 =	vadd.s32 $0x186A0, v5;
	[tilespmem:$0x240] =	vst v13  }
0xb6: {  	v18 =	vld [tilespmem:$0x2B0];
	v17 =	vadd.s32 $0x186A0, v8;
	[tilespmem:$0x250] =	vst v15  }
0xb7: {  	v20 =	vld [tilespmem:$0x2C0];
	v19 =	vadd.s32 $0x186A0, v10;
	[tilespmem:$0x260] =	vst v17  }
0xb8: {  	v22 =	vld [tilespmem:$0x2D0];
	v21 =	vadd.s32 $0x186A0, v12;
	[tilespmem:$0x270] =	vst v19  }
0xb9: {  	v24 =	vld [tilespmem:$0x2E0];
	v23 =	vadd.s32 $0x186A0, v14;
	[tilespmem:$0x280] =	vst v21  }
0xba: {  	v26 =	vld [tilespmem:$0x2F0];
	v25 =	vadd.s32 $0x186A0, v16;
	[tilespmem:$0x290] =	vst v23  }
0xbb: {  	v28 =	vld [tilespmem:$0x300];
	v27 =	vadd.s32 $0x186A0, v18;
	[tilespmem:$0x2A0] =	vst v25  }
0xbc: {  	v30 =	vld [tilespmem:$0x310];
	v29 =	vadd.s32 $0x186A0, v20;
	[tilespmem:$0x2B0] =	vst v27  }
0xbd: {  	v32 =	vld [tilespmem:$0x320];
	v31 =	vadd.s32 $0x186A0, v22;
	[tilespmem:$0x2C0] =	vst v29  }
0xbe: {  	v34 =	vld [tilespmem:$0x330];
	v33 =	vadd.s32 $0x186A0, v24;
	[tilespmem:$0x2D0] =	vst v31  }
0xbf: {  	v36 =	vld [tilespmem:$0x340];
	v35 =	vadd.s32 $0x186A0, v26;
	[tilespmem:$0x2E0] =	vst v33  }
0xc0: {  	v38 =	vld [tilespmem:$0x350];
	v37 =	vadd.s32 $0x186A0, v28;
	[tilespmem:$0x2F0] =	vst v35  }
0xc1: {  	v40 =	vld [tilespmem:$0x360];
	v39 =	vadd.s32 $0x186A0, v30;
	[tilespmem:$0x300] =	vst v37  }
0xc2: {  	v42 =	vld [tilespmem:$0x370];
	v41 =	vadd.s32 $0x186A0, v32;
	[tilespmem:$0x310] =	vst v39  }
0xc3: {  	v44 =	vld [tilespmem:$0x380];
	v43 =	vadd.s32 $0x186A0, v34;
	[tilespmem:$0x320] =	vst v41  }
0xc4: {  	v46 =	vld [tilespmem:$0x390];
	v45 =	vadd.s32 $0x186A0, v36;
	[tilespmem:$0x330] =	vst v43  }
0xc5: {  	v48 =	vld [tilespmem:$0x3A0];
	v47 =	vadd.s32 $0x186A0, v38;
	[tilespmem:$0x340] =	vst v45  }
0xc6: {  	v50 =	vld [tilespmem:$0x3B0];
	v49 =	vadd.s32 $0x186A0, v40;
	[tilespmem:$0x350] =	vst v47  }
0xc7: {  	v52 =	vld [tilespmem:$0x3C0];
	v51 =	vadd.s32 $0x186A0, v42;
	[tilespmem:$0x360] =	vst v49  }
0xc8: {  	v54 =	vld [tilespmem:$0x3D0];
	v53 =	vadd.s32 $0x186A0, v44;
	[tilespmem:$0x370] =	vst v51  }
0xc9: {  	v56 =	vld [tilespmem:$0x3E0];
	v55 =	vadd.s32 $0x186A0, v46;
	[tilespmem:$0x380] =	vst v53  }
0xca: {  	v58 =	vld [tilespmem:$0x3F0];
	v57 =	vadd.s32 $0x186A0, v48;
	[tilespmem:$0x390] =	vst v55  }
0xcb: {  	v59 =	vadd.s32 $0x186A0, v50;
	[tilespmem:$0x3A0] =	vst v57  }
0xcc: {  	v60 =	vadd.s32 $0x186A0, v52;
	[tilespmem:$0x3B0] =	vst v59  }
0xcd: {  	v61 =	vadd.s32 $0x186A0, v54;
	[tilespmem:$0x3C0] =	vst v60  }
0xce: {  	v62 =	vadd.s32 $0x186A0, v56;
	[tilespmem:$0x3D0] =	vst v61  }
0xcf: {  	v63 =	vadd.s32 $0x186A0, v58;
	[tilespmem:$0x3E0] =	vst v62  }
0xd0: {  	s11 =	simm.s32 $0x30D40;
	s15 =	simm.s32 $0x5400;
	[tilespmem:$0x3F0] =	vst v63  }
0xd1: {  	[tilespmem:s15], [sflag:$0x2] =	stream.indirect.gather [hbm4b:s3+s5], $0x10, s1, s5, $0xb8;
	[tilespmem:$0xB400] =	vst v63  }
0xd2: {  	s16 =	simm.s32 $0x280;
	s17 =	simm.s32 $0x5C00;
	s18 =	simm.s32 $0x300  }
0xd3: {  	[tilespmem:s17], [sflag:$0x2] =	stream.indirect.gather [hbm4b:s3+s5], $0x10, s16, s5, $0xb8;
	[tilespmem:$0xB400] =	vst v63  }
.Ltmp2:
0xd4: {  	s19 =	simm.s32 $0x6400;
	s20 =	simm.s32 $0x380;
	(pc) =	sbr.rel .LBB2_2-.Ltmp2, $4  }
0xd5: {  	[tilespmem:s19], [sflag:$0x2] =	stream.indirect.gather [hbm4b:s3+s5], $0x10, s18, s5, $0xb8;
	[tilespmem:$0xB400] =	vst v63  }
0xd6: {  	s22 =	simm.s32 $0x6C00;
	s12 =	simm.s32 $0x4000;
	s13 =	simm.s32 $0x0  }
0xd7: {  	[tilespmem:s22], [sflag:$0x2] =	stream.indirect.gather [hbm4b:s3+s5], $0x10, s20, s5, $0xb8;
	[tilespmem:$0xB400] =	vst v63  }
0xd8: {  	s15 =	simm.s32 $0x0;
	s16 =	simm.s32 $0x0;
	s22 =	smov.u32 s14  }
.LBB2_4:
0xd9: {  	_ =	swait.ge [sflag:s6], $0x800  }
0xda: {  	[sflag:s6] =	ssyncset.done $0x0  }
0xdb: {  	[sflag:s6] =	ssyncadd.s32 $0xFFFFF800  }
0xdc: {  	_ =	swait.ge [sflag:s6], $0x800  }
0xdd: {  	[sflag:s6] =	ssyncset.done $0x0  }
0xde: {  	[sflag:s6] =	ssyncadd.s32 $0xFFFFF800  }
0xdf: {  	_ =	swait.ge [sflag:s6], $0x800  }
0xe0: {  	s15 =	sadd.s32 $0x800, s15;
	[sflag:s6] =	ssyncset.done $0x0  }
0xe1: {  	p0 =	sne.s32 s15, $0xD000;
	[sflag:s6] =	ssyncadd.s32 $0xFFFFF800  }
.Ltmp3:
0xe2: {  	s17 =	sand.u32 $0x18000, s13;
	_ =	swait.ge [sflag:s6], $0x800;
	(pc) =	sbr.rel @!p0 .LBB2_5-.Ltmp3, $4  }
0xe3: {  	s16 =	sadd.s32 $0x1, s16;
	s17 =	sshrl.u32 s17, $0x2;
	[sflag:s6] =	ssyncset.done $0x0  }
0xe4: {  	s13 =	sadd.s32 $0x8000, s13;
	s17 =	sadd.s32 $0x3400, s17;
	[sflag:s6] =	ssyncadd.s32 $0xFFFFF800  }
0xe5: {  	[hbm4b:s22+s7] =	stream.strided.scatter [tilespmem:s17], [sflag:$0x3], $0x2000, s8, s7, $0x38;
	[tilespmem:$0xB400] =	vst v63  }
0xe6: {  	s11 =	sadd.s32 $0x186A0, s11;
	s12 =	sadd.s32 $0x2000, s12;
	s22 =	sadd.s32 $0x2, s22  }
.LBB2_2:
0xe7: {  	p0 =	slt.u32 s16, $0x2  }
0xe8: {  	p1 =	sgt.u32 @!p0 s16, $0x17  }
0xe9: {  	p1 =	por p0, !p1  }
.Ltmp4:
0xea: {  	_ = 	snop;
	(pc) =	sbr.rel @!p1 .LBB2_4-.Ltmp4, $4  }
0xeb: {  	s17 =	simm.s32 @!p0 $0x3  }
0xec: {  	_ =	swait.ge @!p0 [sflag:s17], $0x2000  }
0xed: {  	[sflag:s17] =	ssyncset.done @!p0 $0x0  }
0xee: {  	[sflag:s17] =	ssyncadd.s32 @!p0 $0xFFFFE000  }
0xef: {  	s17 =	sshra.s32 s15, $0x2  }
0xf0: {  	v0 =	vld [tilespmem:s17+$0x400]  }
0xf1: {  	v1 =	vld [tilespmem:s17+$0x410]  }
0xf2: {  	v2 =	vld [tilespmem:s17+$0x420]  }
0xf3: {  	v3 =	vld [tilespmem:s17+$0x430]  }
0xf4: {  	v4 =	vld [tilespmem:s17+$0x440]  }
0xf5: {  	v5 =	vld [tilespmem:s17+$0x450];
	v0 =	vadd.s32 s11, v0  }
0xf6: {  	v8 =	vld [tilespmem:s17+$0x460];
	v7 =	vadd.s32 s11, v1;
	[tilespmem:s17+$0x400] =	vst v0  }
0xf7: {  	v10 =	vld [tilespmem:s17+$0x470];
	v9 =	vadd.s32 s11, v2;
	[tilespmem:s17+$0x410] =	vst v7  }
0xf8: {  	v12 =	vld [tilespmem:s17+$0x480];
	v11 =	vadd.s32 s11, v3;
	[tilespmem:s17+$0x420] =	vst v9  }
0xf9: {  	v14 =	vld [tilespmem:s17+$0x490];
	v13 =	vadd.s32 s11, v4;
	[tilespmem:s17+$0x430] =	vst v11  }
0xfa: {  	v16 =	vld [tilespmem:s17+$0x4A0];
	v15 =	vadd.s32 s11, v5;
	[tilespmem:s17+$0x440] =	vst v13  }
0xfb: {  	v18 =	vld [tilespmem:s17+$0x4B0];
	v17 =	vadd.s32 s11, v8;
	[tilespmem:s17+$0x450] =	vst v15  }
0xfc: {  	v20 =	vld [tilespmem:s17+$0x4C0];
	v19 =	vadd.s32 s11, v10;
	[tilespmem:s17+$0x460] =	vst v17  }
0xfd: {  	v22 =	vld [tilespmem:s17+$0x4D0];
	v21 =	vadd.s32 s11, v12;
	[tilespmem:s17+$0x470] =	vst v19  }
0xfe: {  	v24 =	vld [tilespmem:s17+$0x4E0];
	v23 =	vadd.s32 s11, v14;
	[tilespmem:s17+$0x480] =	vst v21  }
0xff: {  	v26 =	vld [tilespmem:s17+$0x4F0];
	v25 =	vadd.s32 s11, v16;
	[tilespmem:s17+$0x490] =	vst v23  }
0x100: {  	v28 =	vld [tilespmem:s17+$0x500];
	v27 =	vadd.s32 s11, v18;
	[tilespmem:s17+$0x4A0] =	vst v25  }
0x101: {  	v30 =	vld [tilespmem:s17+$0x510];
	v29 =	vadd.s32 s11, v20;
	[tilespmem:s17+$0x4B0] =	vst v27  }
0x102: {  	v32 =	vld [tilespmem:s17+$0x520];
	v31 =	vadd.s32 s11, v22;
	[tilespmem:s17+$0x4C0] =	vst v29  }
0x103: {  	v34 =	vld [tilespmem:s17+$0x530];
	v33 =	vadd.s32 s11, v24;
	[tilespmem:s17+$0x4D0] =	vst v31  }
0x104: {  	v36 =	vld [tilespmem:s17+$0x540];
	v35 =	vadd.s32 s11, v26;
	[tilespmem:s17+$0x4E0] =	vst v33  }
0x105: {  	v38 =	vld [tilespmem:s17+$0x550];
	v37 =	vadd.s32 s11, v28;
	[tilespmem:s17+$0x4F0] =	vst v35  }
0x106: {  	v40 =	vld [tilespmem:s17+$0x560];
	v39 =	vadd.s32 s11, v30;
	[tilespmem:s17+$0x500] =	vst v37  }
0x107: {  	v42 =	vld [tilespmem:s17+$0x570];
	v41 =	vadd.s32 s11, v32;
	[tilespmem:s17+$0x510] =	vst v39  }
0x108: {  	v44 =	vld [tilespmem:s17+$0x580];
	v43 =	vadd.s32 s11, v34;
	[tilespmem:s17+$0x520] =	vst v41  }
0x109: {  	v46 =	vld [tilespmem:s17+$0x590];
	v45 =	vadd.s32 s11, v36;
	[tilespmem:s17+$0x530] =	vst v43  }
0x10a: {  	v48 =	vld [tilespmem:s17+$0x5A0];
	v47 =	vadd.s32 s11, v38;
	[tilespmem:s17+$0x540] =	vst v45  }
0x10b: {  	v50 =	vld [tilespmem:s17+$0x5B0];
	v49 =	vadd.s32 s11, v40;
	[tilespmem:s17+$0x550] =	vst v47  }
0x10c: {  	v52 =	vld [tilespmem:s17+$0x5C0];
	v51 =	vadd.s32 s11, v42;
	[tilespmem:s17+$0x560] =	vst v49  }
0x10d: {  	v54 =	vld [tilespmem:s17+$0x5D0];
	v53 =	vadd.s32 s11, v44;
	[tilespmem:s17+$0x570] =	vst v51  }
0x10e: {  	v56 =	vld [tilespmem:s17+$0x5E0];
	v55 =	vadd.s32 s11, v46;
	[tilespmem:s17+$0x580] =	vst v53  }
0x10f: {  	v58 =	vld [tilespmem:s17+$0x5F0];
	v57 =	vadd.s32 s11, v48;
	[tilespmem:s17+$0x590] =	vst v55  }
0x110: {  	v59 =	vadd.s32 s11, v50;
	[tilespmem:s17+$0x5A0] =	vst v57  }
0x111: {  	v60 =	vadd.s32 s11, v52;
	[tilespmem:s17+$0x5B0] =	vst v59  }
0x112: {  	v61 =	vadd.s32 s11, v54;
	[tilespmem:s17+$0x5C0] =	vst v60  }
0x113: {  	v62 =	vadd.s32 s11, v56;
	[tilespmem:s17+$0x5D0] =	vst v61  }
0x114: {  	s18 =	sand.u32 $0x6000, s12;
	v63 =	vadd.s32 s11, v58;
	[tilespmem:s17+$0x5E0] =	vst v62  }
0x115: {  	s19 =	sadd.s32 $0x400, s17;
	s20 =	sadd.s32 $0x3400, s18;
	[tilespmem:s17+$0x5F0] =	vst v63  }
0x116: {  	[tilespmem:s20], [sflag:$0x2] =	stream.indirect.gather [hbm4b:s3+s5], $0x10, s19, s5, $0xb8;
	[tilespmem:$0xB400] =	vst v63  }
0x117: {  	s19 =	sadd.s32 $0x480, s17;
	s20 =	sadd.s32 $0x3C00, s18  }
0x118: {  	[tilespmem:s20], [sflag:$0x2] =	stream.indirect.gather [hbm4b:s3+s5], $0x10, s19, s5, $0xb8;
	[tilespmem:$0xB400] =	vst v63  }
.Ltmp5:
0x119: {  	_ = 	snop;
	(pc) =	sbr.rel .LBB2_4-.Ltmp5, $4  }
0x11a: {  	s19 =	sadd.s32 $0x500, s17;
	s20 =	sadd.s32 $0x4400, s18  }
0x11b: {  	[tilespmem:s20], [sflag:$0x2] =	stream.indirect.gather [hbm4b:s3+s5], $0x10, s19, s5, $0xb8;
	[tilespmem:$0xB400] =	vst v63  }
0x11c: {  	s17 =	sadd.s32 $0x580, s17;
	s18 =	sadd.s32 $0x4C00, s18  }
0x11d: {  	[tilespmem:s18], [sflag:$0x2] =	stream.indirect.gather [hbm4b:s3+s5], $0x10, s17, s5, $0xb8;
	[tilespmem:$0xB400] =	vst v63  }
.LBB2_6:
0x11e: {  	_ =	sfence.sel $0x180000  }
0x11f: {  	[bflag:$0x0] =	sbarrier.arrive $0xFFFF  }
0x120: {  	_ =	strace $0x90000047  }
0x121: {  	s0 =	stileid.u32;
	[bflag:$0x2] =	sbarrier.arrive $0xFFFF  }
0x122: {  	p0 =	sne.s32 s0, $0x0;
	s0 =	rddreg [dreg:$0x2]  }
0x123: {  	s0 =	sadd.s32 @!p0 $0x100000, s0  }
0x124: {  	[sflag:s0] =	ssyncadd.tile.s32 @!p0 $0x1;
	_ =	shalt  }
.Lfunc_end2:
_tile_overlayer_lowered:
.L_overlay_start_2:
0x125: {  	(tag) =	ssettag $0x2  }
0x126: {  	s0 =	rddreg [dreg:$0x0];
	s2 =	stileid.u32  }
0x127: {  	s1 =	rddreg [dreg:$0x1];
	p0 =	sne.s32 s2, $0x0  }
0x128: {  	s3 =	rddreg [dreg:$0x2];
	[bflag:$0x3] =	sbarrier.arrive $0xFFFF;
	s2 =	simm.s32 @!p0 $0x1C04  }
0x129: {  	[timem:s3], [sflag:s2] =	dma.local @!p0 [hbm:s0], s1  }
0x12a: {  	s0 =	simm.s32 @!p0 $0x4  }
0x12b: {  	_ =	swait.ge @!p0 [sflag:s0], s1  }
0x12c: {  	s1 =	ssub.s32 @!p0 $0x0, s1;
	[sflag:s0] =	ssyncset.done @!p0 $0x0  }
0x12d: {  	[sflag:s0] =	ssyncadd.s32 @!p0 s1  }
0x12e: {  	[bflag:$0x3] =	sbarrier.arrive $0xFFFF  }
0x12f: {  	_ =	shalt  }

</sc_bundles>
